<compile_context>
chip_gen: v7x
topology: tpu7x:2x2x1
jax: 0.10.2.dev20260603
libtpu: 0.0.44.dev20260713+nightly
codegen_flags: <defaults>
</compile_context>

<pallas_src>
import functools
import math

import jax
import jax.numpy as jnp
from jax import lax
from jax.experimental import pallas as pl
from jax.experimental.pallas import tpu as pltpu
from jax.experimental.pallas import tpu_sc as plsc

_BN_EPS = 1e-5
_NC = 2
_NS = 16
_NW = _NC * _NS
_CW = 64
_G = 64


@functools.lru_cache(maxsize=None)
def _make_sc_agg(n_acc, d, chunks_per_w):
    rows = n_acc // _NS
    p = 4
    n_stage = 4
    stage_w = chunks_per_w // n_stage
    mesh = plsc.VectorSubcoreMesh(core_axis_name="c", subcore_axis_name="s")

    @functools.partial(
        pl.kernel,
        mesh=mesh,
        out_type=jax.ShapeDtypeStruct((_NC, n_acc, d), jnp.float32),
        scratch_types=[
            pltpu.VMEM((stage_w, _CW), jnp.int32),
            pltpu.VMEM((stage_w, _CW), jnp.int32),
            pltpu.VMEM((p, _CW, d), jnp.float32),
            pltpu.VMEM_SHARED((n_acc, d), jnp.float32),
            pltpu.SemaphoreType.DMA((p,)),
        ],
    )
    def agg(h_hbm, src_hbm, dst_hbm, zero_hbm, out_hbm,
            src_v, dst_v, rows_v, acc_sh, gsem):
        c = lax.axis_index("c")
        s = lax.axis_index("s")
        wid = s * _NC + c
        pltpu.sync_copy(zero_hbm.at[pl.ds(s * rows, rows)],
                        acc_sh.at[pl.ds(s * rows, rows)])
        plsc.subcore_barrier()

        for si in range(n_stage):
            base = wid * chunks_per_w + si * stage_w
            pltpu.sync_copy(src_hbm.at[pl.ds(base, stage_w)], src_v)
            pltpu.sync_copy(dst_hbm.at[pl.ds(base, stage_w)], dst_v)

            def prime(j, carry):
                pltpu.async_copy(h_hbm.at[src_v.at[j]], rows_v.at[j],
                                 gsem.at[j])
                return carry

            lax.fori_loop(0, p, prime, 0)

            def step(j, carry):
                slot = lax.rem(j, p)
                pltpu.make_async_copy(h_hbm.at[src_v.at[j]], rows_v.at[slot],
                                      gsem.at[slot]).wait()
                pltpu.sync_copy(rows_v.at[slot], acc_sh.at[dst_v.at[j]],
                                add=True)

                @pl.when(j + p < stage_w)
                def _():
                    pltpu.async_copy(h_hbm.at[src_v.at[j + p]],
                                     rows_v.at[slot], gsem.at[slot])

                return carry

            lax.fori_loop(0, stage_w, step, 0)
        plsc.subcore_barrier()
        pltpu.sync_copy(acc_sh.at[pl.ds(s * rows, rows)],
                        out_hbm.at[c].at[pl.ds(s * rows, rows)])

    return agg


def _mlp_body(h_ref, a0_ref, a1_ref, eps_ref, w1_ref, b1_ref, w2_ref, b2_ref,
              o_ref):
    z = a0_ref[0] + a1_ref[0] + (1.0 + eps_ref[0]) * h_ref[...]
    z = jnp.maximum(z @ w1_ref[...] + b1_ref[...], 0.0)
    z = jnp.maximum(z @ w2_ref[...] + b2_ref[...], 0.0)
    o_ref[...] = z


def _mlp_pool_body(h_ref, a0_ref, a1_ref, eps_ref, w1_ref, b1_ref, w2_ref,
                   b2_ref, bat_ref, p1w_ref, p1b_ref, p2w_ref, p2b_ref,
                   o_ref, pool_ref):
    i = pl.program_id(0)
    nblk = pl.num_programs(0)
    z = a0_ref[0] + a1_ref[0] + (1.0 + eps_ref[0]) * h_ref[...]
    z = jnp.maximum(z @ w1_ref[...] + b1_ref[...], 0.0)
    z = jnp.maximum(z @ w2_ref[...] + b2_ref[...], 0.0)

    @pl.when(i == 0)
    def _():
        pool_ref[...] = jnp.zeros_like(pool_ref)

    b = bat_ref[0, 0]
    onehot = (b[:, None] == lax.broadcasted_iota(jnp.int32, (b.shape[0], _G),
                                                 1)).astype(jnp.float32)
    pool_ref[...] += lax.dot_general(onehot, z, (((0,), (0,)), ((), ())))

    @pl.when(i == nblk - 1)
    def _():
        p = pool_ref[...]
        t = jnp.maximum(p @ p1w_ref[...] + p1b_ref[...], 0.0)
        o_ref[...] = t @ p2w_ref[...] + p2b_ref[...]


def _tc_mlp(h, agg, eps, w1, b1, w2, b2, bm):
    n, d = h.shape
    h2 = w1.shape[1]
    nblk = n // bm
    return pl.pallas_call(
        _mlp_body,
        grid=(nblk,),
        in_specs=[
            pl.BlockSpec((bm, d), lambda i: (i, 0)),
            pl.BlockSpec((1, bm, d), lambda i: (0, i, 0)),
            pl.BlockSpec((1, bm, d), lambda i: (1, i, 0)),
            pl.BlockSpec(memory_space=pltpu.SMEM),
            pl.BlockSpec((d, h2), lambda i: (0, 0)),
            pl.BlockSpec((1, h2), lambda i: (0, 0)),
            pl.BlockSpec((h2, d), lambda i: (0, 0)),
            pl.BlockSpec((1, d), lambda i: (0, 0)),
        ],
        out_specs=pl.BlockSpec((bm, d), lambda i: (i, 0)),
        out_shape=jax.ShapeDtypeStruct((n, d), jnp.float32),
    )(h, agg, agg, eps, w1, b1, w2, b2)


def _tc_mlp_pool(h, agg, eps, w1, b1, w2, b2, bat3d, p1w, p1b, p2w, p2b, bm):
    n, d = h.shape
    h2 = w1.shape[1]
    out = p2w.shape[1]
    nblk = n // bm
    return pl.pallas_call(
        _mlp_pool_body,
        grid=(nblk,),
        in_specs=[
            pl.BlockSpec((bm, d), lambda i: (i, 0)),
            pl.BlockSpec((1, bm, d), lambda i: (0, i, 0)),
            pl.BlockSpec((1, bm, d), lambda i: (1, i, 0)),
            pl.BlockSpec(memory_space=pltpu.SMEM),
            pl.BlockSpec((d, h2), lambda i: (0, 0)),
            pl.BlockSpec((1, h2), lambda i: (0, 0)),
            pl.BlockSpec((h2, d), lambda i: (0, 0)),
            pl.BlockSpec((1, d), lambda i: (0, 0)),
            pl.BlockSpec((1, 1, bm), lambda i: (i, 0, 0)),
            pl.BlockSpec((d, d), lambda i: (0, 0)),
            pl.BlockSpec((1, d), lambda i: (0, 0)),
            pl.BlockSpec((d, out), lambda i: (0, 0)),
            pl.BlockSpec((1, out), lambda i: (0, 0)),
        ],
        out_specs=pl.BlockSpec((_G, out), lambda i: (0, 0)),
        out_shape=jax.ShapeDtypeStruct((_G, out), jnp.float32),
        scratch_shapes=[pltpu.VMEM((_G, d), jnp.float32)],
    )(h, agg, agg, eps, w1, b1, w2, b2, bat3d, p1w, p1b, p2w, p2b)


def kernel(x, edge_index, batch, params):
    n, d = x.shape
    e = edge_index.shape[1]
    c = math.sqrt(1.0 + _BN_EPS)
    bm = 2000

    e_pad = -(-e // (_NW * _CW * 8)) * (_NW * _CW * 8)
    chunks_per_w = e_pad // (_NW * _CW)
    npad = e_pad - e
    n_acc = -(-n // 128) * 128
    src = edge_index[0]
    dst = edge_index[1]
    if npad:
        fill = jnp.arange(npad, dtype=jnp.int32)
        src = jnp.concatenate([src, (fill * 7) % n])
        dst = jnp.concatenate([dst, n + (fill % (n_acc - n))])
    src2d = src.reshape(_NW * chunks_per_w, _CW)
    dst2d = dst.reshape(_NW * chunks_per_w, _CW)
    zeros = jnp.zeros((n_acc, d), jnp.float32)
    bat3d = batch.reshape(n // bm, 1, bm)

    sc_agg = _make_sc_agg(n_acc, d, chunks_per_w)

    h = x
    nl = len(params["layers"])
    for li, lp in enumerate(params["layers"]):
        agg = sc_agg(h, src2d, dst2d, zeros)
        s1 = lp["g1"] / c
        w1 = lp["W1"] * s1[None, :]
        b1 = (lp["b1"] * s1 + lp["be1"]).reshape(1, -1)
        s2 = lp["g2"] / c
        w2 = lp["W2"] * s2[None, :]
        b2 = (lp["b2"] * s2 + lp["be2"]).reshape(1, -1)
        eps = lp["eps"].reshape(1)
        if li < nl - 1:
            h = _tc_mlp(h, agg, eps, w1, b1, w2, b2, bm)
        else:
            sp = params["bn1_g"] / c
            p1w = params["lin1_W"] * sp[None, :]
            p1b = (params["lin1_b"] * sp + params["bn1_b"]).reshape(1, -1)
            p2w = params["lin2_W"]
            p2b = params["lin2_b"].reshape(1, -1)
            return _tc_mlp_pool(h, agg, eps, w1, b1, w2, b2, bat3d,
                                p1w, p1b, p2w, p2b, bm)

# --- scband reference (transcript-rebuilt; emitter-appended) ---
"""Pipeline reference for scband-gin-18382460027174 (READ-ONLY COPY).

The authoritative reference and input builder live on the scoring server;
editing this copy changes nothing except your own understanding.
"""

import jax, jax.numpy as jnp
import numpy as np

N = 10000
E = 320000
D = 128
H = 128
OUT = 128
L = 3
G = 64
BN_EPS = 1e-5


def _glorot(key, fan_in, fan_out):
    lim = float(np.sqrt(6.0 / (fan_in + fan_out)))
    return jax.random.uniform(key, (fan_in, fan_out), jnp.float32, -lim, lim)


def _make_params(key):
    layers = []
    in_c = D
    for i in range(L):
        k = jax.random.fold_in(key, i)
        k1, k2 = jax.random.split(k)
        layers.append({
            "eps": jnp.zeros((), jnp.float32),
            "W1": _glorot(k1, in_c, 2 * H),
            "b1": jnp.zeros((2 * H,), jnp.float32),
            "g1": jnp.ones((2 * H,), jnp.float32),
            "be1": jnp.zeros((2 * H,), jnp.float32),
            "W2": _glorot(k2, 2 * H, H),
            "b2": jnp.zeros((H,), jnp.float32),
            "g2": jnp.ones((H,), jnp.float32),
            "be2": jnp.zeros((H,), jnp.float32),
        })
        in_c = H
    kl1, kl2 = jax.random.split(jax.random.fold_in(key, 1000))
    return {
        "layers": layers,
        "lin1_W": _glorot(kl1, H, H),
        "lin1_b": jnp.zeros((H,), jnp.float32),
        "bn1_g": jnp.ones((H,), jnp.float32),
        "bn1_b": jnp.zeros((H,), jnp.float32),
        "lin2_W": _glorot(kl2, H, OUT),
        "lin2_b": jnp.zeros((OUT,), jnp.float32),
    }


def setup_inputs(seed: int = 0):
    key = jax.random.key(seed)
    kx, ke, kb, kp = jax.random.split(key, 4)
    x = jax.random.normal(kx, (N, D), jnp.float32)
    edge_index = jax.random.randint(ke, (2, E), 0, N, dtype=jnp.int32)
    batch = jnp.sort(jax.random.randint(kb, (N,), 0, G, dtype=jnp.int32))
    params = _make_params(kp)
    return {"x": x, "edge_index": edge_index, "batch": batch, "params": params}


def _bn_eval(z, g, b):
    # BatchNorm1d in eval mode with init running stats (mean=0, var=1)
    return g * z / jnp.sqrt(1.0 + BN_EPS) + b


def _forward(x, params, edge_index, batch):
    src = edge_index[0]
    dst = edge_index[1]
    h = x
    for lp in params["layers"]:
        # GINConv: mlp((1+eps)*x + sum_{j in N(i)} x_j)
        agg = jax.ops.segment_sum(h[src], dst, num_segments=N)
        z = (1.0 + lp["eps"]) * h + agg
        z = z @ lp["W1"] + lp["b1"]
        z = jax.nn.relu(_bn_eval(z, lp["g1"], lp["be1"]))
        z = z @ lp["W2"] + lp["b2"]
        # outer per-layer BatchNorm + ReLU
        h = jax.nn.relu(_bn_eval(z, lp["g2"], lp["be2"]))
    pooled = jax.ops.segment_sum(h, batch, num_segments=G)
    y = pooled @ params["lin1_W"] + params["lin1_b"]
    y = jax.nn.relu(_bn_eval(y, params["bn1_g"], params["bn1_b"]))
    # dropout is identity in eval mode
    y = y @ params["lin2_W"] + params["lin2_b"]
    return y


def reference(x, edge_index, batch, params):
    return _forward(x, params, edge_index, batch)

if __name__ == "__main__":
    import jax
    _d = setup_inputs()
    print(jax.jit(kernel)(*tuple(_d.values())))

</pallas_src>

<mosaic_0001>
#map = affine_map<(d0, d1) -> (0, 0)>
#map1 = affine_map<(d0, d1) -> (0, 0, 0)>
module attributes {stable_mosaic.version = 14 : i64} {
  func.func @agg(%arg0: i32, %arg1: i32, %arg2: memref<10000x128xf32, #tpu.memory_space<hbm>>, %arg3: memref<5120x64xi32, #tpu.memory_space<hbm>>, %arg4: memref<5120x64xi32, #tpu.memory_space<hbm>>, %arg5: memref<10112x128xf32, #tpu.memory_space<hbm>>, %arg6: memref<2x10112x128xf32, #tpu.memory_space<hbm>>, %arg7: memref<40x64xi32, #tpu.memory_space<vmem>>, %arg8: memref<40x64xi32, #tpu.memory_space<vmem>>, %arg9: memref<4x64x128xf32, #tpu.memory_space<vmem>>, %arg10: memref<10112x128xf32, #tpu.memory_space<vmem_shared>>, %arg11: memref<4x!tpu.dma_semaphore, #tpu.memory_space<semaphore_mem>>) attributes {dimension_semantics = [#tpu.dimension_semantics<core_parallel>, #tpu.dimension_semantics<subcore_parallel>], iteration_bounds = array<i64: 2, 16>, scalar_prefetch = 0 : i64, scratch_operands = 5 : i64, tpu.core_type = #tpu.core_type<sc_vector_subcore>, window_params = [{transform_indices = #map}, {transform_indices = #map}, {transform_indices = #map}, {transform_indices = #map}, {transform_indices = #map1}]} {
    %mul3A = arith.constant 2 : i32
    %mul3A_0 = arith.muli %arg1, %mul3A : i32
    %add3A = arith.addi %mul3A_0, %arg0 : i32
    %mul3A_1 = arith.constant 632 : i32
    %mul3A_2 = arith.muli %arg1, %mul3A_1 : i32
    %mul3A_3 = arith.constant 632 : i32
    %mul3A_4 = arith.muli %arg1, %mul3A_3 : i32
    "tpu.region"() ({
      %run_scoped3A = tpu.sem_alloc : memref<!tpu.dma_semaphore, #tpu.memory_space<semaphore_mem>>
      %dma_start3A = arith.constant 0 : i32
      %dma_start3A_73 = tpu.memref_slice %arg10[%mul3A_4, %dma_start3A] : memref<10112x128xf32, #tpu.memory_space<vmem_shared>> -> memref<632x128xf32, #tpu.memory_space<vmem_shared>>
      %dma_start3A_74 = arith.constant 0 : i32
      %dma_start3A_75 = tpu.memref_slice %arg5[%mul3A_2, %dma_start3A_74] : memref<10112x128xf32, #tpu.memory_space<hbm>> -> memref<632x128xf32, #tpu.memory_space<hbm>>
      tpu.enqueue_dma source(%dma_start3A_75 : memref<632x128xf32, #tpu.memory_space<hbm>>) target(%dma_start3A_73 : memref<632x128xf32, #tpu.memory_space<vmem_shared>>) target_semaphore(%run_scoped3A : memref<!tpu.dma_semaphore, #tpu.memory_space<semaphore_mem>>)
      %dma_wait3A = arith.constant 0 : i32
      %dma_wait3A_76 = tpu.memref_slice %arg10[%mul3A_4, %dma_wait3A] : memref<10112x128xf32, #tpu.memory_space<vmem_shared>> -> memref<632x128xf32, #tpu.memory_space<vmem_shared>>
      %dma_wait3A_77 = arith.constant 0 : i32
      %dma_wait3A_78 = tpu.memref_slice %arg5[%mul3A_2, %dma_wait3A_77] : memref<10112x128xf32, #tpu.memory_space<hbm>> -> memref<632x128xf32, #tpu.memory_space<hbm>>
      tpu.wait_dma2 semaphore(%run_scoped3A : memref<!tpu.dma_semaphore, #tpu.memory_space<semaphore_mem>>) src(%dma_wait3A_78 : memref<632x128xf32, #tpu.memory_space<hbm>>) dst(%dma_wait3A_76 : memref<632x128xf32, #tpu.memory_space<vmem_shared>>)
      tpu.yield
    }) : () -> ()
    %barrier3A = arith.constant 0 : index
    tpu.barrier barrier_id(%barrier3A)
    %mul3A_5 = arith.constant 160 : i32
    %mul3A_6 = arith.muli %add3A, %mul3A_5 : i32
    %add3A_7 = arith.constant 0 : i32
    %add3A_8 = arith.addi %mul3A_6, %add3A_7 : i32
    "tpu.region"() ({
      %run_scoped3A = tpu.sem_alloc : memref<!tpu.dma_semaphore, #tpu.memory_space<semaphore_mem>>
      %dma_start3A = arith.constant 0 : i32
      %dma_start3A_73 = tpu.memref_slice %arg3[%add3A_8, %dma_start3A] : memref<5120x64xi32, #tpu.memory_space<hbm>> -> memref<40x64xi32, #tpu.memory_space<hbm>>
      %dma_start3A_74 = arith.constant 0 : i32
      %dma_start3A_75 = tpu.memref_slice %arg3[%add3A_8, %dma_start3A_74] : memref<5120x64xi32, #tpu.memory_space<hbm>> -> memref<40x64xi32, #tpu.memory_space<hbm>>
      tpu.enqueue_dma source(%dma_start3A_75 : memref<40x64xi32, #tpu.memory_space<hbm>>) target(%arg7 : memref<40x64xi32, #tpu.memory_space<vmem>>) target_semaphore(%run_scoped3A : memref<!tpu.dma_semaphore, #tpu.memory_space<semaphore_mem>>)
      %dma_wait3A = arith.constant 0 : i32
      %dma_wait3A_76 = tpu.memref_slice %arg3[%add3A_8, %dma_wait3A] : memref<5120x64xi32, #tpu.memory_space<hbm>> -> memref<40x64xi32, #tpu.memory_space<hbm>>
      %dma_wait3A_77 = arith.constant 0 : i32
      %dma_wait3A_78 = tpu.memref_slice %arg3[%add3A_8, %dma_wait3A_77] : memref<5120x64xi32, #tpu.memory_space<hbm>> -> memref<40x64xi32, #tpu.memory_space<hbm>>
      tpu.wait_dma2 semaphore(%run_scoped3A : memref<!tpu.dma_semaphore, #tpu.memory_space<semaphore_mem>>) src(%dma_wait3A_78 : memref<40x64xi32, #tpu.memory_space<hbm>>) dst(%arg7 : memref<40x64xi32, #tpu.memory_space<vmem>>)
      tpu.yield
    }) : () -> ()
    "tpu.region"() ({
      %run_scoped3A = tpu.sem_alloc : memref<!tpu.dma_semaphore, #tpu.memory_space<semaphore_mem>>
      %dma_start3A = arith.constant 0 : i32
      %dma_start3A_73 = tpu.memref_slice %arg4[%add3A_8, %dma_start3A] : memref<5120x64xi32, #tpu.memory_space<hbm>> -> memref<40x64xi32, #tpu.memory_space<hbm>>
      %dma_start3A_74 = arith.constant 0 : i32
      %dma_start3A_75 = tpu.memref_slice %arg4[%add3A_8, %dma_start3A_74] : memref<5120x64xi32, #tpu.memory_space<hbm>> -> memref<40x64xi32, #tpu.memory_space<hbm>>
      tpu.enqueue_dma source(%dma_start3A_75 : memref<40x64xi32, #tpu.memory_space<hbm>>) target(%arg8 : memref<40x64xi32, #tpu.memory_space<vmem>>) target_semaphore(%run_scoped3A : memref<!tpu.dma_semaphore, #tpu.memory_space<semaphore_mem>>)
      %dma_wait3A = arith.constant 0 : i32
      %dma_wait3A_76 = tpu.memref_slice %arg4[%add3A_8, %dma_wait3A] : memref<5120x64xi32, #tpu.memory_space<hbm>> -> memref<40x64xi32, #tpu.memory_space<hbm>>
      %dma_wait3A_77 = arith.constant 0 : i32
      %dma_wait3A_78 = tpu.memref_slice %arg4[%add3A_8, %dma_wait3A_77] : memref<5120x64xi32, #tpu.memory_space<hbm>> -> memref<40x64xi32, #tpu.memory_space<hbm>>
      tpu.wait_dma2 semaphore(%run_scoped3A : memref<!tpu.dma_semaphore, #tpu.memory_space<semaphore_mem>>) src(%dma_wait3A_78 : memref<40x64xi32, #tpu.memory_space<hbm>>) dst(%arg8 : memref<40x64xi32, #tpu.memory_space<vmem>>)
      tpu.yield
    }) : () -> ()
    %scan3A = arith.constant 0 : i32
    %scan3A_9 = arith.constant 0 : i32
    %scan3A_10 = arith.constant 4 : i32
    %scan3A_11 = arith.addi %scan3A_9, %scan3A_10 : i32
    %scan3A_12 = arith.constant 1 : i32
    scf.for %scan3A_73 = %scan3A_9 to %scan3A_11 step %scan3A_12  : i32 {
      %dma_start3A = arith.constant 0 : i32
      %dma_start3A_74 = arith.constant 0 : i32
      %dma_start3A_75 = tpu.memref_slice %arg9[%scan3A_73, %dma_start3A, %dma_start3A_74] : memref<4x64x128xf32, #tpu.memory_space<vmem>> -> memref<1x64x128xf32, #tpu.memory_space<vmem>>
      %dma_start3A_76 = tpu.memref_squeeze %dma_start3A_75 : memref<1x64x128xf32, #tpu.memory_space<vmem>> -> memref<64x128xf32, #tpu.memory_space<vmem>>
      %dma_start3A_77 = arith.constant 0 : i32
      %dma_start3A_78 = tpu.memref_slice %arg7[%scan3A_73, %dma_start3A_77] : memref<40x64xi32, #tpu.memory_space<vmem>> -> memref<1x64xi32, #tpu.memory_space<vmem>>
      %dma_start3A_79 = tpu.memref_squeeze %dma_start3A_78 : memref<1x64xi32, #tpu.memory_space<vmem>> -> memref<64xi32, #tpu.memory_space<vmem>>
      %dma_start3A_80 = arith.constant 0 : i32
      %dma_start3A_81 = arith.constant 0 : i32
      %dma_start3A_82 = tpu.memref_slice %arg2[%dma_start3A_80, %dma_start3A_81] : memref<10000x128xf32, #tpu.memory_space<hbm>> -> memref<10000x128xf32, #tpu.memory_space<hbm>>
      %dma_start3A_83 = tpu.memref_slice %arg11[%scan3A_73] : memref<4x!tpu.dma_semaphore, #tpu.memory_space<semaphore_mem>> -> memref<1x!tpu.dma_semaphore, #tpu.memory_space<semaphore_mem>>
      %dma_start3A_84 = tpu.memref_squeeze %dma_start3A_83 : memref<1x!tpu.dma_semaphore, #tpu.memory_space<semaphore_mem>> -> memref<!tpu.dma_semaphore, #tpu.memory_space<semaphore_mem>>
      tpu.enqueue_indirect_dma source(%dma_start3A_82 : memref<10000x128xf32, #tpu.memory_space<hbm>>) target(%dma_start3A_76 : memref<64x128xf32, #tpu.memory_space<vmem>>) offsets(%dma_start3A_79 : memref<64xi32, #tpu.memory_space<vmem>>) semaphore(%dma_start3A_84 : memref<!tpu.dma_semaphore, #tpu.memory_space<semaphore_mem>>)
    }
    %scan3A_13 = arith.constant 4 : i32
    %scan3A_14 = arith.constant 0 : i32
    %scan3A_15 = arith.constant 0 : i32
    %scan3A_16 = arith.constant 40 : i32
    %scan3A_17 = arith.addi %scan3A_15, %scan3A_16 : i32
    %scan3A_18 = arith.constant 1 : i32
    scf.for %scan3A_73 = %scan3A_15 to %scan3A_17 step %scan3A_18  : i32 {
      %rem3A = arith.constant 4 : i32
      %rem3A_74 = arith.remsi %scan3A_73, %rem3A : i32
      %dma_wait3A = arith.constant 0 : i32
      %dma_wait3A_75 = arith.constant 0 : i32
      %dma_wait3A_76 = tpu.memref_slice %arg9[%rem3A_74, %dma_wait3A, %dma_wait3A_75] : memref<4x64x128xf32, #tpu.memory_space<vmem>> -> memref<1x64x128xf32, #tpu.memory_space<vmem>>
      %dma_wait3A_77 = tpu.memref_squeeze %dma_wait3A_76 : memref<1x64x128xf32, #tpu.memory_space<vmem>> -> memref<64x128xf32, #tpu.memory_space<vmem>>
      %dma_wait3A_78 = arith.constant 0 : i32
      %dma_wait3A_79 = tpu.memref_slice %arg7[%scan3A_73, %dma_wait3A_78] : memref<40x64xi32, #tpu.memory_space<vmem>> -> memref<1x64xi32, #tpu.memory_space<vmem>>
      %dma_wait3A_80 = tpu.memref_squeeze %dma_wait3A_79 : memref<1x64xi32, #tpu.memory_space<vmem>> -> memref<64xi32, #tpu.memory_space<vmem>>
      %dma_wait3A_81 = arith.constant 0 : i32
      %dma_wait3A_82 = arith.constant 0 : i32
      %dma_wait3A_83 = tpu.memref_slice %arg2[%dma_wait3A_81, %dma_wait3A_82] : memref<10000x128xf32, #tpu.memory_space<hbm>> -> memref<10000x128xf32, #tpu.memory_space<hbm>>
      %dma_wait3A_84 = tpu.memref_slice %arg11[%rem3A_74] : memref<4x!tpu.dma_semaphore, #tpu.memory_space<semaphore_mem>> -> memref<1x!tpu.dma_semaphore, #tpu.memory_space<semaphore_mem>>
      %dma_wait3A_85 = tpu.memref_squeeze %dma_wait3A_84 : memref<1x!tpu.dma_semaphore, #tpu.memory_space<semaphore_mem>> -> memref<!tpu.dma_semaphore, #tpu.memory_space<semaphore_mem>>
      tpu.wait_indirect_dma semaphore(%dma_wait3A_85 : memref<!tpu.dma_semaphore, #tpu.memory_space<semaphore_mem>>) src(%dma_wait3A_83 : memref<10000x128xf32, #tpu.memory_space<hbm>>) dst(%dma_wait3A_77 : memref<64x128xf32, #tpu.memory_space<vmem>>)
      "tpu.region"() ({
        %run_scoped3A = tpu.sem_alloc : memref<!tpu.dma_semaphore, #tpu.memory_space<semaphore_mem>>
        %dma_start3A = arith.constant 0 : i32
        %dma_start3A_90 = arith.constant 0 : i32
        %dma_start3A_91 = tpu.memref_slice %arg9[%rem3A_74, %dma_start3A, %dma_start3A_90] : memref<4x64x128xf32, #tpu.memory_space<vmem>> -> memref<1x64x128xf32, #tpu.memory_space<vmem>>
        %dma_start3A_92 = tpu.memref_squeeze %dma_start3A_91 : memref<1x64x128xf32, #tpu.memory_space<vmem>> -> memref<64x128xf32, #tpu.memory_space<vmem>>
        %dma_start3A_93 = arith.constant 0 : i32
        %dma_start3A_94 = tpu.memref_slice %arg8[%scan3A_73, %dma_start3A_93] : memref<40x64xi32, #tpu.memory_space<vmem>> -> memref<1x64xi32, #tpu.memory_space<vmem>>
        %dma_start3A_95 = tpu.memref_squeeze %dma_start3A_94 : memref<1x64xi32, #tpu.memory_space<vmem>> -> memref<64xi32, #tpu.memory_space<vmem>>
        %dma_start3A_96 = arith.constant 0 : i32
        %dma_start3A_97 = arith.constant 0 : i32
        %dma_start3A_98 = tpu.memref_slice %arg10[%dma_start3A_96, %dma_start3A_97] : memref<10112x128xf32, #tpu.memory_space<vmem_shared>> -> memref<10112x128xf32, #tpu.memory_space<vmem_shared>>
        tpu.enqueue_indirect_dma source(%dma_start3A_92 : memref<64x128xf32, #tpu.memory_space<vmem>>) target(%dma_start3A_98 : memref<10112x128xf32, #tpu.memory_space<vmem_shared>>) offsets(%dma_start3A_95 : memref<64xi32, #tpu.memory_space<vmem>>) semaphore(%run_scoped3A : memref<!tpu.dma_semaphore, #tpu.memory_space<semaphore_mem>>) {add = true}
        %dma_wait3A_99 = arith.constant 0 : i32
        %dma_wait3A_100 = arith.constant 0 : i32
        %dma_wait3A_101 = tpu.memref_slice %arg9[%rem3A_74, %dma_wait3A_99, %dma_wait3A_100] : memref<4x64x128xf32, #tpu.memory_space<vmem>> -> memref<1x64x128xf32, #tpu.memory_space<vmem>>
        %dma_wait3A_102 = tpu.memref_squeeze %dma_wait3A_101 : memref<1x64x128xf32, #tpu.memory_space<vmem>> -> memref<64x128xf32, #tpu.memory_space<vmem>>
        %dma_wait3A_103 = arith.constant 0 : i32
        %dma_wait3A_104 = tpu.memref_slice %arg8[%scan3A_73, %dma_wait3A_103] : memref<40x64xi32, #tpu.memory_space<vmem>> -> memref<1x64xi32, #tpu.memory_space<vmem>>
        %dma_wait3A_105 = tpu.memref_squeeze %dma_wait3A_104 : memref<1x64xi32, #tpu.memory_space<vmem>> -> memref<64xi32, #tpu.memory_space<vmem>>
        %dma_wait3A_106 = arith.constant 0 : i32
        %dma_wait3A_107 = arith.constant 0 : i32
        %dma_wait3A_108 = tpu.memref_slice %arg10[%dma_wait3A_106, %dma_wait3A_107] : memref<10112x128xf32, #tpu.memory_space<vmem_shared>> -> memref<10112x128xf32, #tpu.memory_space<vmem_shared>>
        tpu.wait_indirect_dma semaphore(%run_scoped3A : memref<!tpu.dma_semaphore, #tpu.memory_space<semaphore_mem>>) src(%dma_wait3A_102 : memref<64x128xf32, #tpu.memory_space<vmem>>) dst(%dma_wait3A_108 : memref<10112x128xf32, #tpu.memory_space<vmem_shared>>)
        tpu.yield
      }) : () -> ()
      %add3A_86 = arith.constant 4 : i32
      %add3A_87 = arith.addi %scan3A_73, %add3A_86 : i32
      %lt3A = arith.constant 40 : i32
      %lt3A_88 = arith.cmpi slt, %add3A_87, %lt3A : i32
      %convert_element_type3A = arith.extui %lt3A_88 : i1 to i32
      %cond3A = arith.constant 0 : i32
      %cond3A_89 = arith.cmpi ne, %convert_element_type3A, %cond3A : i32
      scf.if %cond3A_89 {
        %add3A_90 = arith.constant 4 : i32
        %add3A_91 = arith.addi %scan3A_73, %add3A_90 : i32
        %dma_start3A = arith.constant 0 : i32
        %dma_start3A_92 = arith.constant 0 : i32
        %dma_start3A_93 = tpu.memref_slice %arg9[%rem3A_74, %dma_start3A, %dma_start3A_92] : memref<4x64x128xf32, #tpu.memory_space<vmem>> -> memref<1x64x128xf32, #tpu.memory_space<vmem>>
        %dma_start3A_94 = tpu.memref_squeeze %dma_start3A_93 : memref<1x64x128xf32, #tpu.memory_space<vmem>> -> memref<64x128xf32, #tpu.memory_space<vmem>>
        %dma_start3A_95 = arith.constant 0 : i32
        %dma_start3A_96 = tpu.memref_slice %arg7[%add3A_91, %dma_start3A_95] : memref<40x64xi32, #tpu.memory_space<vmem>> -> memref<1x64xi32, #tpu.memory_space<vmem>>
        %dma_start3A_97 = tpu.memref_squeeze %dma_start3A_96 : memref<1x64xi32, #tpu.memory_space<vmem>> -> memref<64xi32, #tpu.memory_space<vmem>>
        %dma_start3A_98 = arith.constant 0 : i32
        %dma_start3A_99 = arith.constant 0 : i32
        %dma_start3A_100 = tpu.memref_slice %arg2[%dma_start3A_98, %dma_start3A_99] : memref<10000x128xf32, #tpu.memory_space<hbm>> -> memref<10000x128xf32, #tpu.memory_space<hbm>>
        %dma_start3A_101 = tpu.memref_slice %arg11[%rem3A_74] : memref<4x!tpu.dma_semaphore, #tpu.memory_space<semaphore_mem>> -> memref<1x!tpu.dma_semaphore, #tpu.memory_space<semaphore_mem>>
        %dma_start3A_102 = tpu.memref_squeeze %dma_start3A_101 : memref<1x!tpu.dma_semaphore, #tpu.memory_space<semaphore_mem>> -> memref<!tpu.dma_semaphore, #tpu.memory_space<semaphore_mem>>
        tpu.enqueue_indirect_dma source(%dma_start3A_100 : memref<10000x128xf32, #tpu.memory_space<hbm>>) target(%dma_start3A_94 : memref<64x128xf32, #tpu.memory_space<vmem>>) offsets(%dma_start3A_97 : memref<64xi32, #tpu.memory_space<vmem>>) semaphore(%dma_start3A_102 : memref<!tpu.dma_semaphore, #tpu.memory_space<semaphore_mem>>)
      } else {
      }
    }
    %scan3A_19 = arith.constant 40 : i32
    %mul3A_20 = arith.constant 160 : i32
    %mul3A_21 = arith.muli %add3A, %mul3A_20 : i32
    %add3A_22 = arith.constant 40 : i32
    %add3A_23 = arith.addi %mul3A_21, %add3A_22 : i32
    "tpu.region"() ({
      %run_scoped3A = tpu.sem_alloc : memref<!tpu.dma_semaphore, #tpu.memory_space<semaphore_mem>>
      %dma_start3A = arith.constant 0 : i32
      %dma_start3A_73 = tpu.memref_slice %arg3[%add3A_23, %dma_start3A] : memref<5120x64xi32, #tpu.memory_space<hbm>> -> memref<40x64xi32, #tpu.memory_space<hbm>>
      %dma_start3A_74 = arith.constant 0 : i32
      %dma_start3A_75 = tpu.memref_slice %arg3[%add3A_23, %dma_start3A_74] : memref<5120x64xi32, #tpu.memory_space<hbm>> -> memref<40x64xi32, #tpu.memory_space<hbm>>
      tpu.enqueue_dma source(%dma_start3A_75 : memref<40x64xi32, #tpu.memory_space<hbm>>) target(%arg7 : memref<40x64xi32, #tpu.memory_space<vmem>>) target_semaphore(%run_scoped3A : memref<!tpu.dma_semaphore, #tpu.memory_space<semaphore_mem>>)
      %dma_wait3A = arith.constant 0 : i32
      %dma_wait3A_76 = tpu.memref_slice %arg3[%add3A_23, %dma_wait3A] : memref<5120x64xi32, #tpu.memory_space<hbm>> -> memref<40x64xi32, #tpu.memory_space<hbm>>
      %dma_wait3A_77 = arith.constant 0 : i32
      %dma_wait3A_78 = tpu.memref_slice %arg3[%add3A_23, %dma_wait3A_77] : memref<5120x64xi32, #tpu.memory_space<hbm>> -> memref<40x64xi32, #tpu.memory_space<hbm>>
      tpu.wait_dma2 semaphore(%run_scoped3A : memref<!tpu.dma_semaphore, #tpu.memory_space<semaphore_mem>>) src(%dma_wait3A_78 : memref<40x64xi32, #tpu.memory_space<hbm>>) dst(%arg7 : memref<40x64xi32, #tpu.memory_space<vmem>>)
      tpu.yield
    }) : () -> ()
    "tpu.region"() ({
      %run_scoped3A = tpu.sem_alloc : memref<!tpu.dma_semaphore, #tpu.memory_space<semaphore_mem>>
      %dma_start3A = arith.constant 0 : i32
      %dma_start3A_73 = tpu.memref_slice %arg4[%add3A_23, %dma_start3A] : memref<5120x64xi32, #tpu.memory_space<hbm>> -> memref<40x64xi32, #tpu.memory_space<hbm>>
      %dma_start3A_74 = arith.constant 0 : i32
      %dma_start3A_75 = tpu.memref_slice %arg4[%add3A_23, %dma_start3A_74] : memref<5120x64xi32, #tpu.memory_space<hbm>> -> memref<40x64xi32, #tpu.memory_space<hbm>>
      tpu.enqueue_dma source(%dma_start3A_75 : memref<40x64xi32, #tpu.memory_space<hbm>>) target(%arg8 : memref<40x64xi32, #tpu.memory_space<vmem>>) target_semaphore(%run_scoped3A : memref<!tpu.dma_semaphore, #tpu.memory_space<semaphore_mem>>)
      %dma_wait3A = arith.constant 0 : i32
      %dma_wait3A_76 = tpu.memref_slice %arg4[%add3A_23, %dma_wait3A] : memref<5120x64xi32, #tpu.memory_space<hbm>> -> memref<40x64xi32, #tpu.memory_space<hbm>>
      %dma_wait3A_77 = arith.constant 0 : i32
      %dma_wait3A_78 = tpu.memref_slice %arg4[%add3A_23, %dma_wait3A_77] : memref<5120x64xi32, #tpu.memory_space<hbm>> -> memref<40x64xi32, #tpu.memory_space<hbm>>
      tpu.wait_dma2 semaphore(%run_scoped3A : memref<!tpu.dma_semaphore, #tpu.memory_space<semaphore_mem>>) src(%dma_wait3A_78 : memref<40x64xi32, #tpu.memory_space<hbm>>) dst(%arg8 : memref<40x64xi32, #tpu.memory_space<vmem>>)
      tpu.yield
    }) : () -> ()
    %scan3A_24 = arith.constant 0 : i32
    %scan3A_25 = arith.constant 0 : i32
    %scan3A_26 = arith.constant 4 : i32
    %scan3A_27 = arith.addi %scan3A_25, %scan3A_26 : i32
    %scan3A_28 = arith.constant 1 : i32
    scf.for %scan3A_73 = %scan3A_25 to %scan3A_27 step %scan3A_28  : i32 {
      %dma_start3A = arith.constant 0 : i32
      %dma_start3A_74 = arith.constant 0 : i32
      %dma_start3A_75 = tpu.memref_slice %arg9[%scan3A_73, %dma_start3A, %dma_start3A_74] : memref<4x64x128xf32, #tpu.memory_space<vmem>> -> memref<1x64x128xf32, #tpu.memory_space<vmem>>
      %dma_start3A_76 = tpu.memref_squeeze %dma_start3A_75 : memref<1x64x128xf32, #tpu.memory_space<vmem>> -> memref<64x128xf32, #tpu.memory_space<vmem>>
      %dma_start3A_77 = arith.constant 0 : i32
      %dma_start3A_78 = tpu.memref_slice %arg7[%scan3A_73, %dma_start3A_77] : memref<40x64xi32, #tpu.memory_space<vmem>> -> memref<1x64xi32, #tpu.memory_space<vmem>>
      %dma_start3A_79 = tpu.memref_squeeze %dma_start3A_78 : memref<1x64xi32, #tpu.memory_space<vmem>> -> memref<64xi32, #tpu.memory_space<vmem>>
      %dma_start3A_80 = arith.constant 0 : i32
      %dma_start3A_81 = arith.constant 0 : i32
      %dma_start3A_82 = tpu.memref_slice %arg2[%dma_start3A_80, %dma_start3A_81] : memref<10000x128xf32, #tpu.memory_space<hbm>> -> memref<10000x128xf32, #tpu.memory_space<hbm>>
      %dma_start3A_83 = tpu.memref_slice %arg11[%scan3A_73] : memref<4x!tpu.dma_semaphore, #tpu.memory_space<semaphore_mem>> -> memref<1x!tpu.dma_semaphore, #tpu.memory_space<semaphore_mem>>
      %dma_start3A_84 = tpu.memref_squeeze %dma_start3A_83 : memref<1x!tpu.dma_semaphore, #tpu.memory_space<semaphore_mem>> -> memref<!tpu.dma_semaphore, #tpu.memory_space<semaphore_mem>>
      tpu.enqueue_indirect_dma source(%dma_start3A_82 : memref<10000x128xf32, #tpu.memory_space<hbm>>) target(%dma_start3A_76 : memref<64x128xf32, #tpu.memory_space<vmem>>) offsets(%dma_start3A_79 : memref<64xi32, #tpu.memory_space<vmem>>) semaphore(%dma_start3A_84 : memref<!tpu.dma_semaphore, #tpu.memory_space<semaphore_mem>>)
    }
    %scan3A_29 = arith.constant 4 : i32
    %scan3A_30 = arith.constant 0 : i32
    %scan3A_31 = arith.constant 0 : i32
    %scan3A_32 = arith.constant 40 : i32
    %scan3A_33 = arith.addi %scan3A_31, %scan3A_32 : i32
    %scan3A_34 = arith.constant 1 : i32
    scf.for %scan3A_73 = %scan3A_31 to %scan3A_33 step %scan3A_34  : i32 {
      %rem3A = arith.constant 4 : i32
      %rem3A_74 = arith.remsi %scan3A_73, %rem3A : i32
      %dma_wait3A = arith.constant 0 : i32
      %dma_wait3A_75 = arith.constant 0 : i32
      %dma_wait3A_76 = tpu.memref_slice %arg9[%rem3A_74, %dma_wait3A, %dma_wait3A_75] : memref<4x64x128xf32, #tpu.memory_space<vmem>> -> memref<1x64x128xf32, #tpu.memory_space<vmem>>
      %dma_wait3A_77 = tpu.memref_squeeze %dma_wait3A_76 : memref<1x64x128xf32, #tpu.memory_space<vmem>> -> memref<64x128xf32, #tpu.memory_space<vmem>>
      %dma_wait3A_78 = arith.constant 0 : i32
      %dma_wait3A_79 = tpu.memref_slice %arg7[%scan3A_73, %dma_wait3A_78] : memref<40x64xi32, #tpu.memory_space<vmem>> -> memref<1x64xi32, #tpu.memory_space<vmem>>
      %dma_wait3A_80 = tpu.memref_squeeze %dma_wait3A_79 : memref<1x64xi32, #tpu.memory_space<vmem>> -> memref<64xi32, #tpu.memory_space<vmem>>
      %dma_wait3A_81 = arith.constant 0 : i32
      %dma_wait3A_82 = arith.constant 0 : i32
      %dma_wait3A_83 = tpu.memref_slice %arg2[%dma_wait3A_81, %dma_wait3A_82] : memref<10000x128xf32, #tpu.memory_space<hbm>> -> memref<10000x128xf32, #tpu.memory_space<hbm>>
      %dma_wait3A_84 = tpu.memref_slice %arg11[%rem3A_74] : memref<4x!tpu.dma_semaphore, #tpu.memory_space<semaphore_mem>> -> memref<1x!tpu.dma_semaphore, #tpu.memory_space<semaphore_mem>>
      %dma_wait3A_85 = tpu.memref_squeeze %dma_wait3A_84 : memref<1x!tpu.dma_semaphore, #tpu.memory_space<semaphore_mem>> -> memref<!tpu.dma_semaphore, #tpu.memory_space<semaphore_mem>>
      tpu.wait_indirect_dma semaphore(%dma_wait3A_85 : memref<!tpu.dma_semaphore, #tpu.memory_space<semaphore_mem>>) src(%dma_wait3A_83 : memref<10000x128xf32, #tpu.memory_space<hbm>>) dst(%dma_wait3A_77 : memref<64x128xf32, #tpu.memory_space<vmem>>)
      "tpu.region"() ({
        %run_scoped3A = tpu.sem_alloc : memref<!tpu.dma_semaphore, #tpu.memory_space<semaphore_mem>>
        %dma_start3A = arith.constant 0 : i32
        %dma_start3A_90 = arith.constant 0 : i32
        %dma_start3A_91 = tpu.memref_slice %arg9[%rem3A_74, %dma_start3A, %dma_start3A_90] : memref<4x64x128xf32, #tpu.memory_space<vmem>> -> memref<1x64x128xf32, #tpu.memory_space<vmem>>
        %dma_start3A_92 = tpu.memref_squeeze %dma_start3A_91 : memref<1x64x128xf32, #tpu.memory_space<vmem>> -> memref<64x128xf32, #tpu.memory_space<vmem>>
        %dma_start3A_93 = arith.constant 0 : i32
        %dma_start3A_94 = tpu.memref_slice %arg8[%scan3A_73, %dma_start3A_93] : memref<40x64xi32, #tpu.memory_space<vmem>> -> memref<1x64xi32, #tpu.memory_space<vmem>>
        %dma_start3A_95 = tpu.memref_squeeze %dma_start3A_94 : memref<1x64xi32, #tpu.memory_space<vmem>> -> memref<64xi32, #tpu.memory_space<vmem>>
        %dma_start3A_96 = arith.constant 0 : i32
        %dma_start3A_97 = arith.constant 0 : i32
        %dma_start3A_98 = tpu.memref_slice %arg10[%dma_start3A_96, %dma_start3A_97] : memref<10112x128xf32, #tpu.memory_space<vmem_shared>> -> memref<10112x128xf32, #tpu.memory_space<vmem_shared>>
        tpu.enqueue_indirect_dma source(%dma_start3A_92 : memref<64x128xf32, #tpu.memory_space<vmem>>) target(%dma_start3A_98 : memref<10112x128xf32, #tpu.memory_space<vmem_shared>>) offsets(%dma_start3A_95 : memref<64xi32, #tpu.memory_space<vmem>>) semaphore(%run_scoped3A : memref<!tpu.dma_semaphore, #tpu.memory_space<semaphore_mem>>) {add = true}
        %dma_wait3A_99 = arith.constant 0 : i32
        %dma_wait3A_100 = arith.constant 0 : i32
        %dma_wait3A_101 = tpu.memref_slice %arg9[%rem3A_74, %dma_wait3A_99, %dma_wait3A_100] : memref<4x64x128xf32, #tpu.memory_space<vmem>> -> memref<1x64x128xf32, #tpu.memory_space<vmem>>
        %dma_wait3A_102 = tpu.memref_squeeze %dma_wait3A_101 : memref<1x64x128xf32, #tpu.memory_space<vmem>> -> memref<64x128xf32, #tpu.memory_space<vmem>>
        %dma_wait3A_103 = arith.constant 0 : i32
        %dma_wait3A_104 = tpu.memref_slice %arg8[%scan3A_73, %dma_wait3A_103] : memref<40x64xi32, #tpu.memory_space<vmem>> -> memref<1x64xi32, #tpu.memory_space<vmem>>
        %dma_wait3A_105 = tpu.memref_squeeze %dma_wait3A_104 : memref<1x64xi32, #tpu.memory_space<vmem>> -> memref<64xi32, #tpu.memory_space<vmem>>
        %dma_wait3A_106 = arith.constant 0 : i32
        %dma_wait3A_107 = arith.constant 0 : i32
        %dma_wait3A_108 = tpu.memref_slice %arg10[%dma_wait3A_106, %dma_wait3A_107] : memref<10112x128xf32, #tpu.memory_space<vmem_shared>> -> memref<10112x128xf32, #tpu.memory_space<vmem_shared>>
        tpu.wait_indirect_dma semaphore(%run_scoped3A : memref<!tpu.dma_semaphore, #tpu.memory_space<semaphore_mem>>) src(%dma_wait3A_102 : memref<64x128xf32, #tpu.memory_space<vmem>>) dst(%dma_wait3A_108 : memref<10112x128xf32, #tpu.memory_space<vmem_shared>>)
        tpu.yield
      }) : () -> ()
      %add3A_86 = arith.constant 4 : i32
      %add3A_87 = arith.addi %scan3A_73, %add3A_86 : i32
      %lt3A = arith.constant 40 : i32
      %lt3A_88 = arith.cmpi slt, %add3A_87, %lt3A : i32
      %convert_element_type3A = arith.extui %lt3A_88 : i1 to i32
      %cond3A = arith.constant 0 : i32
      %cond3A_89 = arith.cmpi ne, %convert_element_type3A, %cond3A : i32
      scf.if %cond3A_89 {
        %add3A_90 = arith.constant 4 : i32
        %add3A_91 = arith.addi %scan3A_73, %add3A_90 : i32
        %dma_start3A = arith.constant 0 : i32
        %dma_start3A_92 = arith.constant 0 : i32
        %dma_start3A_93 = tpu.memref_slice %arg9[%rem3A_74, %dma_start3A, %dma_start3A_92] : memref<4x64x128xf32, #tpu.memory_space<vmem>> -> memref<1x64x128xf32, #tpu.memory_space<vmem>>
        %dma_start3A_94 = tpu.memref_squeeze %dma_start3A_93 : memref<1x64x128xf32, #tpu.memory_space<vmem>> -> memref<64x128xf32, #tpu.memory_space<vmem>>
        %dma_start3A_95 = arith.constant 0 : i32
        %dma_start3A_96 = tpu.memref_slice %arg7[%add3A_91, %dma_start3A_95] : memref<40x64xi32, #tpu.memory_space<vmem>> -> memref<1x64xi32, #tpu.memory_space<vmem>>
        %dma_start3A_97 = tpu.memref_squeeze %dma_start3A_96 : memref<1x64xi32, #tpu.memory_space<vmem>> -> memref<64xi32, #tpu.memory_space<vmem>>
        %dma_start3A_98 = arith.constant 0 : i32
        %dma_start3A_99 = arith.constant 0 : i32
        %dma_start3A_100 = tpu.memref_slice %arg2[%dma_start3A_98, %dma_start3A_99] : memref<10000x128xf32, #tpu.memory_space<hbm>> -> memref<10000x128xf32, #tpu.memory_space<hbm>>
        %dma_start3A_101 = tpu.memref_slice %arg11[%rem3A_74] : memref<4x!tpu.dma_semaphore, #tpu.memory_space<semaphore_mem>> -> memref<1x!tpu.dma_semaphore, #tpu.memory_space<semaphore_mem>>
        %dma_start3A_102 = tpu.memref_squeeze %dma_start3A_101 : memref<1x!tpu.dma_semaphore, #tpu.memory_space<semaphore_mem>> -> memref<!tpu.dma_semaphore, #tpu.memory_space<semaphore_mem>>
        tpu.enqueue_indirect_dma source(%dma_start3A_100 : memref<10000x128xf32, #tpu.memory_space<hbm>>) target(%dma_start3A_94 : memref<64x128xf32, #tpu.memory_space<vmem>>) offsets(%dma_start3A_97 : memref<64xi32, #tpu.memory_space<vmem>>) semaphore(%dma_start3A_102 : memref<!tpu.dma_semaphore, #tpu.memory_space<semaphore_mem>>)
      } else {
      }
    }
    %scan3A_35 = arith.constant 40 : i32
    %mul3A_36 = arith.constant 160 : i32
    %mul3A_37 = arith.muli %add3A, %mul3A_36 : i32
    %add3A_38 = arith.constant 80 : i32
    %add3A_39 = arith.addi %mul3A_37, %add3A_38 : i32
    "tpu.region"() ({
      %run_scoped3A = tpu.sem_alloc : memref<!tpu.dma_semaphore, #tpu.memory_space<semaphore_mem>>
      %dma_start3A = arith.constant 0 : i32
      %dma_start3A_73 = tpu.memref_slice %arg3[%add3A_39, %dma_start3A] : memref<5120x64xi32, #tpu.memory_space<hbm>> -> memref<40x64xi32, #tpu.memory_space<hbm>>
      %dma_start3A_74 = arith.constant 0 : i32
      %dma_start3A_75 = tpu.memref_slice %arg3[%add3A_39, %dma_start3A_74] : memref<5120x64xi32, #tpu.memory_space<hbm>> -> memref<40x64xi32, #tpu.memory_space<hbm>>
      tpu.enqueue_dma source(%dma_start3A_75 : memref<40x64xi32, #tpu.memory_space<hbm>>) target(%arg7 : memref<40x64xi32, #tpu.memory_space<vmem>>) target_semaphore(%run_scoped3A : memref<!tpu.dma_semaphore, #tpu.memory_space<semaphore_mem>>)
      %dma_wait3A = arith.constant 0 : i32
      %dma_wait3A_76 = tpu.memref_slice %arg3[%add3A_39, %dma_wait3A] : memref<5120x64xi32, #tpu.memory_space<hbm>> -> memref<40x64xi32, #tpu.memory_space<hbm>>
      %dma_wait3A_77 = arith.constant 0 : i32
      %dma_wait3A_78 = tpu.memref_slice %arg3[%add3A_39, %dma_wait3A_77] : memref<5120x64xi32, #tpu.memory_space<hbm>> -> memref<40x64xi32, #tpu.memory_space<hbm>>
      tpu.wait_dma2 semaphore(%run_scoped3A : memref<!tpu.dma_semaphore, #tpu.memory_space<semaphore_mem>>) src(%dma_wait3A_78 : memref<40x64xi32, #tpu.memory_space<hbm>>) dst(%arg7 : memref<40x64xi32, #tpu.memory_space<vmem>>)
      tpu.yield
    }) : () -> ()
    "tpu.region"() ({
      %run_scoped3A = tpu.sem_alloc : memref<!tpu.dma_semaphore, #tpu.memory_space<semaphore_mem>>
      %dma_start3A = arith.constant 0 : i32
      %dma_start3A_73 = tpu.memref_slice %arg4[%add3A_39, %dma_start3A] : memref<5120x64xi32, #tpu.memory_space<hbm>> -> memref<40x64xi32, #tpu.memory_space<hbm>>
      %dma_start3A_74 = arith.constant 0 : i32
      %dma_start3A_75 = tpu.memref_slice %arg4[%add3A_39, %dma_start3A_74] : memref<5120x64xi32, #tpu.memory_space<hbm>> -> memref<40x64xi32, #tpu.memory_space<hbm>>
      tpu.enqueue_dma source(%dma_start3A_75 : memref<40x64xi32, #tpu.memory_space<hbm>>) target(%arg8 : memref<40x64xi32, #tpu.memory_space<vmem>>) target_semaphore(%run_scoped3A : memref<!tpu.dma_semaphore, #tpu.memory_space<semaphore_mem>>)
      %dma_wait3A = arith.constant 0 : i32
      %dma_wait3A_76 = tpu.memref_slice %arg4[%add3A_39, %dma_wait3A] : memref<5120x64xi32, #tpu.memory_space<hbm>> -> memref<40x64xi32, #tpu.memory_space<hbm>>
      %dma_wait3A_77 = arith.constant 0 : i32
      %dma_wait3A_78 = tpu.memref_slice %arg4[%add3A_39, %dma_wait3A_77] : memref<5120x64xi32, #tpu.memory_space<hbm>> -> memref<40x64xi32, #tpu.memory_space<hbm>>
      tpu.wait_dma2 semaphore(%run_scoped3A : memref<!tpu.dma_semaphore, #tpu.memory_space<semaphore_mem>>) src(%dma_wait3A_78 : memref<40x64xi32, #tpu.memory_space<hbm>>) dst(%arg8 : memref<40x64xi32, #tpu.memory_space<vmem>>)
      tpu.yield
    }) : () -> ()
    %scan3A_40 = arith.constant 0 : i32
    %scan3A_41 = arith.constant 0 : i32
    %scan3A_42 = arith.constant 4 : i32
    %scan3A_43 = arith.addi %scan3A_41, %scan3A_42 : i32
    %scan3A_44 = arith.constant 1 : i32
    scf.for %scan3A_73 = %scan3A_41 to %scan3A_43 step %scan3A_44  : i32 {
      %dma_start3A = arith.constant 0 : i32
      %dma_start3A_74 = arith.constant 0 : i32
      %dma_start3A_75 = tpu.memref_slice %arg9[%scan3A_73, %dma_start3A, %dma_start3A_74] : memref<4x64x128xf32, #tpu.memory_space<vmem>> -> memref<1x64x128xf32, #tpu.memory_space<vmem>>
      %dma_start3A_76 = tpu.memref_squeeze %dma_start3A_75 : memref<1x64x128xf32, #tpu.memory_space<vmem>> -> memref<64x128xf32, #tpu.memory_space<vmem>>
      %dma_start3A_77 = arith.constant 0 : i32
      %dma_start3A_78 = tpu.memref_slice %arg7[%scan3A_73, %dma_start3A_77] : memref<40x64xi32, #tpu.memory_space<vmem>> -> memref<1x64xi32, #tpu.memory_space<vmem>>
      %dma_start3A_79 = tpu.memref_squeeze %dma_start3A_78 : memref<1x64xi32, #tpu.memory_space<vmem>> -> memref<64xi32, #tpu.memory_space<vmem>>
      %dma_start3A_80 = arith.constant 0 : i32
      %dma_start3A_81 = arith.constant 0 : i32
      %dma_start3A_82 = tpu.memref_slice %arg2[%dma_start3A_80, %dma_start3A_81] : memref<10000x128xf32, #tpu.memory_space<hbm>> -> memref<10000x128xf32, #tpu.memory_space<hbm>>
      %dma_start3A_83 = tpu.memref_slice %arg11[%scan3A_73] : memref<4x!tpu.dma_semaphore, #tpu.memory_space<semaphore_mem>> -> memref<1x!tpu.dma_semaphore, #tpu.memory_space<semaphore_mem>>
      %dma_start3A_84 = tpu.memref_squeeze %dma_start3A_83 : memref<1x!tpu.dma_semaphore, #tpu.memory_space<semaphore_mem>> -> memref<!tpu.dma_semaphore, #tpu.memory_space<semaphore_mem>>
      tpu.enqueue_indirect_dma source(%dma_start3A_82 : memref<10000x128xf32, #tpu.memory_space<hbm>>) target(%dma_start3A_76 : memref<64x128xf32, #tpu.memory_space<vmem>>) offsets(%dma_start3A_79 : memref<64xi32, #tpu.memory_space<vmem>>) semaphore(%dma_start3A_84 : memref<!tpu.dma_semaphore, #tpu.memory_space<semaphore_mem>>)
    }
    %scan3A_45 = arith.constant 4 : i32
    %scan3A_46 = arith.constant 0 : i32
    %scan3A_47 = arith.constant 0 : i32
    %scan3A_48 = arith.constant 40 : i32
    %scan3A_49 = arith.addi %scan3A_47, %scan3A_48 : i32
    %scan3A_50 = arith.constant 1 : i32
    scf.for %scan3A_73 = %scan3A_47 to %scan3A_49 step %scan3A_50  : i32 {
      %rem3A = arith.constant 4 : i32
      %rem3A_74 = arith.remsi %scan3A_73, %rem3A : i32
      %dma_wait3A = arith.constant 0 : i32
      %dma_wait3A_75 = arith.constant 0 : i32
      %dma_wait3A_76 = tpu.memref_slice %arg9[%rem3A_74, %dma_wait3A, %dma_wait3A_75] : memref<4x64x128xf32, #tpu.memory_space<vmem>> -> memref<1x64x128xf32, #tpu.memory_space<vmem>>
      %dma_wait3A_77 = tpu.memref_squeeze %dma_wait3A_76 : memref<1x64x128xf32, #tpu.memory_space<vmem>> -> memref<64x128xf32, #tpu.memory_space<vmem>>
      %dma_wait3A_78 = arith.constant 0 : i32
      %dma_wait3A_79 = tpu.memref_slice %arg7[%scan3A_73, %dma_wait3A_78] : memref<40x64xi32, #tpu.memory_space<vmem>> -> memref<1x64xi32, #tpu.memory_space<vmem>>
      %dma_wait3A_80 = tpu.memref_squeeze %dma_wait3A_79 : memref<1x64xi32, #tpu.memory_space<vmem>> -> memref<64xi32, #tpu.memory_space<vmem>>
      %dma_wait3A_81 = arith.constant 0 : i32
      %dma_wait3A_82 = arith.constant 0 : i32
      %dma_wait3A_83 = tpu.memref_slice %arg2[%dma_wait3A_81, %dma_wait3A_82] : memref<10000x128xf32, #tpu.memory_space<hbm>> -> memref<10000x128xf32, #tpu.memory_space<hbm>>
      %dma_wait3A_84 = tpu.memref_slice %arg11[%rem3A_74] : memref<4x!tpu.dma_semaphore, #tpu.memory_space<semaphore_mem>> -> memref<1x!tpu.dma_semaphore, #tpu.memory_space<semaphore_mem>>
      %dma_wait3A_85 = tpu.memref_squeeze %dma_wait3A_84 : memref<1x!tpu.dma_semaphore, #tpu.memory_space<semaphore_mem>> -> memref<!tpu.dma_semaphore, #tpu.memory_space<semaphore_mem>>
      tpu.wait_indirect_dma semaphore(%dma_wait3A_85 : memref<!tpu.dma_semaphore, #tpu.memory_space<semaphore_mem>>) src(%dma_wait3A_83 : memref<10000x128xf32, #tpu.memory_space<hbm>>) dst(%dma_wait3A_77 : memref<64x128xf32, #tpu.memory_space<vmem>>)
      "tpu.region"() ({
        %run_scoped3A = tpu.sem_alloc : memref<!tpu.dma_semaphore, #tpu.memory_space<semaphore_mem>>
        %dma_start3A = arith.constant 0 : i32
        %dma_start3A_90 = arith.constant 0 : i32
        %dma_start3A_91 = tpu.memref_slice %arg9[%rem3A_74, %dma_start3A, %dma_start3A_90] : memref<4x64x128xf32, #tpu.memory_space<vmem>> -> memref<1x64x128xf32, #tpu.memory_space<vmem>>
        %dma_start3A_92 = tpu.memref_squeeze %dma_start3A_91 : memref<1x64x128xf32, #tpu.memory_space<vmem>> -> memref<64x128xf32, #tpu.memory_space<vmem>>
        %dma_start3A_93 = arith.constant 0 : i32
        %dma_start3A_94 = tpu.memref_slice %arg8[%scan3A_73, %dma_start3A_93] : memref<40x64xi32, #tpu.memory_space<vmem>> -> memref<1x64xi32, #tpu.memory_space<vmem>>
        %dma_start3A_95 = tpu.memref_squeeze %dma_start3A_94 : memref<1x64xi32, #tpu.memory_space<vmem>> -> memref<64xi32, #tpu.memory_space<vmem>>
        %dma_start3A_96 = arith.constant 0 : i32
        %dma_start3A_97 = arith.constant 0 : i32
        %dma_start3A_98 = tpu.memref_slice %arg10[%dma_start3A_96, %dma_start3A_97] : memref<10112x128xf32, #tpu.memory_space<vmem_shared>> -> memref<10112x128xf32, #tpu.memory_space<vmem_shared>>
        tpu.enqueue_indirect_dma source(%dma_start3A_92 : memref<64x128xf32, #tpu.memory_space<vmem>>) target(%dma_start3A_98 : memref<10112x128xf32, #tpu.memory_space<vmem_shared>>) offsets(%dma_start3A_95 : memref<64xi32, #tpu.memory_space<vmem>>) semaphore(%run_scoped3A : memref<!tpu.dma_semaphore, #tpu.memory_space<semaphore_mem>>) {add = true}
        %dma_wait3A_99 = arith.constant 0 : i32
        %dma_wait3A_100 = arith.constant 0 : i32
        %dma_wait3A_101 = tpu.memref_slice %arg9[%rem3A_74, %dma_wait3A_99, %dma_wait3A_100] : memref<4x64x128xf32, #tpu.memory_space<vmem>> -> memref<1x64x128xf32, #tpu.memory_space<vmem>>
        %dma_wait3A_102 = tpu.memref_squeeze %dma_wait3A_101 : memref<1x64x128xf32, #tpu.memory_space<vmem>> -> memref<64x128xf32, #tpu.memory_space<vmem>>
        %dma_wait3A_103 = arith.constant 0 : i32
        %dma_wait3A_104 = tpu.memref_slice %arg8[%scan3A_73, %dma_wait3A_103] : memref<40x64xi32, #tpu.memory_space<vmem>> -> memref<1x64xi32, #tpu.memory_space<vmem>>
        %dma_wait3A_105 = tpu.memref_squeeze %dma_wait3A_104 : memref<1x64xi32, #tpu.memory_space<vmem>> -> memref<64xi32, #tpu.memory_space<vmem>>
        %dma_wait3A_106 = arith.constant 0 : i32
        %dma_wait3A_107 = arith.constant 0 : i32
        %dma_wait3A_108 = tpu.memref_slice %arg10[%dma_wait3A_106, %dma_wait3A_107] : memref<10112x128xf32, #tpu.memory_space<vmem_shared>> -> memref<10112x128xf32, #tpu.memory_space<vmem_shared>>
        tpu.wait_indirect_dma semaphore(%run_scoped3A : memref<!tpu.dma_semaphore, #tpu.memory_space<semaphore_mem>>) src(%dma_wait3A_102 : memref<64x128xf32, #tpu.memory_space<vmem>>) dst(%dma_wait3A_108 : memref<10112x128xf32, #tpu.memory_space<vmem_shared>>)
        tpu.yield
      }) : () -> ()
      %add3A_86 = arith.constant 4 : i32
      %add3A_87 = arith.addi %scan3A_73, %add3A_86 : i32
      %lt3A = arith.constant 40 : i32
      %lt3A_88 = arith.cmpi slt, %add3A_87, %lt3A : i32
      %convert_element_type3A = arith.extui %lt3A_88 : i1 to i32
      %cond3A = arith.constant 0 : i32
      %cond3A_89 = arith.cmpi ne, %convert_element_type3A, %cond3A : i32
      scf.if %cond3A_89 {
        %add3A_90 = arith.constant 4 : i32
        %add3A_91 = arith.addi %scan3A_73, %add3A_90 : i32
        %dma_start3A = arith.constant 0 : i32
        %dma_start3A_92 = arith.constant 0 : i32
        %dma_start3A_93 = tpu.memref_slice %arg9[%rem3A_74, %dma_start3A, %dma_start3A_92] : memref<4x64x128xf32, #tpu.memory_space<vmem>> -> memref<1x64x128xf32, #tpu.memory_space<vmem>>
        %dma_start3A_94 = tpu.memref_squeeze %dma_start3A_93 : memref<1x64x128xf32, #tpu.memory_space<vmem>> -> memref<64x128xf32, #tpu.memory_space<vmem>>
        %dma_start3A_95 = arith.constant 0 : i32
        %dma_start3A_96 = tpu.memref_slice %arg7[%add3A_91, %dma_start3A_95] : memref<40x64xi32, #tpu.memory_space<vmem>> -> memref<1x64xi32, #tpu.memory_space<vmem>>
        %dma_start3A_97 = tpu.memref_squeeze %dma_start3A_96 : memref<1x64xi32, #tpu.memory_space<vmem>> -> memref<64xi32, #tpu.memory_space<vmem>>
        %dma_start3A_98 = arith.constant 0 : i32
        %dma_start3A_99 = arith.constant 0 : i32
        %dma_start3A_100 = tpu.memref_slice %arg2[%dma_start3A_98, %dma_start3A_99] : memref<10000x128xf32, #tpu.memory_space<hbm>> -> memref<10000x128xf32, #tpu.memory_space<hbm>>
        %dma_start3A_101 = tpu.memref_slice %arg11[%rem3A_74] : memref<4x!tpu.dma_semaphore, #tpu.memory_space<semaphore_mem>> -> memref<1x!tpu.dma_semaphore, #tpu.memory_space<semaphore_mem>>
        %dma_start3A_102 = tpu.memref_squeeze %dma_start3A_101 : memref<1x!tpu.dma_semaphore, #tpu.memory_space<semaphore_mem>> -> memref<!tpu.dma_semaphore, #tpu.memory_space<semaphore_mem>>
        tpu.enqueue_indirect_dma source(%dma_start3A_100 : memref<10000x128xf32, #tpu.memory_space<hbm>>) target(%dma_start3A_94 : memref<64x128xf32, #tpu.memory_space<vmem>>) offsets(%dma_start3A_97 : memref<64xi32, #tpu.memory_space<vmem>>) semaphore(%dma_start3A_102 : memref<!tpu.dma_semaphore, #tpu.memory_space<semaphore_mem>>)
      } else {
      }
    }
    %scan3A_51 = arith.constant 40 : i32
    %mul3A_52 = arith.constant 160 : i32
    %mul3A_53 = arith.muli %add3A, %mul3A_52 : i32
    %add3A_54 = arith.constant 120 : i32
    %add3A_55 = arith.addi %mul3A_53, %add3A_54 : i32
    "tpu.region"() ({
      %run_scoped3A = tpu.sem_alloc : memref<!tpu.dma_semaphore, #tpu.memory_space<semaphore_mem>>
      %dma_start3A = arith.constant 0 : i32
      %dma_start3A_73 = tpu.memref_slice %arg3[%add3A_55, %dma_start3A] : memref<5120x64xi32, #tpu.memory_space<hbm>> -> memref<40x64xi32, #tpu.memory_space<hbm>>
      %dma_start3A_74 = arith.constant 0 : i32
      %dma_start3A_75 = tpu.memref_slice %arg3[%add3A_55, %dma_start3A_74] : memref<5120x64xi32, #tpu.memory_space<hbm>> -> memref<40x64xi32, #tpu.memory_space<hbm>>
      tpu.enqueue_dma source(%dma_start3A_75 : memref<40x64xi32, #tpu.memory_space<hbm>>) target(%arg7 : memref<40x64xi32, #tpu.memory_space<vmem>>) target_semaphore(%run_scoped3A : memref<!tpu.dma_semaphore, #tpu.memory_space<semaphore_mem>>)
      %dma_wait3A = arith.constant 0 : i32
      %dma_wait3A_76 = tpu.memref_slice %arg3[%add3A_55, %dma_wait3A] : memref<5120x64xi32, #tpu.memory_space<hbm>> -> memref<40x64xi32, #tpu.memory_space<hbm>>
      %dma_wait3A_77 = arith.constant 0 : i32
      %dma_wait3A_78 = tpu.memref_slice %arg3[%add3A_55, %dma_wait3A_77] : memref<5120x64xi32, #tpu.memory_space<hbm>> -> memref<40x64xi32, #tpu.memory_space<hbm>>
      tpu.wait_dma2 semaphore(%run_scoped3A : memref<!tpu.dma_semaphore, #tpu.memory_space<semaphore_mem>>) src(%dma_wait3A_78 : memref<40x64xi32, #tpu.memory_space<hbm>>) dst(%arg7 : memref<40x64xi32, #tpu.memory_space<vmem>>)
      tpu.yield
    }) : () -> ()
    "tpu.region"() ({
      %run_scoped3A = tpu.sem_alloc : memref<!tpu.dma_semaphore, #tpu.memory_space<semaphore_mem>>
      %dma_start3A = arith.constant 0 : i32
      %dma_start3A_73 = tpu.memref_slice %arg4[%add3A_55, %dma_start3A] : memref<5120x64xi32, #tpu.memory_space<hbm>> -> memref<40x64xi32, #tpu.memory_space<hbm>>
      %dma_start3A_74 = arith.constant 0 : i32
      %dma_start3A_75 = tpu.memref_slice %arg4[%add3A_55, %dma_start3A_74] : memref<5120x64xi32, #tpu.memory_space<hbm>> -> memref<40x64xi32, #tpu.memory_space<hbm>>
      tpu.enqueue_dma source(%dma_start3A_75 : memref<40x64xi32, #tpu.memory_space<hbm>>) target(%arg8 : memref<40x64xi32, #tpu.memory_space<vmem>>) target_semaphore(%run_scoped3A : memref<!tpu.dma_semaphore, #tpu.memory_space<semaphore_mem>>)
      %dma_wait3A = arith.constant 0 : i32
      %dma_wait3A_76 = tpu.memref_slice %arg4[%add3A_55, %dma_wait3A] : memref<5120x64xi32, #tpu.memory_space<hbm>> -> memref<40x64xi32, #tpu.memory_space<hbm>>
      %dma_wait3A_77 = arith.constant 0 : i32
      %dma_wait3A_78 = tpu.memref_slice %arg4[%add3A_55, %dma_wait3A_77] : memref<5120x64xi32, #tpu.memory_space<hbm>> -> memref<40x64xi32, #tpu.memory_space<hbm>>
      tpu.wait_dma2 semaphore(%run_scoped3A : memref<!tpu.dma_semaphore, #tpu.memory_space<semaphore_mem>>) src(%dma_wait3A_78 : memref<40x64xi32, #tpu.memory_space<hbm>>) dst(%arg8 : memref<40x64xi32, #tpu.memory_space<vmem>>)
      tpu.yield
    }) : () -> ()
    %scan3A_56 = arith.constant 0 : i32
    %scan3A_57 = arith.constant 0 : i32
    %scan3A_58 = arith.constant 4 : i32
    %scan3A_59 = arith.addi %scan3A_57, %scan3A_58 : i32
    %scan3A_60 = arith.constant 1 : i32
    scf.for %scan3A_73 = %scan3A_57 to %scan3A_59 step %scan3A_60  : i32 {
      %dma_start3A = arith.constant 0 : i32
      %dma_start3A_74 = arith.constant 0 : i32
      %dma_start3A_75 = tpu.memref_slice %arg9[%scan3A_73, %dma_start3A, %dma_start3A_74] : memref<4x64x128xf32, #tpu.memory_space<vmem>> -> memref<1x64x128xf32, #tpu.memory_space<vmem>>
      %dma_start3A_76 = tpu.memref_squeeze %dma_start3A_75 : memref<1x64x128xf32, #tpu.memory_space<vmem>> -> memref<64x128xf32, #tpu.memory_space<vmem>>
      %dma_start3A_77 = arith.constant 0 : i32
      %dma_start3A_78 = tpu.memref_slice %arg7[%scan3A_73, %dma_start3A_77] : memref<40x64xi32, #tpu.memory_space<vmem>> -> memref<1x64xi32, #tpu.memory_space<vmem>>
      %dma_start3A_79 = tpu.memref_squeeze %dma_start3A_78 : memref<1x64xi32, #tpu.memory_space<vmem>> -> memref<64xi32, #tpu.memory_space<vmem>>
      %dma_start3A_80 = arith.constant 0 : i32
      %dma_start3A_81 = arith.constant 0 : i32
      %dma_start3A_82 = tpu.memref_slice %arg2[%dma_start3A_80, %dma_start3A_81] : memref<10000x128xf32, #tpu.memory_space<hbm>> -> memref<10000x128xf32, #tpu.memory_space<hbm>>
      %dma_start3A_83 = tpu.memref_slice %arg11[%scan3A_73] : memref<4x!tpu.dma_semaphore, #tpu.memory_space<semaphore_mem>> -> memref<1x!tpu.dma_semaphore, #tpu.memory_space<semaphore_mem>>
      %dma_start3A_84 = tpu.memref_squeeze %dma_start3A_83 : memref<1x!tpu.dma_semaphore, #tpu.memory_space<semaphore_mem>> -> memref<!tpu.dma_semaphore, #tpu.memory_space<semaphore_mem>>
      tpu.enqueue_indirect_dma source(%dma_start3A_82 : memref<10000x128xf32, #tpu.memory_space<hbm>>) target(%dma_start3A_76 : memref<64x128xf32, #tpu.memory_space<vmem>>) offsets(%dma_start3A_79 : memref<64xi32, #tpu.memory_space<vmem>>) semaphore(%dma_start3A_84 : memref<!tpu.dma_semaphore, #tpu.memory_space<semaphore_mem>>)
    }
    %scan3A_61 = arith.constant 4 : i32
    %scan3A_62 = arith.constant 0 : i32
    %scan3A_63 = arith.constant 0 : i32
    %scan3A_64 = arith.constant 40 : i32
    %scan3A_65 = arith.addi %scan3A_63, %scan3A_64 : i32
    %scan3A_66 = arith.constant 1 : i32
    scf.for %scan3A_73 = %scan3A_63 to %scan3A_65 step %scan3A_66  : i32 {
      %rem3A = arith.constant 4 : i32
      %rem3A_74 = arith.remsi %scan3A_73, %rem3A : i32
      %dma_wait3A = arith.constant 0 : i32
      %dma_wait3A_75 = arith.constant 0 : i32
      %dma_wait3A_76 = tpu.memref_slice %arg9[%rem3A_74, %dma_wait3A, %dma_wait3A_75] : memref<4x64x128xf32, #tpu.memory_space<vmem>> -> memref<1x64x128xf32, #tpu.memory_space<vmem>>
      %dma_wait3A_77 = tpu.memref_squeeze %dma_wait3A_76 : memref<1x64x128xf32, #tpu.memory_space<vmem>> -> memref<64x128xf32, #tpu.memory_space<vmem>>
      %dma_wait3A_78 = arith.constant 0 : i32
      %dma_wait3A_79 = tpu.memref_slice %arg7[%scan3A_73, %dma_wait3A_78] : memref<40x64xi32, #tpu.memory_space<vmem>> -> memref<1x64xi32, #tpu.memory_space<vmem>>
      %dma_wait3A_80 = tpu.memref_squeeze %dma_wait3A_79 : memref<1x64xi32, #tpu.memory_space<vmem>> -> memref<64xi32, #tpu.memory_space<vmem>>
      %dma_wait3A_81 = arith.constant 0 : i32
      %dma_wait3A_82 = arith.constant 0 : i32
      %dma_wait3A_83 = tpu.memref_slice %arg2[%dma_wait3A_81, %dma_wait3A_82] : memref<10000x128xf32, #tpu.memory_space<hbm>> -> memref<10000x128xf32, #tpu.memory_space<hbm>>
      %dma_wait3A_84 = tpu.memref_slice %arg11[%rem3A_74] : memref<4x!tpu.dma_semaphore, #tpu.memory_space<semaphore_mem>> -> memref<1x!tpu.dma_semaphore, #tpu.memory_space<semaphore_mem>>
      %dma_wait3A_85 = tpu.memref_squeeze %dma_wait3A_84 : memref<1x!tpu.dma_semaphore, #tpu.memory_space<semaphore_mem>> -> memref<!tpu.dma_semaphore, #tpu.memory_space<semaphore_mem>>
      tpu.wait_indirect_dma semaphore(%dma_wait3A_85 : memref<!tpu.dma_semaphore, #tpu.memory_space<semaphore_mem>>) src(%dma_wait3A_83 : memref<10000x128xf32, #tpu.memory_space<hbm>>) dst(%dma_wait3A_77 : memref<64x128xf32, #tpu.memory_space<vmem>>)
      "tpu.region"() ({
        %run_scoped3A = tpu.sem_alloc : memref<!tpu.dma_semaphore, #tpu.memory_space<semaphore_mem>>
        %dma_start3A = arith.constant 0 : i32
        %dma_start3A_90 = arith.constant 0 : i32
        %dma_start3A_91 = tpu.memref_slice %arg9[%rem3A_74, %dma_start3A, %dma_start3A_90] : memref<4x64x128xf32, #tpu.memory_space<vmem>> -> memref<1x64x128xf32, #tpu.memory_space<vmem>>
        %dma_start3A_92 = tpu.memref_squeeze %dma_start3A_91 : memref<1x64x128xf32, #tpu.memory_space<vmem>> -> memref<64x128xf32, #tpu.memory_space<vmem>>
        %dma_start3A_93 = arith.constant 0 : i32
        %dma_start3A_94 = tpu.memref_slice %arg8[%scan3A_73, %dma_start3A_93] : memref<40x64xi32, #tpu.memory_space<vmem>> -> memref<1x64xi32, #tpu.memory_space<vmem>>
        %dma_start3A_95 = tpu.memref_squeeze %dma_start3A_94 : memref<1x64xi32, #tpu.memory_space<vmem>> -> memref<64xi32, #tpu.memory_space<vmem>>
        %dma_start3A_96 = arith.constant 0 : i32
        %dma_start3A_97 = arith.constant 0 : i32
        %dma_start3A_98 = tpu.memref_slice %arg10[%dma_start3A_96, %dma_start3A_97] : memref<10112x128xf32, #tpu.memory_space<vmem_shared>> -> memref<10112x128xf32, #tpu.memory_space<vmem_shared>>
        tpu.enqueue_indirect_dma source(%dma_start3A_92 : memref<64x128xf32, #tpu.memory_space<vmem>>) target(%dma_start3A_98 : memref<10112x128xf32, #tpu.memory_space<vmem_shared>>) offsets(%dma_start3A_95 : memref<64xi32, #tpu.memory_space<vmem>>) semaphore(%run_scoped3A : memref<!tpu.dma_semaphore, #tpu.memory_space<semaphore_mem>>) {add = true}
        %dma_wait3A_99 = arith.constant 0 : i32
        %dma_wait3A_100 = arith.constant 0 : i32
        %dma_wait3A_101 = tpu.memref_slice %arg9[%rem3A_74, %dma_wait3A_99, %dma_wait3A_100] : memref<4x64x128xf32, #tpu.memory_space<vmem>> -> memref<1x64x128xf32, #tpu.memory_space<vmem>>
        %dma_wait3A_102 = tpu.memref_squeeze %dma_wait3A_101 : memref<1x64x128xf32, #tpu.memory_space<vmem>> -> memref<64x128xf32, #tpu.memory_space<vmem>>
        %dma_wait3A_103 = arith.constant 0 : i32
        %dma_wait3A_104 = tpu.memref_slice %arg8[%scan3A_73, %dma_wait3A_103] : memref<40x64xi32, #tpu.memory_space<vmem>> -> memref<1x64xi32, #tpu.memory_space<vmem>>
        %dma_wait3A_105 = tpu.memref_squeeze %dma_wait3A_104 : memref<1x64xi32, #tpu.memory_space<vmem>> -> memref<64xi32, #tpu.memory_space<vmem>>
        %dma_wait3A_106 = arith.constant 0 : i32
        %dma_wait3A_107 = arith.constant 0 : i32
        %dma_wait3A_108 = tpu.memref_slice %arg10[%dma_wait3A_106, %dma_wait3A_107] : memref<10112x128xf32, #tpu.memory_space<vmem_shared>> -> memref<10112x128xf32, #tpu.memory_space<vmem_shared>>
        tpu.wait_indirect_dma semaphore(%run_scoped3A : memref<!tpu.dma_semaphore, #tpu.memory_space<semaphore_mem>>) src(%dma_wait3A_102 : memref<64x128xf32, #tpu.memory_space<vmem>>) dst(%dma_wait3A_108 : memref<10112x128xf32, #tpu.memory_space<vmem_shared>>)
        tpu.yield
      }) : () -> ()
      %add3A_86 = arith.constant 4 : i32
      %add3A_87 = arith.addi %scan3A_73, %add3A_86 : i32
      %lt3A = arith.constant 40 : i32
      %lt3A_88 = arith.cmpi slt, %add3A_87, %lt3A : i32
      %convert_element_type3A = arith.extui %lt3A_88 : i1 to i32
      %cond3A = arith.constant 0 : i32
      %cond3A_89 = arith.cmpi ne, %convert_element_type3A, %cond3A : i32
      scf.if %cond3A_89 {
        %add3A_90 = arith.constant 4 : i32
        %add3A_91 = arith.addi %scan3A_73, %add3A_90 : i32
        %dma_start3A = arith.constant 0 : i32
        %dma_start3A_92 = arith.constant 0 : i32
        %dma_start3A_93 = tpu.memref_slice %arg9[%rem3A_74, %dma_start3A, %dma_start3A_92] : memref<4x64x128xf32, #tpu.memory_space<vmem>> -> memref<1x64x128xf32, #tpu.memory_space<vmem>>
        %dma_start3A_94 = tpu.memref_squeeze %dma_start3A_93 : memref<1x64x128xf32, #tpu.memory_space<vmem>> -> memref<64x128xf32, #tpu.memory_space<vmem>>
        %dma_start3A_95 = arith.constant 0 : i32
        %dma_start3A_96 = tpu.memref_slice %arg7[%add3A_91, %dma_start3A_95] : memref<40x64xi32, #tpu.memory_space<vmem>> -> memref<1x64xi32, #tpu.memory_space<vmem>>
        %dma_start3A_97 = tpu.memref_squeeze %dma_start3A_96 : memref<1x64xi32, #tpu.memory_space<vmem>> -> memref<64xi32, #tpu.memory_space<vmem>>
        %dma_start3A_98 = arith.constant 0 : i32
        %dma_start3A_99 = arith.constant 0 : i32
        %dma_start3A_100 = tpu.memref_slice %arg2[%dma_start3A_98, %dma_start3A_99] : memref<10000x128xf32, #tpu.memory_space<hbm>> -> memref<10000x128xf32, #tpu.memory_space<hbm>>
        %dma_start3A_101 = tpu.memref_slice %arg11[%rem3A_74] : memref<4x!tpu.dma_semaphore, #tpu.memory_space<semaphore_mem>> -> memref<1x!tpu.dma_semaphore, #tpu.memory_space<semaphore_mem>>
        %dma_start3A_102 = tpu.memref_squeeze %dma_start3A_101 : memref<1x!tpu.dma_semaphore, #tpu.memory_space<semaphore_mem>> -> memref<!tpu.dma_semaphore, #tpu.memory_space<semaphore_mem>>
        tpu.enqueue_indirect_dma source(%dma_start3A_100 : memref<10000x128xf32, #tpu.memory_space<hbm>>) target(%dma_start3A_94 : memref<64x128xf32, #tpu.memory_space<vmem>>) offsets(%dma_start3A_97 : memref<64xi32, #tpu.memory_space<vmem>>) semaphore(%dma_start3A_102 : memref<!tpu.dma_semaphore, #tpu.memory_space<semaphore_mem>>)
      } else {
      }
    }
    %scan3A_67 = arith.constant 40 : i32
    %barrier3A_68 = arith.constant 0 : index
    tpu.barrier barrier_id(%barrier3A_68)
    %mul3A_69 = arith.constant 632 : i32
    %mul3A_70 = arith.muli %arg1, %mul3A_69 : i32
    %mul3A_71 = arith.constant 632 : i32
    %mul3A_72 = arith.muli %arg1, %mul3A_71 : i32
    "tpu.region"() ({
      %run_scoped3A = tpu.sem_alloc : memref<!tpu.dma_semaphore, #tpu.memory_space<semaphore_mem>>
      %dma_start3A = arith.constant 0 : i32
      %dma_start3A_73 = arith.constant 0 : i32
      %dma_start3A_74 = tpu.memref_slice %arg6[%arg0, %dma_start3A, %dma_start3A_73] : memref<2x10112x128xf32, #tpu.memory_space<hbm>> -> memref<1x10112x128xf32, #tpu.memory_space<hbm>>
      %dma_start3A_75 = tpu.memref_squeeze %dma_start3A_74 : memref<1x10112x128xf32, #tpu.memory_space<hbm>> -> memref<10112x128xf32, #tpu.memory_space<hbm>>
      %dma_start3A_76 = arith.constant 0 : i32
      %dma_start3A_77 = tpu.memref_slice %dma_start3A_75[%mul3A_72, %dma_start3A_76] : memref<10112x128xf32, #tpu.memory_space<hbm>> -> memref<632x128xf32, #tpu.memory_space<hbm>>
      %dma_start3A_78 = arith.constant 0 : i32
      %dma_start3A_79 = tpu.memref_slice %arg10[%mul3A_70, %dma_start3A_78] : memref<10112x128xf32, #tpu.memory_space<vmem_shared>> -> memref<632x128xf32, #tpu.memory_space<vmem_shared>>
      tpu.enqueue_dma source(%dma_start3A_79 : memref<632x128xf32, #tpu.memory_space<vmem_shared>>) target(%dma_start3A_77 : memref<632x128xf32, #tpu.memory_space<hbm>>) target_semaphore(%run_scoped3A : memref<!tpu.dma_semaphore, #tpu.memory_space<semaphore_mem>>)
      %dma_wait3A = arith.constant 0 : i32
      %dma_wait3A_80 = arith.constant 0 : i32
      %dma_wait3A_81 = tpu.memref_slice %arg6[%arg0, %dma_wait3A, %dma_wait3A_80] : memref<2x10112x128xf32, #tpu.memory_space<hbm>> -> memref<1x10112x128xf32, #tpu.memory_space<hbm>>
      %dma_wait3A_82 = tpu.memref_squeeze %dma_wait3A_81 : memref<1x10112x128xf32, #tpu.memory_space<hbm>> -> memref<10112x128xf32, #tpu.memory_space<hbm>>
      %dma_wait3A_83 = arith.constant 0 : i32
      %dma_wait3A_84 = tpu.memref_slice %dma_wait3A_82[%mul3A_72, %dma_wait3A_83] : memref<10112x128xf32, #tpu.memory_space<hbm>> -> memref<632x128xf32, #tpu.memory_space<hbm>>
      %dma_wait3A_85 = arith.constant 0 : i32
      %dma_wait3A_86 = tpu.memref_slice %arg10[%mul3A_70, %dma_wait3A_85] : memref<10112x128xf32, #tpu.memory_space<vmem_shared>> -> memref<632x128xf32, #tpu.memory_space<vmem_shared>>
      tpu.wait_dma2 semaphore(%run_scoped3A : memref<!tpu.dma_semaphore, #tpu.memory_space<semaphore_mem>>) src(%dma_wait3A_86 : memref<632x128xf32, #tpu.memory_space<vmem_shared>>) dst(%dma_wait3A_84 : memref<632x128xf32, #tpu.memory_space<hbm>>)
      tpu.yield
    }) : () -> ()
    return
  }
}

#map = affine_map<(d0, d1) -> (0, 0)>
#map1 = affine_map<(d0, d1) -> (0, 0, 0)>
module attributes {stable_mosaic.version = 14 : i64} {
  func.func @agg(%arg0: i32, %arg1: i32, %arg2: memref<10000x128xf32, #tpu.memory_space<hbm>>, %arg3: memref<5120x64xi32, #tpu.memory_space<hbm>>, %arg4: memref<5120x64xi32, #tpu.memory_space<hbm>>, %arg5: memref<10112x128xf32, #tpu.memory_space<hbm>>, %arg6: memref<2x10112x128xf32, #tpu.memory_space<hbm>>, %arg7: memref<40x64xi32, #tpu.memory_space<vmem>>, %arg8: memref<40x64xi32, #tpu.memory_space<vmem>>, %arg9: memref<4x64x128xf32, #tpu.memory_space<vmem>>, %arg10: memref<10112x128xf32, #tpu.memory_space<vmem_shared>>, %arg11: memref<4x!tpu.dma_semaphore, #tpu.memory_space<semaphore_mem>>) attributes {dimension_semantics = [#tpu.dimension_semantics<core_parallel>, #tpu.dimension_semantics<subcore_parallel>], iteration_bounds = array<i64: 2, 16>, scalar_prefetch = 0 : i64, scratch_operands = 5 : i64, tpu.core_type = #tpu.core_type<sc_vector_subcore>, window_params = [{transform_indices = #map}, {transform_indices = #map}, {transform_indices = #map}, {transform_indices = #map}, {transform_indices = #map1}]} {
    %mul3A = arith.constant 2 : i32
    %mul3A_0 = arith.muli %arg1, %mul3A : i32
    %add3A = arith.addi %mul3A_0, %arg0 : i32
    %mul3A_1 = arith.constant 632 : i32
    %mul3A_2 = arith.muli %arg1, %mul3A_1 : i32
    %mul3A_3 = arith.constant 632 : i32
    %mul3A_4 = arith.muli %arg1, %mul3A_3 : i32
    "tpu.region"() ({
      %run_scoped3A = tpu.sem_alloc : memref<!tpu.dma_semaphore, #tpu.memory_space<semaphore_mem>>
      %dma_start3A = arith.constant 0 : i32
      %dma_start3A_73 = tpu.memref_slice %arg10[%mul3A_4, %dma_start3A] : memref<10112x128xf32, #tpu.memory_space<vmem_shared>> -> memref<632x128xf32, #tpu.memory_space<vmem_shared>>
      %dma_start3A_74 = arith.constant 0 : i32
      %dma_start3A_75 = tpu.memref_slice %arg5[%mul3A_2, %dma_start3A_74] : memref<10112x128xf32, #tpu.memory_space<hbm>> -> memref<632x128xf32, #tpu.memory_space<hbm>>
      tpu.enqueue_dma source(%dma_start3A_75 : memref<632x128xf32, #tpu.memory_space<hbm>>) target(%dma_start3A_73 : memref<632x128xf32, #tpu.memory_space<vmem_shared>>) target_semaphore(%run_scoped3A : memref<!tpu.dma_semaphore, #tpu.memory_space<semaphore_mem>>)
      %dma_wait3A = arith.constant 0 : i32
      %dma_wait3A_76 = tpu.memref_slice %arg10[%mul3A_4, %dma_wait3A] : memref<10112x128xf32, #tpu.memory_space<vmem_shared>> -> memref<632x128xf32, #tpu.memory_space<vmem_shared>>
      %dma_wait3A_77 = arith.constant 0 : i32
      %dma_wait3A_78 = tpu.memref_slice %arg5[%mul3A_2, %dma_wait3A_77] : memref<10112x128xf32, #tpu.memory_space<hbm>> -> memref<632x128xf32, #tpu.memory_space<hbm>>
      tpu.wait_dma2 semaphore(%run_scoped3A : memref<!tpu.dma_semaphore, #tpu.memory_space<semaphore_mem>>) src(%dma_wait3A_78 : memref<632x128xf32, #tpu.memory_space<hbm>>) dst(%dma_wait3A_76 : memref<632x128xf32, #tpu.memory_space<vmem_shared>>)
      tpu.yield
    }) : () -> ()
    %barrier3A = arith.constant 0 : index
    tpu.barrier barrier_id(%barrier3A)
    %mul3A_5 = arith.constant 160 : i32
    %mul3A_6 = arith.muli %add3A, %mul3A_5 : i32
    %add3A_7 = arith.constant 0 : i32
    %add3A_8 = arith.addi %mul3A_6, %add3A_7 : i32
    "tpu.region"() ({
      %run_scoped3A = tpu.sem_alloc : memref<!tpu.dma_semaphore, #tpu.memory_space<semaphore_mem>>
      %dma_start3A = arith.constant 0 : i32
      %dma_start3A_73 = tpu.memref_slice %arg3[%add3A_8, %dma_start3A] : memref<5120x64xi32, #tpu.memory_space<hbm>> -> memref<40x64xi32, #tpu.memory_space<hbm>>
      %dma_start3A_74 = arith.constant 0 : i32
      %dma_start3A_75 = tpu.memref_slice %arg3[%add3A_8, %dma_start3A_74] : memref<5120x64xi32, #tpu.memory_space<hbm>> -> memref<40x64xi32, #tpu.memory_space<hbm>>
      tpu.enqueue_dma source(%dma_start3A_75 : memref<40x64xi32, #tpu.memory_space<hbm>>) target(%arg7 : memref<40x64xi32, #tpu.memory_space<vmem>>) target_semaphore(%run_scoped3A : memref<!tpu.dma_semaphore, #tpu.memory_space<semaphore_mem>>)
      %dma_wait3A = arith.constant 0 : i32
      %dma_wait3A_76 = tpu.memref_slice %arg3[%add3A_8, %dma_wait3A] : memref<5120x64xi32, #tpu.memory_space<hbm>> -> memref<40x64xi32, #tpu.memory_space<hbm>>
      %dma_wait3A_77 = arith.constant 0 : i32
      %dma_wait3A_78 = tpu.memref_slice %arg3[%add3A_8, %dma_wait3A_77] : memref<5120x64xi32, #tpu.memory_space<hbm>> -> memref<40x64xi32, #tpu.memory_space<hbm>>
      tpu.wait_dma2 semaphore(%run_scoped3A : memref<!tpu.dma_semaphore, #tpu.memory_space<semaphore_mem>>) src(%dma_wait3A_78 : memref<40x64xi32, #tpu.memory_space<hbm>>) dst(%arg7 : memref<40x64xi32, #tpu.memory_space<vmem>>)
      tpu.yield
    }) : () -> ()
    "tpu.region"() ({
      %run_scoped3A = tpu.sem_alloc : memref<!tpu.dma_semaphore, #tpu.memory_space<semaphore_mem>>
      %dma_start3A = arith.constant 0 : i32
      %dma_start3A_73 = tpu.memref_slice %arg4[%add3A_8, %dma_start3A] : memref<5120x64xi32, #tpu.memory_space<hbm>> -> memref<40x64xi32, #tpu.memory_space<hbm>>
      %dma_start3A_74 = arith.constant 0 : i32
      %dma_start3A_75 = tpu.memref_slice %arg4[%add3A_8, %dma_start3A_74] : memref<5120x64xi32, #tpu.memory_space<hbm>> -> memref<40x64xi32, #tpu.memory_space<hbm>>
      tpu.enqueue_dma source(%dma_start3A_75 : memref<40x64xi32, #tpu.memory_space<hbm>>) target(%arg8 : memref<40x64xi32, #tpu.memory_space<vmem>>) target_semaphore(%run_scoped3A : memref<!tpu.dma_semaphore, #tpu.memory_space<semaphore_mem>>)
      %dma_wait3A = arith.constant 0 : i32
      %dma_wait3A_76 = tpu.memref_slice %arg4[%add3A_8, %dma_wait3A] : memref<5120x64xi32, #tpu.memory_space<hbm>> -> memref<40x64xi32, #tpu.memory_space<hbm>>
      %dma_wait3A_77 = arith.constant 0 : i32
      %dma_wait3A_78 = tpu.memref_slice %arg4[%add3A_8, %dma_wait3A_77] : memref<5120x64xi32, #tpu.memory_space<hbm>> -> memref<40x64xi32, #tpu.memory_space<hbm>>
      tpu.wait_dma2 semaphore(%run_scoped3A : memref<!tpu.dma_semaphore, #tpu.memory_space<semaphore_mem>>) src(%dma_wait3A_78 : memref<40x64xi32, #tpu.memory_space<hbm>>) dst(%arg8 : memref<40x64xi32, #tpu.memory_space<vmem>>)
      tpu.yield
    }) : () -> ()
    %scan3A = arith.constant 0 : i32
    %scan3A_9 = arith.constant 0 : i32
    %scan3A_10 = arith.constant 4 : i32
    %scan3A_11 = arith.addi %scan3A_9, %scan3A_10 : i32
    %scan3A_12 = arith.constant 1 : i32
    scf.for %scan3A_73 = %scan3A_9 to %scan3A_11 step %scan3A_12  : i32 {
      %dma_start3A = arith.constant 0 : i32
      %dma_start3A_74 = arith.constant 0 : i32
      %dma_start3A_75 = tpu.memref_slice %arg9[%scan3A_73, %dma_start3A, %dma_start3A_74] : memref<4x64x128xf32, #tpu.memory_space<vmem>> -> memref<1x64x128xf32, #tpu.memory_space<vmem>>
      %dma_start3A_76 = tpu.memref_squeeze %dma_start3A_75 : memref<1x64x128xf32, #tpu.memory_space<vmem>> -> memref<64x128xf32, #tpu.memory_space<vmem>>
      %dma_start3A_77 = arith.constant 0 : i32
      %dma_start3A_78 = tpu.memref_slice %arg7[%scan3A_73, %dma_start3A_77] : memref<40x64xi32, #tpu.memory_space<vmem>> -> memref<1x64xi32, #tpu.memory_space<vmem>>
      %dma_start3A_79 = tpu.memref_squeeze %dma_start3A_78 : memref<1x64xi32, #tpu.memory_space<vmem>> -> memref<64xi32, #tpu.memory_space<vmem>>
      %dma_start3A_80 = arith.constant 0 : i32
      %dma_start3A_81 = arith.constant 0 : i32
      %dma_start3A_82 = tpu.memref_slice %arg2[%dma_start3A_80, %dma_start3A_81] : memref<10000x128xf32, #tpu.memory_space<hbm>> -> memref<10000x128xf32, #tpu.memory_space<hbm>>
      %dma_start3A_83 = tpu.memref_slice %arg11[%scan3A_73] : memref<4x!tpu.dma_semaphore, #tpu.memory_space<semaphore_mem>> -> memref<1x!tpu.dma_semaphore, #tpu.memory_space<semaphore_mem>>
      %dma_start3A_84 = tpu.memref_squeeze %dma_start3A_83 : memref<1x!tpu.dma_semaphore, #tpu.memory_space<semaphore_mem>> -> memref<!tpu.dma_semaphore, #tpu.memory_space<semaphore_mem>>
      tpu.enqueue_indirect_dma source(%dma_start3A_82 : memref<10000x128xf32, #tpu.memory_space<hbm>>) target(%dma_start3A_76 : memref<64x128xf32, #tpu.memory_space<vmem>>) offsets(%dma_start3A_79 : memref<64xi32, #tpu.memory_space<vmem>>) semaphore(%dma_start3A_84 : memref<!tpu.dma_semaphore, #tpu.memory_space<semaphore_mem>>)
    }
    %scan3A_13 = arith.constant 4 : i32
    %scan3A_14 = arith.constant 0 : i32
    %scan3A_15 = arith.constant 0 : i32
    %scan3A_16 = arith.constant 40 : i32
    %scan3A_17 = arith.addi %scan3A_15, %scan3A_16 : i32
    %scan3A_18 = arith.constant 1 : i32
    scf.for %scan3A_73 = %scan3A_15 to %scan3A_17 step %scan3A_18  : i32 {
      %rem3A = arith.constant 4 : i32
      %rem3A_74 = arith.remsi %scan3A_73, %rem3A : i32
      %dma_wait3A = arith.constant 0 : i32
      %dma_wait3A_75 = arith.constant 0 : i32
      %dma_wait3A_76 = tpu.memref_slice %arg9[%rem3A_74, %dma_wait3A, %dma_wait3A_75] : memref<4x64x128xf32, #tpu.memory_space<vmem>> -> memref<1x64x128xf32, #tpu.memory_space<vmem>>
      %dma_wait3A_77 = tpu.memref_squeeze %dma_wait3A_76 : memref<1x64x128xf32, #tpu.memory_space<vmem>> -> memref<64x128xf32, #tpu.memory_space<vmem>>
      %dma_wait3A_78 = arith.constant 0 : i32
      %dma_wait3A_79 = tpu.memref_slice %arg7[%scan3A_73, %dma_wait3A_78] : memref<40x64xi32, #tpu.memory_space<vmem>> -> memref<1x64xi32, #tpu.memory_space<vmem>>
      %dma_wait3A_80 = tpu.memref_squeeze %dma_wait3A_79 : memref<1x64xi32, #tpu.memory_space<vmem>> -> memref<64xi32, #tpu.memory_space<vmem>>
      %dma_wait3A_81 = arith.constant 0 : i32
      %dma_wait3A_82 = arith.constant 0 : i32
      %dma_wait3A_83 = tpu.memref_slice %arg2[%dma_wait3A_81, %dma_wait3A_82] : memref<10000x128xf32, #tpu.memory_space<hbm>> -> memref<10000x128xf32, #tpu.memory_space<hbm>>
      %dma_wait3A_84 = tpu.memref_slice %arg11[%rem3A_74] : memref<4x!tpu.dma_semaphore, #tpu.memory_space<semaphore_mem>> -> memref<1x!tpu.dma_semaphore, #tpu.memory_space<semaphore_mem>>
      %dma_wait3A_85 = tpu.memref_squeeze %dma_wait3A_84 : memref<1x!tpu.dma_semaphore, #tpu.memory_space<semaphore_mem>> -> memref<!tpu.dma_semaphore, #tpu.memory_space<semaphore_mem>>
      tpu.wait_indirect_dma semaphore(%dma_wait3A_85 : memref<!tpu.dma_semaphore, #tpu.memory_space<semaphore_mem>>) src(%dma_wait3A_83 : memref<10000x128xf32, #tpu.memory_space<hbm>>) dst(%dma_wait3A_77 : memref<64x128xf32, #tpu.memory_space<vmem>>)
      "tpu.region"() ({
        %run_scoped3A = tpu.sem_alloc : memref<!tpu.dma_semaphore, #tpu.memory_space<semaphore_mem>>
        %dma_start3A = arith.constant 0 : i32
        %dma_start3A_90 = arith.constant 0 : i32
        %dma_start3A_91 = tpu.memref_slice %arg9[%rem3A_74, %dma_start3A, %dma_start3A_90] : memref<4x64x128xf32, #tpu.memory_space<vmem>> -> memref<1x64x128xf32, #tpu.memory_space<vmem>>
        %dma_start3A_92 = tpu.memref_squeeze %dma_start3A_91 : memref<1x64x128xf32, #tpu.memory_space<vmem>> -> memref<64x128xf32, #tpu.memory_space<vmem>>
        %dma_start3A_93 = arith.constant 0 : i32
        %dma_start3A_94 = tpu.memref_slice %arg8[%scan3A_73, %dma_start3A_93] : memref<40x64xi32, #tpu.memory_space<vmem>> -> memref<1x64xi32, #tpu.memory_space<vmem>>
        %dma_start3A_95 = tpu.memref_squeeze %dma_start3A_94 : memref<1x64xi32, #tpu.memory_space<vmem>> -> memref<64xi32, #tpu.memory_space<vmem>>
        %dma_start3A_96 = arith.constant 0 : i32
        %dma_start3A_97 = arith.constant 0 : i32
        %dma_start3A_98 = tpu.memref_slice %arg10[%dma_start3A_96, %dma_start3A_97] : memref<10112x128xf32, #tpu.memory_space<vmem_shared>> -> memref<10112x128xf32, #tpu.memory_space<vmem_shared>>
        tpu.enqueue_indirect_dma source(%dma_start3A_92 : memref<64x128xf32, #tpu.memory_space<vmem>>) target(%dma_start3A_98 : memref<10112x128xf32, #tpu.memory_space<vmem_shared>>) offsets(%dma_start3A_95 : memref<64xi32, #tpu.memory_space<vmem>>) semaphore(%run_scoped3A : memref<!tpu.dma_semaphore, #tpu.memory_space<semaphore_mem>>) {add = true}
        %dma_wait3A_99 = arith.constant 0 : i32
        %dma_wait3A_100 = arith.constant 0 : i32
        %dma_wait3A_101 = tpu.memref_slice %arg9[%rem3A_74, %dma_wait3A_99, %dma_wait3A_100] : memref<4x64x128xf32, #tpu.memory_space<vmem>> -> memref<1x64x128xf32, #tpu.memory_space<vmem>>
        %dma_wait3A_102 = tpu.memref_squeeze %dma_wait3A_101 : memref<1x64x128xf32, #tpu.memory_space<vmem>> -> memref<64x128xf32, #tpu.memory_space<vmem>>
        %dma_wait3A_103 = arith.constant 0 : i32
        %dma_wait3A_104 = tpu.memref_slice %arg8[%scan3A_73, %dma_wait3A_103] : memref<40x64xi32, #tpu.memory_space<vmem>> -> memref<1x64xi32, #tpu.memory_space<vmem>>
        %dma_wait3A_105 = tpu.memref_squeeze %dma_wait3A_104 : memref<1x64xi32, #tpu.memory_space<vmem>> -> memref<64xi32, #tpu.memory_space<vmem>>
        %dma_wait3A_106 = arith.constant 0 : i32
        %dma_wait3A_107 = arith.constant 0 : i32
        %dma_wait3A_108 = tpu.memref_slice %arg10[%dma_wait3A_106, %dma_wait3A_107] : memref<10112x128xf32, #tpu.memory_space<vmem_shared>> -> memref<10112x128xf32, #tpu.memory_space<vmem_shared>>
        tpu.wait_indirect_dma semaphore(%run_scoped3A : memref<!tpu.dma_semaphore, #tpu.memory_space<semaphore_mem>>) src(%dma_wait3A_102 : memref<64x128xf32, #tpu.memory_space<vmem>>) dst(%dma_wait3A_108 : memref<10112x128xf32, #tpu.memory_space<vmem_shared>>)
        tpu.yield
      }) : () -> ()
      %add3A_86 = arith.constant 4 : i32
      %add3A_87 = arith.addi %scan3A_73, %add3A_86 : i32
      %lt3A = arith.constant 40 : i32
      %lt3A_88 = arith.cmpi slt, %add3A_87, %lt3A : i32
      %convert_element_type3A = arith.extui %lt3A_88 : i1 to i32
      %cond3A = arith.constant 0 : i32
      %cond3A_89 = arith.cmpi ne, %convert_element_type3A, %cond3A : i32
      scf.if %cond3A_89 {
        %add3A_90 = arith.constant 4 : i32
        %add3A_91 = arith.addi %scan3A_73, %add3A_90 : i32
        %dma_start3A = arith.constant 0 : i32
        %dma_start3A_92 = arith.constant 0 : i32
        %dma_start3A_93 = tpu.memref_slice %arg9[%rem3A_74, %dma_start3A, %dma_start3A_92] : memref<4x64x128xf32, #tpu.memory_space<vmem>> -> memref<1x64x128xf32, #tpu.memory_space<vmem>>
        %dma_start3A_94 = tpu.memref_squeeze %dma_start3A_93 : memref<1x64x128xf32, #tpu.memory_space<vmem>> -> memref<64x128xf32, #tpu.memory_space<vmem>>
        %dma_start3A_95 = arith.constant 0 : i32
        %dma_start3A_96 = tpu.memref_slice %arg7[%add3A_91, %dma_start3A_95] : memref<40x64xi32, #tpu.memory_space<vmem>> -> memref<1x64xi32, #tpu.memory_space<vmem>>
        %dma_start3A_97 = tpu.memref_squeeze %dma_start3A_96 : memref<1x64xi32, #tpu.memory_space<vmem>> -> memref<64xi32, #tpu.memory_space<vmem>>
        %dma_start3A_98 = arith.constant 0 : i32
        %dma_start3A_99 = arith.constant 0 : i32
        %dma_start3A_100 = tpu.memref_slice %arg2[%dma_start3A_98, %dma_start3A_99] : memref<10000x128xf32, #tpu.memory_space<hbm>> -> memref<10000x128xf32, #tpu.memory_space<hbm>>
        %dma_start3A_101 = tpu.memref_slice %arg11[%rem3A_74] : memref<4x!tpu.dma_semaphore, #tpu.memory_space<semaphore_mem>> -> memref<1x!tpu.dma_semaphore, #tpu.memory_space<semaphore_mem>>
        %dma_start3A_102 = tpu.memref_squeeze %dma_start3A_101 : memref<1x!tpu.dma_semaphore, #tpu.memory_space<semaphore_mem>> -> memref<!tpu.dma_semaphore, #tpu.memory_space<semaphore_mem>>
        tpu.enqueue_indirect_dma source(%dma_start3A_100 : memref<10000x128xf32, #tpu.memory_space<hbm>>) target(%dma_start3A_94 : memref<64x128xf32, #tpu.memory_space<vmem>>) offsets(%dma_start3A_97 : memref<64xi32, #tpu.memory_space<vmem>>) semaphore(%dma_start3A_102 : memref<!tpu.dma_semaphore, #tpu.memory_space<semaphore_mem>>)
      } else {
      }
    }
    %scan3A_19 = arith.constant 40 : i32
    %mul3A_20 = arith.constant 160 : i32
    %mul3A_21 = arith.muli %add3A, %mul3A_20 : i32
    %add3A_22 = arith.constant 40 : i32
    %add3A_23 = arith.addi %mul3A_21, %add3A_22 : i32
    "tpu.region"() ({
      %run_scoped3A = tpu.sem_alloc : memref<!tpu.dma_semaphore, #tpu.memory_space<semaphore_mem>>
      %dma_start3A = arith.constant 0 : i32
      %dma_start3A_73 = tpu.memref_slice %arg3[%add3A_23, %dma_start3A] : memref<5120x64xi32, #tpu.memory_space<hbm>> -> memref<40x64xi32, #tpu.memory_space<hbm>>
      %dma_start3A_74 = arith.constant 0 : i32
      %dma_start3A_75 = tpu.memref_slice %arg3[%add3A_23, %dma_start3A_74] : memref<5120x64xi32, #tpu.memory_space<hbm>> -> memref<40x64xi32, #tpu.memory_space<hbm>>
      tpu.enqueue_dma source(%dma_start3A_75 : memref<40x64xi32, #tpu.memory_space<hbm>>) target(%arg7 : memref<40x64xi32, #tpu.memory_space<vmem>>) target_semaphore(%run_scoped3A : memref<!tpu.dma_semaphore, #tpu.memory_space<semaphore_mem>>)
      %dma_wait3A = arith.constant 0 : i32
      %dma_wait3A_76 = tpu.memref_slice %arg3[%add3A_23, %dma_wait3A] : memref<5120x64xi32, #tpu.memory_space<hbm>> -> memref<40x64xi32, #tpu.memory_space<hbm>>
      %dma_wait3A_77 = arith.constant 0 : i32
      %dma_wait3A_78 = tpu.memref_slice %arg3[%add3A_23, %dma_wait3A_77] : memref<5120x64xi32, #tpu.memory_space<hbm>> -> memref<40x64xi32, #tpu.memory_space<hbm>>
      tpu.wait_dma2 semaphore(%run_scoped3A : memref<!tpu.dma_semaphore, #tpu.memory_space<semaphore_mem>>) src(%dma_wait3A_78 : memref<40x64xi32, #tpu.memory_space<hbm>>) dst(%arg7 : memref<40x64xi32, #tpu.memory_space<vmem>>)
      tpu.yield
    }) : () -> ()
    "tpu.region"() ({
      %run_scoped3A = tpu.sem_alloc : memref<!tpu.dma_semaphore, #tpu.memory_space<semaphore_mem>>
      %dma_start3A = arith.constant 0 : i32
      %dma_start3A_73 = tpu.memref_slice %arg4[%add3A_23, %dma_start3A] : memref<5120x64xi32, #tpu.memory_space<hbm>> -> memref<40x64xi32, #tpu.memory_space<hbm>>
      %dma_start3A_74 = arith.constant 0 : i32
      %dma_start3A_75 = tpu.memref_slice %arg4[%add3A_23, %dma_start3A_74] : memref<5120x64xi32, #tpu.memory_space<hbm>> -> memref<40x64xi32, #tpu.memory_space<hbm>>
      tpu.enqueue_dma source(%dma_start3A_75 : memref<40x64xi32, #tpu.memory_space<hbm>>) target(%arg8 : memref<40x64xi32, #tpu.memory_space<vmem>>) target_semaphore(%run_scoped3A : memref<!tpu.dma_semaphore, #tpu.memory_space<semaphore_mem>>)
      %dma_wait3A = arith.constant 0 : i32
      %dma_wait3A_76 = tpu.memref_slice %arg4[%add3A_23, %dma_wait3A] : memref<5120x64xi32, #tpu.memory_space<hbm>> -> memref<40x64xi32, #tpu.memory_space<hbm>>
      %dma_wait3A_77 = arith.constant 0 : i32
      %dma_wait3A_78 = tpu.memref_slice %arg4[%add3A_23, %dma_wait3A_77] : memref<5120x64xi32, #tpu.memory_space<hbm>> -> memref<40x64xi32, #tpu.memory_space<hbm>>
      tpu.wait_dma2 semaphore(%run_scoped3A : memref<!tpu.dma_semaphore, #tpu.memory_space<semaphore_mem>>) src(%dma_wait3A_78 : memref<40x64xi32, #tpu.memory_space<hbm>>) dst(%arg8 : memref<40x64xi32, #tpu.memory_space<vmem>>)
      tpu.yield
    }) : () -> ()
    %scan3A_24 = arith.constant 0 : i32
    %scan3A_25 = arith.constant 0 : i32
    %scan3A_26 = arith.constant 4 : i32
    %scan3A_27 = arith.addi %scan3A_25, %scan3A_26 : i32
    %scan3A_28 = arith.constant 1 : i32
    scf.for %scan3A_73 = %scan3A_25 to %scan3A_27 step %scan3A_28  : i32 {
      %dma_start3A = arith.constant 0 : i32
      %dma_start3A_74 = arith.constant 0 : i32
      %dma_start3A_75 = tpu.memref_slice %arg9[%scan3A_73, %dma_start3A, %dma_start3A_74] : memref<4x64x128xf32, #tpu.memory_space<vmem>> -> memref<1x64x128xf32, #tpu.memory_space<vmem>>
      %dma_start3A_76 = tpu.memref_squeeze %dma_start3A_75 : memref<1x64x128xf32, #tpu.memory_space<vmem>> -> memref<64x128xf32, #tpu.memory_space<vmem>>
      %dma_start3A_77 = arith.constant 0 : i32
      %dma_start3A_78 = tpu.memref_slice %arg7[%scan3A_73, %dma_start3A_77] : memref<40x64xi32, #tpu.memory_space<vmem>> -> memref<1x64xi32, #tpu.memory_space<vmem>>
      %dma_start3A_79 = tpu.memref_squeeze %dma_start3A_78 : memref<1x64xi32, #tpu.memory_space<vmem>> -> memref<64xi32, #tpu.memory_space<vmem>>
      %dma_start3A_80 = arith.constant 0 : i32
      %dma_start3A_81 = arith.constant 0 : i32
      %dma_start3A_82 = tpu.memref_slice %arg2[%dma_start3A_80, %dma_start3A_81] : memref<10000x128xf32, #tpu.memory_space<hbm>> -> memref<10000x128xf32, #tpu.memory_space<hbm>>
      %dma_start3A_83 = tpu.memref_slice %arg11[%scan3A_73] : memref<4x!tpu.dma_semaphore, #tpu.memory_space<semaphore_mem>> -> memref<1x!tpu.dma_semaphore, #tpu.memory_space<semaphore_mem>>
      %dma_start3A_84 = tpu.memref_squeeze %dma_start3A_83 : memref<1x!tpu.dma_semaphore, #tpu.memory_space<semaphore_mem>> -> memref<!tpu.dma_semaphore, #tpu.memory_space<semaphore_mem>>
      tpu.enqueue_indirect_dma source(%dma_start3A_82 : memref<10000x128xf32, #tpu.memory_space<hbm>>) target(%dma_start3A_76 : memref<64x128xf32, #tpu.memory_space<vmem>>) offsets(%dma_start3A_79 : memref<64xi32, #tpu.memory_space<vmem>>) semaphore(%dma_start3A_84 : memref<!tpu.dma_semaphore, #tpu.memory_space<semaphore_mem>>)
    }
    %scan3A_29 = arith.constant 4 : i32
    %scan3A_30 = arith.constant 0 : i32
    %scan3A_31 = arith.constant 0 : i32
    %scan3A_32 = arith.constant 40 : i32
    %scan3A_33 = arith.addi %scan3A_31, %scan3A_32 : i32
    %scan3A_34 = arith.constant 1 : i32
    scf.for %scan3A_73 = %scan3A_31 to %scan3A_33 step %scan3A_34  : i32 {
      %rem3A = arith.constant 4 : i32
      %rem3A_74 = arith.remsi %scan3A_73, %rem3A : i32
      %dma_wait3A = arith.constant 0 : i32
      %dma_wait3A_75 = arith.constant 0 : i32
      %dma_wait3A_76 = tpu.memref_slice %arg9[%rem3A_74, %dma_wait3A, %dma_wait3A_75] : memref<4x64x128xf32, #tpu.memory_space<vmem>> -> memref<1x64x128xf32, #tpu.memory_space<vmem>>
      %dma_wait3A_77 = tpu.memref_squeeze %dma_wait3A_76 : memref<1x64x128xf32, #tpu.memory_space<vmem>> -> memref<64x128xf32, #tpu.memory_space<vmem>>
      %dma_wait3A_78 = arith.constant 0 : i32
      %dma_wait3A_79 = tpu.memref_slice %arg7[%scan3A_73, %dma_wait3A_78] : memref<40x64xi32, #tpu.memory_space<vmem>> -> memref<1x64xi32, #tpu.memory_space<vmem>>
      %dma_wait3A_80 = tpu.memref_squeeze %dma_wait3A_79 : memref<1x64xi32, #tpu.memory_space<vmem>> -> memref<64xi32, #tpu.memory_space<vmem>>
      %dma_wait3A_81 = arith.constant 0 : i32
      %dma_wait3A_82 = arith.constant 0 : i32
      %dma_wait3A_83 = tpu.memref_slice %arg2[%dma_wait3A_81, %dma_wait3A_82] : memref<10000x128xf32, #tpu.memory_space<hbm>> -> memref<10000x128xf32, #tpu.memory_space<hbm>>
      %dma_wait3A_84 = tpu.memref_slice %arg11[%rem3A_74] : memref<4x!tpu.dma_semaphore, #tpu.memory_space<semaphore_mem>> -> memref<1x!tpu.dma_semaphore, #tpu.memory_space<semaphore_mem>>
      %dma_wait3A_85 = tpu.memref_squeeze %dma_wait3A_84 : memref<1x!tpu.dma_semaphore, #tpu.memory_space<semaphore_mem>> -> memref<!tpu.dma_semaphore, #tpu.memory_space<semaphore_mem>>
      tpu.wait_indirect_dma semaphore(%dma_wait3A_85 : memref<!tpu.dma_semaphore, #tpu.memory_space<semaphore_mem>>) src(%dma_wait3A_83 : memref<10000x128xf32, #tpu.memory_space<hbm>>) dst(%dma_wait3A_77 : memref<64x128xf32, #tpu.memory_space<vmem>>)
      "tpu.region"() ({
        %run_scoped3A = tpu.sem_alloc : memref<!tpu.dma_semaphore, #tpu.memory_space<semaphore_mem>>
        %dma_start3A = arith.constant 0 : i32
        %dma_start3A_90 = arith.constant 0 : i32
        %dma_start3A_91 = tpu.memref_slice %arg9[%rem3A_74, %dma_start3A, %dma_start3A_90] : memref<4x64x128xf32, #tpu.memory_space<vmem>> -> memref<1x64x128xf32, #tpu.memory_space<vmem>>
        %dma_start3A_92 = tpu.memref_squeeze %dma_start3A_91 : memref<1x64x128xf32, #tpu.memory_space<vmem>> -> memref<64x128xf32, #tpu.memory_space<vmem>>
        %dma_start3A_93 = arith.constant 0 : i32
        %dma_start3A_94 = tpu.memref_slice %arg8[%scan3A_73, %dma_start3A_93] : memref<40x64xi32, #tpu.memory_space<vmem>> -> memref<1x64xi32, #tpu.memory_space<vmem>>
        %dma_start3A_95 = tpu.memref_squeeze %dma_start3A_94 : memref<1x64xi32, #tpu.memory_space<vmem>> -> memref<64xi32, #tpu.memory_space<vmem>>
        %dma_start3A_96 = arith.constant 0 : i32
        %dma_start3A_97 = arith.constant 0 : i32
        %dma_start3A_98 = tpu.memref_slice %arg10[%dma_start3A_96, %dma_start3A_97] : memref<10112x128xf32, #tpu.memory_space<vmem_shared>> -> memref<10112x128xf32, #tpu.memory_space<vmem_shared>>
        tpu.enqueue_indirect_dma source(%dma_start3A_92 : memref<64x128xf32, #tpu.memory_space<vmem>>) target(%dma_start3A_98 : memref<10112x128xf32, #tpu.memory_space<vmem_shared>>) offsets(%dma_start3A_95 : memref<64xi32, #tpu.memory_space<vmem>>) semaphore(%run_scoped3A : memref<!tpu.dma_semaphore, #tpu.memory_space<semaphore_mem>>) {add = true}
        %dma_wait3A_99 = arith.constant 0 : i32
        %dma_wait3A_100 = arith.constant 0 : i32
        %dma_wait3A_101 = tpu.memref_slice %arg9[%rem3A_74, %dma_wait3A_99, %dma_wait3A_100] : memref<4x64x128xf32, #tpu.memory_space<vmem>> -> memref<1x64x128xf32, #tpu.memory_space<vmem>>
        %dma_wait3A_102 = tpu.memref_squeeze %dma_wait3A_101 : memref<1x64x128xf32, #tpu.memory_space<vmem>> -> memref<64x128xf32, #tpu.memory_space<vmem>>
        %dma_wait3A_103 = arith.constant 0 : i32
        %dma_wait3A_104 = tpu.memref_slice %arg8[%scan3A_73, %dma_wait3A_103] : memref<40x64xi32, #tpu.memory_space<vmem>> -> memref<1x64xi32, #tpu.memory_space<vmem>>
        %dma_wait3A_105 = tpu.memref_squeeze %dma_wait3A_104 : memref<1x64xi32, #tpu.memory_space<vmem>> -> memref<64xi32, #tpu.memory_space<vmem>>
        %dma_wait3A_106 = arith.constant 0 : i32
        %dma_wait3A_107 = arith.constant 0 : i32
        %dma_wait3A_108 = tpu.memref_slice %arg10[%dma_wait3A_106, %dma_wait3A_107] : memref<10112x128xf32, #tpu.memory_space<vmem_shared>> -> memref<10112x128xf32, #tpu.memory_space<vmem_shared>>
        tpu.wait_indirect_dma semaphore(%run_scoped3A : memref<!tpu.dma_semaphore, #tpu.memory_space<semaphore_mem>>) src(%dma_wait3A_102 : memref<64x128xf32, #tpu.memory_space<vmem>>) dst(%dma_wait3A_108 : memref<10112x128xf32, #tpu.memory_space<vmem_shared>>)
        tpu.yield
      }) : () -> ()
      %add3A_86 = arith.constant 4 : i32
      %add3A_87 = arith.addi %scan3A_73, %add3A_86 : i32
      %lt3A = arith.constant 40 : i32
      %lt3A_88 = arith.cmpi slt, %add3A_87, %lt3A : i32
      %convert_element_type3A = arith.extui %lt3A_88 : i1 to i32
      %cond3A = arith.constant 0 : i32
      %cond3A_89 = arith.cmpi ne, %convert_element_type3A, %cond3A : i32
      scf.if %cond3A_89 {
        %add3A_90 = arith.constant 4 : i32
        %add3A_91 = arith.addi %scan3A_73, %add3A_90 : i32
        %dma_start3A = arith.constant 0 : i32
        %dma_start3A_92 = arith.constant 0 : i32
        %dma_start3A_93 = tpu.memref_slice %arg9[%rem3A_74, %dma_start3A, %dma_start3A_92] : memref<4x64x128xf32, #tpu.memory_space<vmem>> -> memref<1x64x128xf32, #tpu.memory_space<vmem>>
        %dma_start3A_94 = tpu.memref_squeeze %dma_start3A_93 : memref<1x64x128xf32, #tpu.memory_space<vmem>> -> memref<64x128xf32, #tpu.memory_space<vmem>>
        %dma_start3A_95 = arith.constant 0 : i32
        %dma_start3A_96 = tpu.memref_slice %arg7[%add3A_91, %dma_start3A_95] : memref<40x64xi32, #tpu.memory_space<vmem>> -> memref<1x64xi32, #tpu.memory_space<vmem>>
        %dma_start3A_97 = tpu.memref_squeeze %dma_start3A_96 : memref<1x64xi32, #tpu.memory_space<vmem>> -> memref<64xi32, #tpu.memory_space<vmem>>
        %dma_start3A_98 = arith.constant 0 : i32
        %dma_start3A_99 = arith.constant 0 : i32
        %dma_start3A_100 = tpu.memref_slice %arg2[%dma_start3A_98, %dma_start3A_99] : memref<10000x128xf32, #tpu.memory_space<hbm>> -> memref<10000x128xf32, #tpu.memory_space<hbm>>
        %dma_start3A_101 = tpu.memref_slice %arg11[%rem3A_74] : memref<4x!tpu.dma_semaphore, #tpu.memory_space<semaphore_mem>> -> memref<1x!tpu.dma_semaphore, #tpu.memory_space<semaphore_mem>>
        %dma_start3A_102 = tpu.memref_squeeze %dma_start3A_101 : memref<1x!tpu.dma_semaphore, #tpu.memory_space<semaphore_mem>> -> memref<!tpu.dma_semaphore, #tpu.memory_space<semaphore_mem>>
        tpu.enqueue_indirect_dma source(%dma_start3A_100 : memref<10000x128xf32, #tpu.memory_space<hbm>>) target(%dma_start3A_94 : memref<64x128xf32, #tpu.memory_space<vmem>>) offsets(%dma_start3A_97 : memref<64xi32, #tpu.memory_space<vmem>>) semaphore(%dma_start3A_102 : memref<!tpu.dma_semaphore, #tpu.memory_space<semaphore_mem>>)
      } else {
      }
    }
    %scan3A_35 = arith.constant 40 : i32
    %mul3A_36 = arith.constant 160 : i32
    %mul3A_37 = arith.muli %add3A, %mul3A_36 : i32
    %add3A_38 = arith.constant 80 : i32
    %add3A_39 = arith.addi %mul3A_37, %add3A_38 : i32
    "tpu.region"() ({
      %run_scoped3A = tpu.sem_alloc : memref<!tpu.dma_semaphore, #tpu.memory_space<semaphore_mem>>
      %dma_start3A = arith.constant 0 : i32
      %dma_start3A_73 = tpu.memref_slice %arg3[%add3A_39, %dma_start3A] : memref<5120x64xi32, #tpu.memory_space<hbm>> -> memref<40x64xi32, #tpu.memory_space<hbm>>
      %dma_start3A_74 = arith.constant 0 : i32
      %dma_start3A_75 = tpu.memref_slice %arg3[%add3A_39, %dma_start3A_74] : memref<5120x64xi32, #tpu.memory_space<hbm>> -> memref<40x64xi32, #tpu.memory_space<hbm>>
      tpu.enqueue_dma source(%dma_start3A_75 : memref<40x64xi32, #tpu.memory_space<hbm>>) target(%arg7 : memref<40x64xi32, #tpu.memory_space<vmem>>) target_semaphore(%run_scoped3A : memref<!tpu.dma_semaphore, #tpu.memory_space<semaphore_mem>>)
      %dma_wait3A = arith.constant 0 : i32
      %dma_wait3A_76 = tpu.memref_slice %arg3[%add3A_39, %dma_wait3A] : memref<5120x64xi32, #tpu.memory_space<hbm>> -> memref<40x64xi32, #tpu.memory_space<hbm>>
      %dma_wait3A_77 = arith.constant 0 : i32
      %dma_wait3A_78 = tpu.memref_slice %arg3[%add3A_39, %dma_wait3A_77] : memref<5120x64xi32, #tpu.memory_space<hbm>> -> memref<40x64xi32, #tpu.memory_space<hbm>>
      tpu.wait_dma2 semaphore(%run_scoped3A : memref<!tpu.dma_semaphore, #tpu.memory_space<semaphore_mem>>) src(%dma_wait3A_78 : memref<40x64xi32, #tpu.memory_space<hbm>>) dst(%arg7 : memref<40x64xi32, #tpu.memory_space<vmem>>)
      tpu.yield
    }) : () -> ()
    "tpu.region"() ({
      %run_scoped3A = tpu.sem_alloc : memref<!tpu.dma_semaphore, #tpu.memory_space<semaphore_mem>>
      %dma_start3A = arith.constant 0 : i32
      %dma_start3A_73 = tpu.memref_slice %arg4[%add3A_39, %dma_start3A] : memref<5120x64xi32, #tpu.memory_space<hbm>> -> memref<40x64xi32, #tpu.memory_space<hbm>>
      %dma_start3A_74 = arith.constant 0 : i32
      %dma_start3A_75 = tpu.memref_slice %arg4[%add3A_39, %dma_start3A_74] : memref<5120x64xi32, #tpu.memory_space<hbm>> -> memref<40x64xi32, #tpu.memory_space<hbm>>
      tpu.enqueue_dma source(%dma_start3A_75 : memref<40x64xi32, #tpu.memory_space<hbm>>) target(%arg8 : memref<40x64xi32, #tpu.memory_space<vmem>>) target_semaphore(%run_scoped3A : memref<!tpu.dma_semaphore, #tpu.memory_space<semaphore_mem>>)
      %dma_wait3A = arith.constant 0 : i32
      %dma_wait3A_76 = tpu.memref_slice %arg4[%add3A_39, %dma_wait3A] : memref<5120x64xi32, #tpu.memory_space<hbm>> -> memref<40x64xi32, #tpu.memory_space<hbm>>
      %dma_wait3A_77 = arith.constant 0 : i32
      %dma_wait3A_78 = tpu.memref_slice %arg4[%add3A_39, %dma_wait3A_77] : memref<5120x64xi32, #tpu.memory_space<hbm>> -> memref<40x64xi32, #tpu.memory_space<hbm>>
      tpu.wait_dma2 semaphore(%run_scoped3A : memref<!tpu.dma_semaphore, #tpu.memory_space<semaphore_mem>>) src(%dma_wait3A_78 : memref<40x64xi32, #tpu.memory_space<hbm>>) dst(%arg8 : memref<40x64xi32, #tpu.memory_space<vmem>>)
      tpu.yield
    }) : () -> ()
    %scan3A_40 = arith.constant 0 : i32
    %scan3A_41 = arith.constant 0 : i32
    %scan3A_42 = arith.constant 4 : i32
    %scan3A_43 = arith.addi %scan3A_41, %scan3A_42 : i32
    %scan3A_44 = arith.constant 1 : i32
    scf.for %scan3A_73 = %scan3A_41 to %scan3A_43 step %scan3A_44  : i32 {
      %dma_start3A = arith.constant 0 : i32
      %dma_start3A_74 = arith.constant 0 : i32
      %dma_start3A_75 = tpu.memref_slice %arg9[%scan3A_73, %dma_start3A, %dma_start3A_74] : memref<4x64x128xf32, #tpu.memory_space<vmem>> -> memref<1x64x128xf32, #tpu.memory_space<vmem>>
      %dma_start3A_76 = tpu.memref_squeeze %dma_start3A_75 : memref<1x64x128xf32, #tpu.memory_space<vmem>> -> memref<64x128xf32, #tpu.memory_space<vmem>>
      %dma_start3A_77 = arith.constant 0 : i32
      %dma_start3A_78 = tpu.memref_slice %arg7[%scan3A_73, %dma_start3A_77] : memref<40x64xi32, #tpu.memory_space<vmem>> -> memref<1x64xi32, #tpu.memory_space<vmem>>
      %dma_start3A_79 = tpu.memref_squeeze %dma_start3A_78 : memref<1x64xi32, #tpu.memory_space<vmem>> -> memref<64xi32, #tpu.memory_space<vmem>>
      %dma_start3A_80 = arith.constant 0 : i32
      %dma_start3A_81 = arith.constant 0 : i32
      %dma_start3A_82 = tpu.memref_slice %arg2[%dma_start3A_80, %dma_start3A_81] : memref<10000x128xf32, #tpu.memory_space<hbm>> -> memref<10000x128xf32, #tpu.memory_space<hbm>>
      %dma_start3A_83 = tpu.memref_slice %arg11[%scan3A_73] : memref<4x!tpu.dma_semaphore, #tpu.memory_space<semaphore_mem>> -> memref<1x!tpu.dma_semaphore, #tpu.memory_space<semaphore_mem>>
      %dma_start3A_84 = tpu.memref_squeeze %dma_start3A_83 : memref<1x!tpu.dma_semaphore, #tpu.memory_space<semaphore_mem>> -> memref<!tpu.dma_semaphore, #tpu.memory_space<semaphore_mem>>
      tpu.enqueue_indirect_dma source(%dma_start3A_82 : memref<10000x128xf32, #tpu.memory_space<hbm>>) target(%dma_start3A_76 : memref<64x128xf32, #tpu.memory_space<vmem>>) offsets(%dma_start3A_79 : memref<64xi32, #tpu.memory_space<vmem>>) semaphore(%dma_start3A_84 : memref<!tpu.dma_semaphore, #tpu.memory_space<semaphore_mem>>)
    }
    %scan3A_45 = arith.constant 4 : i32
    %scan3A_46 = arith.constant 0 : i32
    %scan3A_47 = arith.constant 0 : i32
    %scan3A_48 = arith.constant 40 : i32
    %scan3A_49 = arith.addi %scan3A_47, %scan3A_48 : i32
    %scan3A_50 = arith.constant 1 : i32
    scf.for %scan3A_73 = %scan3A_47 to %scan3A_49 step %scan3A_50  : i32 {
      %rem3A = arith.constant 4 : i32
      %rem3A_74 = arith.remsi %scan3A_73, %rem3A : i32
      %dma_wait3A = arith.constant 0 : i32
      %dma_wait3A_75 = arith.constant 0 : i32
      %dma_wait3A_76 = tpu.memref_slice %arg9[%rem3A_74, %dma_wait3A, %dma_wait3A_75] : memref<4x64x128xf32, #tpu.memory_space<vmem>> -> memref<1x64x128xf32, #tpu.memory_space<vmem>>
      %dma_wait3A_77 = tpu.memref_squeeze %dma_wait3A_76 : memref<1x64x128xf32, #tpu.memory_space<vmem>> -> memref<64x128xf32, #tpu.memory_space<vmem>>
      %dma_wait3A_78 = arith.constant 0 : i32
      %dma_wait3A_79 = tpu.memref_slice %arg7[%scan3A_73, %dma_wait3A_78] : memref<40x64xi32, #tpu.memory_space<vmem>> -> memref<1x64xi32, #tpu.memory_space<vmem>>
      %dma_wait3A_80 = tpu.memref_squeeze %dma_wait3A_79 : memref<1x64xi32, #tpu.memory_space<vmem>> -> memref<64xi32, #tpu.memory_space<vmem>>
      %dma_wait3A_81 = arith.constant 0 : i32
      %dma_wait3A_82 = arith.constant 0 : i32
      %dma_wait3A_83 = tpu.memref_slice %arg2[%dma_wait3A_81, %dma_wait3A_82] : memref<10000x128xf32, #tpu.memory_space<hbm>> -> memref<10000x128xf32, #tpu.memory_space<hbm>>
      %dma_wait3A_84 = tpu.memref_slice %arg11[%rem3A_74] : memref<4x!tpu.dma_semaphore, #tpu.memory_space<semaphore_mem>> -> memref<1x!tpu.dma_semaphore, #tpu.memory_space<semaphore_mem>>
      %dma_wait3A_85 = tpu.memref_squeeze %dma_wait3A_84 : memref<1x!tpu.dma_semaphore, #tpu.memory_space<semaphore_mem>> -> memref<!tpu.dma_semaphore, #tpu.memory_space<semaphore_mem>>
      tpu.wait_indirect_dma semaphore(%dma_wait3A_85 : memref<!tpu.dma_semaphore, #tpu.memory_space<semaphore_mem>>) src(%dma_wait3A_83 : memref<10000x128xf32, #tpu.memory_space<hbm>>) dst(%dma_wait3A_77 : memref<64x128xf32, #tpu.memory_space<vmem>>)
      "tpu.region"() ({
        %run_scoped3A = tpu.sem_alloc : memref<!tpu.dma_semaphore, #tpu.memory_space<semaphore_mem>>
        %dma_start3A = arith.constant 0 : i32
        %dma_start3A_90 = arith.constant 0 : i32
        %dma_start3A_91 = tpu.memref_slice %arg9[%rem3A_74, %dma_start3A, %dma_start3A_90] : memref<4x64x128xf32, #tpu.memory_space<vmem>> -> memref<1x64x128xf32, #tpu.memory_space<vmem>>
        %dma_start3A_92 = tpu.memref_squeeze %dma_start3A_91 : memref<1x64x128xf32, #tpu.memory_space<vmem>> -> memref<64x128xf32, #tpu.memory_space<vmem>>
        %dma_start3A_93 = arith.constant 0 : i32
        %dma_start3A_94 = tpu.memref_slice %arg8[%scan3A_73, %dma_start3A_93] : memref<40x64xi32, #tpu.memory_space<vmem>> -> memref<1x64xi32, #tpu.memory_space<vmem>>
        %dma_start3A_95 = tpu.memref_squeeze %dma_start3A_94 : memref<1x64xi32, #tpu.memory_space<vmem>> -> memref<64xi32, #tpu.memory_space<vmem>>
        %dma_start3A_96 = arith.constant 0 : i32
        %dma_start3A_97 = arith.constant 0 : i32
        %dma_start3A_98 = tpu.memref_slice %arg10[%dma_start3A_96, %dma_start3A_97] : memref<10112x128xf32, #tpu.memory_space<vmem_shared>> -> memref<10112x128xf32, #tpu.memory_space<vmem_shared>>
        tpu.enqueue_indirect_dma source(%dma_start3A_92 : memref<64x128xf32, #tpu.memory_space<vmem>>) target(%dma_start3A_98 : memref<10112x128xf32, #tpu.memory_space<vmem_shared>>) offsets(%dma_start3A_95 : memref<64xi32, #tpu.memory_space<vmem>>) semaphore(%run_scoped3A : memref<!tpu.dma_semaphore, #tpu.memory_space<semaphore_mem>>) {add = true}
        %dma_wait3A_99 = arith.constant 0 : i32
        %dma_wait3A_100 = arith.constant 0 : i32
        %dma_wait3A_101 = tpu.memref_slice %arg9[%rem3A_74, %dma_wait3A_99, %dma_wait3A_100] : memref<4x64x128xf32, #tpu.memory_space<vmem>> -> memref<1x64x128xf32, #tpu.memory_space<vmem>>
        %dma_wait3A_102 = tpu.memref_squeeze %dma_wait3A_101 : memref<1x64x128xf32, #tpu.memory_space<vmem>> -> memref<64x128xf32, #tpu.memory_space<vmem>>
        %dma_wait3A_103 = arith.constant 0 : i32
        %dma_wait3A_104 = tpu.memref_slice %arg8[%scan3A_73, %dma_wait3A_103] : memref<40x64xi32, #tpu.memory_space<vmem>> -> memref<1x64xi32, #tpu.memory_space<vmem>>
        %dma_wait3A_105 = tpu.memref_squeeze %dma_wait3A_104 : memref<1x64xi32, #tpu.memory_space<vmem>> -> memref<64xi32, #tpu.memory_space<vmem>>
        %dma_wait3A_106 = arith.constant 0 : i32
        %dma_wait3A_107 = arith.constant 0 : i32
        %dma_wait3A_108 = tpu.memref_slice %arg10[%dma_wait3A_106, %dma_wait3A_107] : memref<10112x128xf32, #tpu.memory_space<vmem_shared>> -> memref<10112x128xf32, #tpu.memory_space<vmem_shared>>
        tpu.wait_indirect_dma semaphore(%run_scoped3A : memref<!tpu.dma_semaphore, #tpu.memory_space<semaphore_mem>>) src(%dma_wait3A_102 : memref<64x128xf32, #tpu.memory_space<vmem>>) dst(%dma_wait3A_108 : memref<10112x128xf32, #tpu.memory_space<vmem_shared>>)
        tpu.yield
      }) : () -> ()
      %add3A_86 = arith.constant 4 : i32
      %add3A_87 = arith.addi %scan3A_73, %add3A_86 : i32
      %lt3A = arith.constant 40 : i32
      %lt3A_88 = arith.cmpi slt, %add3A_87, %lt3A : i32
      %convert_element_type3A = arith.extui %lt3A_88 : i1 to i32
      %cond3A = arith.constant 0 : i32
      %cond3A_89 = arith.cmpi ne, %convert_element_type3A, %cond3A : i32
      scf.if %cond3A_89 {
        %add3A_90 = arith.constant 4 : i32
        %add3A_91 = arith.addi %scan3A_73, %add3A_90 : i32
        %dma_start3A = arith.constant 0 : i32
        %dma_start3A_92 = arith.constant 0 : i32
        %dma_start3A_93 = tpu.memref_slice %arg9[%rem3A_74, %dma_start3A, %dma_start3A_92] : memref<4x64x128xf32, #tpu.memory_space<vmem>> -> memref<1x64x128xf32, #tpu.memory_space<vmem>>
        %dma_start3A_94 = tpu.memref_squeeze %dma_start3A_93 : memref<1x64x128xf32, #tpu.memory_space<vmem>> -> memref<64x128xf32, #tpu.memory_space<vmem>>
        %dma_start3A_95 = arith.constant 0 : i32
        %dma_start3A_96 = tpu.memref_slice %arg7[%add3A_91, %dma_start3A_95] : memref<40x64xi32, #tpu.memory_space<vmem>> -> memref<1x64xi32, #tpu.memory_space<vmem>>
        %dma_start3A_97 = tpu.memref_squeeze %dma_start3A_96 : memref<1x64xi32, #tpu.memory_space<vmem>> -> memref<64xi32, #tpu.memory_space<vmem>>
        %dma_start3A_98 = arith.constant 0 : i32
        %dma_start3A_99 = arith.constant 0 : i32
        %dma_start3A_100 = tpu.memref_slice %arg2[%dma_start3A_98, %dma_start3A_99] : memref<10000x128xf32, #tpu.memory_space<hbm>> -> memref<10000x128xf32, #tpu.memory_space<hbm>>
        %dma_start3A_101 = tpu.memref_slice %arg11[%rem3A_74] : memref<4x!tpu.dma_semaphore, #tpu.memory_space<semaphore_mem>> -> memref<1x!tpu.dma_semaphore, #tpu.memory_space<semaphore_mem>>
        %dma_start3A_102 = tpu.memref_squeeze %dma_start3A_101 : memref<1x!tpu.dma_semaphore, #tpu.memory_space<semaphore_mem>> -> memref<!tpu.dma_semaphore, #tpu.memory_space<semaphore_mem>>
        tpu.enqueue_indirect_dma source(%dma_start3A_100 : memref<10000x128xf32, #tpu.memory_space<hbm>>) target(%dma_start3A_94 : memref<64x128xf32, #tpu.memory_space<vmem>>) offsets(%dma_start3A_97 : memref<64xi32, #tpu.memory_space<vmem>>) semaphore(%dma_start3A_102 : memref<!tpu.dma_semaphore, #tpu.memory_space<semaphore_mem>>)
      } else {
      }
    }
    %scan3A_51 = arith.constant 40 : i32
    %mul3A_52 = arith.constant 160 : i32
    %mul3A_53 = arith.muli %add3A, %mul3A_52 : i32
    %add3A_54 = arith.constant 120 : i32
    %add3A_55 = arith.addi %mul3A_53, %add3A_54 : i32
    "tpu.region"() ({
      %run_scoped3A = tpu.sem_alloc : memref<!tpu.dma_semaphore, #tpu.memory_space<semaphore_mem>>
      %dma_start3A = arith.constant 0 : i32
      %dma_start3A_73 = tpu.memref_slice %arg3[%add3A_55, %dma_start3A] : memref<5120x64xi32, #tpu.memory_space<hbm>> -> memref<40x64xi32, #tpu.memory_space<hbm>>
      %dma_start3A_74 = arith.constant 0 : i32
      %dma_start3A_75 = tpu.memref_slice %arg3[%add3A_55, %dma_start3A_74] : memref<5120x64xi32, #tpu.memory_space<hbm>> -> memref<40x64xi32, #tpu.memory_space<hbm>>
      tpu.enqueue_dma source(%dma_start3A_75 : memref<40x64xi32, #tpu.memory_space<hbm>>) target(%arg7 : memref<40x64xi32, #tpu.memory_space<vmem>>) target_semaphore(%run_scoped3A : memref<!tpu.dma_semaphore, #tpu.memory_space<semaphore_mem>>)
      %dma_wait3A = arith.constant 0 : i32
      %dma_wait3A_76 = tpu.memref_slice %arg3[%add3A_55, %dma_wait3A] : memref<5120x64xi32, #tpu.memory_space<hbm>> -> memref<40x64xi32, #tpu.memory_space<hbm>>
      %dma_wait3A_77 = arith.constant 0 : i32
      %dma_wait3A_78 = tpu.memref_slice %arg3[%add3A_55, %dma_wait3A_77] : memref<5120x64xi32, #tpu.memory_space<hbm>> -> memref<40x64xi32, #tpu.memory_space<hbm>>
      tpu.wait_dma2 semaphore(%run_scoped3A : memref<!tpu.dma_semaphore, #tpu.memory_space<semaphore_mem>>) src(%dma_wait3A_78 : memref<40x64xi32, #tpu.memory_space<hbm>>) dst(%arg7 : memref<40x64xi32, #tpu.memory_space<vmem>>)
      tpu.yield
    }) : () -> ()
    "tpu.region"() ({
      %run_scoped3A = tpu.sem_alloc : memref<!tpu.dma_semaphore, #tpu.memory_space<semaphore_mem>>
      %dma_start3A = arith.constant 0 : i32
      %dma_start3A_73 = tpu.memref_slice %arg4[%add3A_55, %dma_start3A] : memref<5120x64xi32, #tpu.memory_space<hbm>> -> memref<40x64xi32, #tpu.memory_space<hbm>>
      %dma_start3A_74 = arith.constant 0 : i32
      %dma_start3A_75 = tpu.memref_slice %arg4[%add3A_55, %dma_start3A_74] : memref<5120x64xi32, #tpu.memory_space<hbm>> -> memref<40x64xi32, #tpu.memory_space<hbm>>
      tpu.enqueue_dma source(%dma_start3A_75 : memref<40x64xi32, #tpu.memory_space<hbm>>) target(%arg8 : memref<40x64xi32, #tpu.memory_space<vmem>>) target_semaphore(%run_scoped3A : memref<!tpu.dma_semaphore, #tpu.memory_space<semaphore_mem>>)
      %dma_wait3A = arith.constant 0 : i32
      %dma_wait3A_76 = tpu.memref_slice %arg4[%add3A_55, %dma_wait3A] : memref<5120x64xi32, #tpu.memory_space<hbm>> -> memref<40x64xi32, #tpu.memory_space<hbm>>
      %dma_wait3A_77 = arith.constant 0 : i32
      %dma_wait3A_78 = tpu.memref_slice %arg4[%add3A_55, %dma_wait3A_77] : memref<5120x64xi32, #tpu.memory_space<hbm>> -> memref<40x64xi32, #tpu.memory_space<hbm>>
      tpu.wait_dma2 semaphore(%run_scoped3A : memref<!tpu.dma_semaphore, #tpu.memory_space<semaphore_mem>>) src(%dma_wait3A_78 : memref<40x64xi32, #tpu.memory_space<hbm>>) dst(%arg8 : memref<40x64xi32, #tpu.memory_space<vmem>>)
      tpu.yield
    }) : () -> ()
    %scan3A_56 = arith.constant 0 : i32
    %scan3A_57 = arith.constant 0 : i32
    %scan3A_58 = arith.constant 4 : i32
    %scan3A_59 = arith.addi %scan3A_57, %scan3A_58 : i32
    %scan3A_60 = arith.constant 1 : i32
    scf.for %scan3A_73 = %scan3A_57 to %scan3A_59 step %scan3A_60  : i32 {
      %dma_start3A = arith.constant 0 : i32
      %dma_start3A_74 = arith.constant 0 : i32
      %dma_start3A_75 = tpu.memref_slice %arg9[%scan3A_73, %dma_start3A, %dma_start3A_74] : memref<4x64x128xf32, #tpu.memory_space<vmem>> -> memref<1x64x128xf32, #tpu.memory_space<vmem>>
      %dma_start3A_76 = tpu.memref_squeeze %dma_start3A_75 : memref<1x64x128xf32, #tpu.memory_space<vmem>> -> memref<64x128xf32, #tpu.memory_space<vmem>>
      %dma_start3A_77 = arith.constant 0 : i32
      %dma_start3A_78 = tpu.memref_slice %arg7[%scan3A_73, %dma_start3A_77] : memref<40x64xi32, #tpu.memory_space<vmem>> -> memref<1x64xi32, #tpu.memory_space<vmem>>
      %dma_start3A_79 = tpu.memref_squeeze %dma_start3A_78 : memref<1x64xi32, #tpu.memory_space<vmem>> -> memref<64xi32, #tpu.memory_space<vmem>>
      %dma_start3A_80 = arith.constant 0 : i32
      %dma_start3A_81 = arith.constant 0 : i32
      %dma_start3A_82 = tpu.memref_slice %arg2[%dma_start3A_80, %dma_start3A_81] : memref<10000x128xf32, #tpu.memory_space<hbm>> -> memref<10000x128xf32, #tpu.memory_space<hbm>>
      %dma_start3A_83 = tpu.memref_slice %arg11[%scan3A_73] : memref<4x!tpu.dma_semaphore, #tpu.memory_space<semaphore_mem>> -> memref<1x!tpu.dma_semaphore, #tpu.memory_space<semaphore_mem>>
      %dma_start3A_84 = tpu.memref_squeeze %dma_start3A_83 : memref<1x!tpu.dma_semaphore, #tpu.memory_space<semaphore_mem>> -> memref<!tpu.dma_semaphore, #tpu.memory_space<semaphore_mem>>
      tpu.enqueue_indirect_dma source(%dma_start3A_82 : memref<10000x128xf32, #tpu.memory_space<hbm>>) target(%dma_start3A_76 : memref<64x128xf32, #tpu.memory_space<vmem>>) offsets(%dma_start3A_79 : memref<64xi32, #tpu.memory_space<vmem>>) semaphore(%dma_start3A_84 : memref<!tpu.dma_semaphore, #tpu.memory_space<semaphore_mem>>)
    }
    %scan3A_61 = arith.constant 4 : i32
    %scan3A_62 = arith.constant 0 : i32
    %scan3A_63 = arith.constant 0 : i32
    %scan3A_64 = arith.constant 40 : i32
    %scan3A_65 = arith.addi %scan3A_63, %scan3A_64 : i32
    %scan3A_66 = arith.constant 1 : i32
    scf.for %scan3A_73 = %scan3A_63 to %scan3A_65 step %scan3A_66  : i32 {
      %rem3A = arith.constant 4 : i32
      %rem3A_74 = arith.remsi %scan3A_73, %rem3A : i32
      %dma_wait3A = arith.constant 0 : i32
      %dma_wait3A_75 = arith.constant 0 : i32
      %dma_wait3A_76 = tpu.memref_slice %arg9[%rem3A_74, %dma_wait3A, %dma_wait3A_75] : memref<4x64x128xf32, #tpu.memory_space<vmem>> -> memref<1x64x128xf32, #tpu.memory_space<vmem>>
      %dma_wait3A_77 = tpu.memref_squeeze %dma_wait3A_76 : memref<1x64x128xf32, #tpu.memory_space<vmem>> -> memref<64x128xf32, #tpu.memory_space<vmem>>
      %dma_wait3A_78 = arith.constant 0 : i32
      %dma_wait3A_79 = tpu.memref_slice %arg7[%scan3A_73, %dma_wait3A_78] : memref<40x64xi32, #tpu.memory_space<vmem>> -> memref<1x64xi32, #tpu.memory_space<vmem>>
      %dma_wait3A_80 = tpu.memref_squeeze %dma_wait3A_79 : memref<1x64xi32, #tpu.memory_space<vmem>> -> memref<64xi32, #tpu.memory_space<vmem>>
      %dma_wait3A_81 = arith.constant 0 : i32
      %dma_wait3A_82 = arith.constant 0 : i32
      %dma_wait3A_83 = tpu.memref_slice %arg2[%dma_wait3A_81, %dma_wait3A_82] : memref<10000x128xf32, #tpu.memory_space<hbm>> -> memref<10000x128xf32, #tpu.memory_space<hbm>>
      %dma_wait3A_84 = tpu.memref_slice %arg11[%rem3A_74] : memref<4x!tpu.dma_semaphore, #tpu.memory_space<semaphore_mem>> -> memref<1x!tpu.dma_semaphore, #tpu.memory_space<semaphore_mem>>
      %dma_wait3A_85 = tpu.memref_squeeze %dma_wait3A_84 : memref<1x!tpu.dma_semaphore, #tpu.memory_space<semaphore_mem>> -> memref<!tpu.dma_semaphore, #tpu.memory_space<semaphore_mem>>
      tpu.wait_indirect_dma semaphore(%dma_wait3A_85 : memref<!tpu.dma_semaphore, #tpu.memory_space<semaphore_mem>>) src(%dma_wait3A_83 : memref<10000x128xf32, #tpu.memory_space<hbm>>) dst(%dma_wait3A_77 : memref<64x128xf32, #tpu.memory_space<vmem>>)
      "tpu.region"() ({
        %run_scoped3A = tpu.sem_alloc : memref<!tpu.dma_semaphore, #tpu.memory_space<semaphore_mem>>
        %dma_start3A = arith.constant 0 : i32
        %dma_start3A_90 = arith.constant 0 : i32
        %dma_start3A_91 = tpu.memref_slice %arg9[%rem3A_74, %dma_start3A, %dma_start3A_90] : memref<4x64x128xf32, #tpu.memory_space<vmem>> -> memref<1x64x128xf32, #tpu.memory_space<vmem>>
        %dma_start3A_92 = tpu.memref_squeeze %dma_start3A_91 : memref<1x64x128xf32, #tpu.memory_space<vmem>> -> memref<64x128xf32, #tpu.memory_space<vmem>>
        %dma_start3A_93 = arith.constant 0 : i32
        %dma_start3A_94 = tpu.memref_slice %arg8[%scan3A_73, %dma_start3A_93] : memref<40x64xi32, #tpu.memory_space<vmem>> -> memref<1x64xi32, #tpu.memory_space<vmem>>
        %dma_start3A_95 = tpu.memref_squeeze %dma_start3A_94 : memref<1x64xi32, #tpu.memory_space<vmem>> -> memref<64xi32, #tpu.memory_space<vmem>>
        %dma_start3A_96 = arith.constant 0 : i32
        %dma_start3A_97 = arith.constant 0 : i32
        %dma_start3A_98 = tpu.memref_slice %arg10[%dma_start3A_96, %dma_start3A_97] : memref<10112x128xf32, #tpu.memory_space<vmem_shared>> -> memref<10112x128xf32, #tpu.memory_space<vmem_shared>>
        tpu.enqueue_indirect_dma source(%dma_start3A_92 : memref<64x128xf32, #tpu.memory_space<vmem>>) target(%dma_start3A_98 : memref<10112x128xf32, #tpu.memory_space<vmem_shared>>) offsets(%dma_start3A_95 : memref<64xi32, #tpu.memory_space<vmem>>) semaphore(%run_scoped3A : memref<!tpu.dma_semaphore, #tpu.memory_space<semaphore_mem>>) {add = true}
        %dma_wait3A_99 = arith.constant 0 : i32
        %dma_wait3A_100 = arith.constant 0 : i32
        %dma_wait3A_101 = tpu.memref_slice %arg9[%rem3A_74, %dma_wait3A_99, %dma_wait3A_100] : memref<4x64x128xf32, #tpu.memory_space<vmem>> -> memref<1x64x128xf32, #tpu.memory_space<vmem>>
        %dma_wait3A_102 = tpu.memref_squeeze %dma_wait3A_101 : memref<1x64x128xf32, #tpu.memory_space<vmem>> -> memref<64x128xf32, #tpu.memory_space<vmem>>
        %dma_wait3A_103 = arith.constant 0 : i32
        %dma_wait3A_104 = tpu.memref_slice %arg8[%scan3A_73, %dma_wait3A_103] : memref<40x64xi32, #tpu.memory_space<vmem>> -> memref<1x64xi32, #tpu.memory_space<vmem>>
        %dma_wait3A_105 = tpu.memref_squeeze %dma_wait3A_104 : memref<1x64xi32, #tpu.memory_space<vmem>> -> memref<64xi32, #tpu.memory_space<vmem>>
        %dma_wait3A_106 = arith.constant 0 : i32
        %dma_wait3A_107 = arith.constant 0 : i32
        %dma_wait3A_108 = tpu.memref_slice %arg10[%dma_wait3A_106, %dma_wait3A_107] : memref<10112x128xf32, #tpu.memory_space<vmem_shared>> -> memref<10112x128xf32, #tpu.memory_space<vmem_shared>>
        tpu.wait_indirect_dma semaphore(%run_scoped3A : memref<!tpu.dma_semaphore, #tpu.memory_space<semaphore_mem>>) src(%dma_wait3A_102 : memref<64x128xf32, #tpu.memory_space<vmem>>) dst(%dma_wait3A_108 : memref<10112x128xf32, #tpu.memory_space<vmem_shared>>)
        tpu.yield
      }) : () -> ()
      %add3A_86 = arith.constant 4 : i32
      %add3A_87 = arith.addi %scan3A_73, %add3A_86 : i32
      %lt3A = arith.constant 40 : i32
      %lt3A_88 = arith.cmpi slt, %add3A_87, %lt3A : i32
      %convert_element_type3A = arith.extui %lt3A_88 : i1 to i32
      %cond3A = arith.constant 0 : i32
      %cond3A_89 = arith.cmpi ne, %convert_element_type3A, %cond3A : i32
      scf.if %cond3A_89 {
        %add3A_90 = arith.constant 4 : i32
        %add3A_91 = arith.addi %scan3A_73, %add3A_90 : i32
        %dma_start3A = arith.constant 0 : i32
        %dma_start3A_92 = arith.constant 0 : i32
        %dma_start3A_93 = tpu.memref_slice %arg9[%rem3A_74, %dma_start3A, %dma_start3A_92] : memref<4x64x128xf32, #tpu.memory_space<vmem>> -> memref<1x64x128xf32, #tpu.memory_space<vmem>>
        %dma_start3A_94 = tpu.memref_squeeze %dma_start3A_93 : memref<1x64x128xf32, #tpu.memory_space<vmem>> -> memref<64x128xf32, #tpu.memory_space<vmem>>
        %dma_start3A_95 = arith.constant 0 : i32
        %dma_start3A_96 = tpu.memref_slice %arg7[%add3A_91, %dma_start3A_95] : memref<40x64xi32, #tpu.memory_space<vmem>> -> memref<1x64xi32, #tpu.memory_space<vmem>>
        %dma_start3A_97 = tpu.memref_squeeze %dma_start3A_96 : memref<1x64xi32, #tpu.memory_space<vmem>> -> memref<64xi32, #tpu.memory_space<vmem>>
        %dma_start3A_98 = arith.constant 0 : i32
        %dma_start3A_99 = arith.constant 0 : i32
        %dma_start3A_100 = tpu.memref_slice %arg2[%dma_start3A_98, %dma_start3A_99] : memref<10000x128xf32, #tpu.memory_space<hbm>> -> memref<10000x128xf32, #tpu.memory_space<hbm>>
        %dma_start3A_101 = tpu.memref_slice %arg11[%rem3A_74] : memref<4x!tpu.dma_semaphore, #tpu.memory_space<semaphore_mem>> -> memref<1x!tpu.dma_semaphore, #tpu.memory_space<semaphore_mem>>
        %dma_start3A_102 = tpu.memref_squeeze %dma_start3A_101 : memref<1x!tpu.dma_semaphore, #tpu.memory_space<semaphore_mem>> -> memref<!tpu.dma_semaphore, #tpu.memory_space<semaphore_mem>>
        tpu.enqueue_indirect_dma source(%dma_start3A_100 : memref<10000x128xf32, #tpu.memory_space<hbm>>) target(%dma_start3A_94 : memref<64x128xf32, #tpu.memory_space<vmem>>) offsets(%dma_start3A_97 : memref<64xi32, #tpu.memory_space<vmem>>) semaphore(%dma_start3A_102 : memref<!tpu.dma_semaphore, #tpu.memory_space<semaphore_mem>>)
      } else {
      }
    }
    %scan3A_67 = arith.constant 40 : i32
    %barrier3A_68 = arith.constant 0 : index
    tpu.barrier barrier_id(%barrier3A_68)
    %mul3A_69 = arith.constant 632 : i32
    %mul3A_70 = arith.muli %arg1, %mul3A_69 : i32
    %mul3A_71 = arith.constant 632 : i32
    %mul3A_72 = arith.muli %arg1, %mul3A_71 : i32
    "tpu.region"() ({
      %run_scoped3A = tpu.sem_alloc : memref<!tpu.dma_semaphore, #tpu.memory_space<semaphore_mem>>
      %dma_start3A = arith.constant 0 : i32
      %dma_start3A_73 = arith.constant 0 : i32
      %dma_start3A_74 = tpu.memref_slice %arg6[%arg0, %dma_start3A, %dma_start3A_73] : memref<2x10112x128xf32, #tpu.memory_space<hbm>> -> memref<1x10112x128xf32, #tpu.memory_space<hbm>>
      %dma_start3A_75 = tpu.memref_squeeze %dma_start3A_74 : memref<1x10112x128xf32, #tpu.memory_space<hbm>> -> memref<10112x128xf32, #tpu.memory_space<hbm>>
      %dma_start3A_76 = arith.constant 0 : i32
      %dma_start3A_77 = tpu.memref_slice %dma_start3A_75[%mul3A_72, %dma_start3A_76] : memref<10112x128xf32, #tpu.memory_space<hbm>> -> memref<632x128xf32, #tpu.memory_space<hbm>>
      %dma_start3A_78 = arith.constant 0 : i32
      %dma_start3A_79 = tpu.memref_slice %arg10[%mul3A_70, %dma_start3A_78] : memref<10112x128xf32, #tpu.memory_space<vmem_shared>> -> memref<632x128xf32, #tpu.memory_space<vmem_shared>>
      tpu.enqueue_dma source(%dma_start3A_79 : memref<632x128xf32, #tpu.memory_space<vmem_shared>>) target(%dma_start3A_77 : memref<632x128xf32, #tpu.memory_space<hbm>>) target_semaphore(%run_scoped3A : memref<!tpu.dma_semaphore, #tpu.memory_space<semaphore_mem>>)
      %dma_wait3A = arith.constant 0 : i32
      %dma_wait3A_80 = arith.constant 0 : i32
      %dma_wait3A_81 = tpu.memref_slice %arg6[%arg0, %dma_wait3A, %dma_wait3A_80] : memref<2x10112x128xf32, #tpu.memory_space<hbm>> -> memref<1x10112x128xf32, #tpu.memory_space<hbm>>
      %dma_wait3A_82 = tpu.memref_squeeze %dma_wait3A_81 : memref<1x10112x128xf32, #tpu.memory_space<hbm>> -> memref<10112x128xf32, #tpu.memory_space<hbm>>
      %dma_wait3A_83 = arith.constant 0 : i32
      %dma_wait3A_84 = tpu.memref_slice %dma_wait3A_82[%mul3A_72, %dma_wait3A_83] : memref<10112x128xf32, #tpu.memory_space<hbm>> -> memref<632x128xf32, #tpu.memory_space<hbm>>
      %dma_wait3A_85 = arith.constant 0 : i32
      %dma_wait3A_86 = tpu.memref_slice %arg10[%mul3A_70, %dma_wait3A_85] : memref<10112x128xf32, #tpu.memory_space<vmem_shared>> -> memref<632x128xf32, #tpu.memory_space<vmem_shared>>
      tpu.wait_dma2 semaphore(%run_scoped3A : memref<!tpu.dma_semaphore, #tpu.memory_space<semaphore_mem>>) src(%dma_wait3A_86 : memref<632x128xf32, #tpu.memory_space<vmem_shared>>) dst(%dma_wait3A_84 : memref<632x128xf32, #tpu.memory_space<hbm>>)
      tpu.yield
    }) : () -> ()
    return
  }
}

#map = affine_map<(d0, d1) -> (0, 0)>
#map1 = affine_map<(d0, d1) -> (0, 0, 0)>
module attributes {stable_mosaic.version = 14 : i64} {
  func.func @agg(%arg0: i32, %arg1: i32, %arg2: memref<10000x128xf32, #tpu.memory_space<hbm>>, %arg3: memref<5120x64xi32, #tpu.memory_space<hbm>>, %arg4: memref<5120x64xi32, #tpu.memory_space<hbm>>, %arg5: memref<10112x128xf32, #tpu.memory_space<hbm>>, %arg6: memref<2x10112x128xf32, #tpu.memory_space<hbm>>, %arg7: memref<40x64xi32, #tpu.memory_space<vmem>>, %arg8: memref<40x64xi32, #tpu.memory_space<vmem>>, %arg9: memref<4x64x128xf32, #tpu.memory_space<vmem>>, %arg10: memref<10112x128xf32, #tpu.memory_space<vmem_shared>>, %arg11: memref<4x!tpu.dma_semaphore, #tpu.memory_space<semaphore_mem>>) attributes {dimension_semantics = [#tpu.dimension_semantics<core_parallel>, #tpu.dimension_semantics<subcore_parallel>], iteration_bounds = array<i64: 2, 16>, scalar_prefetch = 0 : i64, scratch_operands = 5 : i64, tpu.core_type = #tpu.core_type<sc_vector_subcore>, window_params = [{transform_indices = #map}, {transform_indices = #map}, {transform_indices = #map}, {transform_indices = #map}, {transform_indices = #map1}]} {
    %mul3A = arith.constant 2 : i32
    %mul3A_0 = arith.muli %arg1, %mul3A : i32
    %add3A = arith.addi %mul3A_0, %arg0 : i32
    %mul3A_1 = arith.constant 632 : i32
    %mul3A_2 = arith.muli %arg1, %mul3A_1 : i32
    %mul3A_3 = arith.constant 632 : i32
    %mul3A_4 = arith.muli %arg1, %mul3A_3 : i32
    "tpu.region"() ({
      %run_scoped3A = tpu.sem_alloc : memref<!tpu.dma_semaphore, #tpu.memory_space<semaphore_mem>>
      %dma_start3A = arith.constant 0 : i32
      %dma_start3A_73 = tpu.memref_slice %arg10[%mul3A_4, %dma_start3A] : memref<10112x128xf32, #tpu.memory_space<vmem_shared>> -> memref<632x128xf32, #tpu.memory_space<vmem_shared>>
      %dma_start3A_74 = arith.constant 0 : i32
      %dma_start3A_75 = tpu.memref_slice %arg5[%mul3A_2, %dma_start3A_74] : memref<10112x128xf32, #tpu.memory_space<hbm>> -> memref<632x128xf32, #tpu.memory_space<hbm>>
      tpu.enqueue_dma source(%dma_start3A_75 : memref<632x128xf32, #tpu.memory_space<hbm>>) target(%dma_start3A_73 : memref<632x128xf32, #tpu.memory_space<vmem_shared>>) target_semaphore(%run_scoped3A : memref<!tpu.dma_semaphore, #tpu.memory_space<semaphore_mem>>)
      %dma_wait3A = arith.constant 0 : i32
      %dma_wait3A_76 = tpu.memref_slice %arg10[%mul3A_4, %dma_wait3A] : memref<10112x128xf32, #tpu.memory_space<vmem_shared>> -> memref<632x128xf32, #tpu.memory_space<vmem_shared>>
      %dma_wait3A_77 = arith.constant 0 : i32
      %dma_wait3A_78 = tpu.memref_slice %arg5[%mul3A_2, %dma_wait3A_77] : memref<10112x128xf32, #tpu.memory_space<hbm>> -> memref<632x128xf32, #tpu.memory_space<hbm>>
      tpu.wait_dma2 semaphore(%run_scoped3A : memref<!tpu.dma_semaphore, #tpu.memory_space<semaphore_mem>>) src(%dma_wait3A_78 : memref<632x128xf32, #tpu.memory_space<hbm>>) dst(%dma_wait3A_76 : memref<632x128xf32, #tpu.memory_space<vmem_shared>>)
      tpu.yield
    }) : () -> ()
    %barrier3A = arith.constant 0 : index
    tpu.barrier barrier_id(%barrier3A)
    %mul3A_5 = arith.constant 160 : i32
    %mul3A_6 = arith.muli %add3A, %mul3A_5 : i32
    %add3A_7 = arith.constant 0 : i32
    %add3A_8 = arith.addi %mul3A_6, %add3A_7 : i32
    "tpu.region"() ({
      %run_scoped3A = tpu.sem_alloc : memref<!tpu.dma_semaphore, #tpu.memory_space<semaphore_mem>>
      %dma_start3A = arith.constant 0 : i32
      %dma_start3A_73 = tpu.memref_slice %arg3[%add3A_8, %dma_start3A] : memref<5120x64xi32, #tpu.memory_space<hbm>> -> memref<40x64xi32, #tpu.memory_space<hbm>>
      %dma_start3A_74 = arith.constant 0 : i32
      %dma_start3A_75 = tpu.memref_slice %arg3[%add3A_8, %dma_start3A_74] : memref<5120x64xi32, #tpu.memory_space<hbm>> -> memref<40x64xi32, #tpu.memory_space<hbm>>
      tpu.enqueue_dma source(%dma_start3A_75 : memref<40x64xi32, #tpu.memory_space<hbm>>) target(%arg7 : memref<40x64xi32, #tpu.memory_space<vmem>>) target_semaphore(%run_scoped3A : memref<!tpu.dma_semaphore, #tpu.memory_space<semaphore_mem>>)
      %dma_wait3A = arith.constant 0 : i32
      %dma_wait3A_76 = tpu.memref_slice %arg3[%add3A_8, %dma_wait3A] : memref<5120x64xi32, #tpu.memory_space<hbm>> -> memref<40x64xi32, #tpu.memory_space<hbm>>
      %dma_wait3A_77 = arith.constant 0 : i32
      %dma_wait3A_78 = tpu.memref_slice %arg3[%add3A_8, %dma_wait3A_77] : memref<5120x64xi32, #tpu.memory_space<hbm>> -> memref<40x64xi32, #tpu.memory_space<hbm>>
      tpu.wait_dma2 semaphore(%run_scoped3A : memref<!tpu.dma_semaphore, #tpu.memory_space<semaphore_mem>>) src(%dma_wait3A_78 : memref<40x64xi32, #tpu.memory_space<hbm>>) dst(%arg7 : memref<40x64xi32, #tpu.memory_space<vmem>>)
      tpu.yield
    }) : () -> ()
    "tpu.region"() ({
      %run_scoped3A = tpu.sem_alloc : memref<!tpu.dma_semaphore, #tpu.memory_space<semaphore_mem>>
      %dma_start3A = arith.constant 0 : i32
      %dma_start3A_73 = tpu.memref_slice %arg4[%add3A_8, %dma_start3A] : memref<5120x64xi32, #tpu.memory_space<hbm>> -> memref<40x64xi32, #tpu.memory_space<hbm>>
      %dma_start3A_74 = arith.constant 0 : i32
      %dma_start3A_75 = tpu.memref_slice %arg4[%add3A_8, %dma_start3A_74] : memref<5120x64xi32, #tpu.memory_space<hbm>> -> memref<40x64xi32, #tpu.memory_space<hbm>>
      tpu.enqueue_dma source(%dma_start3A_75 : memref<40x64xi32, #tpu.memory_space<hbm>>) target(%arg8 : memref<40x64xi32, #tpu.memory_space<vmem>>) target_semaphore(%run_scoped3A : memref<!tpu.dma_semaphore, #tpu.memory_space<semaphore_mem>>)
      %dma_wait3A = arith.constant 0 : i32
      %dma_wait3A_76 = tpu.memref_slice %arg4[%add3A_8, %dma_wait3A] : memref<5120x64xi32, #tpu.memory_space<hbm>> -> memref<40x64xi32, #tpu.memory_space<hbm>>
      %dma_wait3A_77 = arith.constant 0 : i32
      %dma_wait3A_78 = tpu.memref_slice %arg4[%add3A_8, %dma_wait3A_77] : memref<5120x64xi32, #tpu.memory_space<hbm>> -> memref<40x64xi32, #tpu.memory_space<hbm>>
      tpu.wait_dma2 semaphore(%run_scoped3A : memref<!tpu.dma_semaphore, #tpu.memory_space<semaphore_mem>>) src(%dma_wait3A_78 : memref<40x64xi32, #tpu.memory_space<hbm>>) dst(%arg8 : memref<40x64xi32, #tpu.memory_space<vmem>>)
      tpu.yield
    }) : () -> ()
    %scan3A = arith.constant 0 : i32
    %scan3A_9 = arith.constant 0 : i32
    %scan3A_10 = arith.constant 4 : i32
    %scan3A_11 = arith.addi %scan3A_9, %scan3A_10 : i32
    %scan3A_12 = arith.constant 1 : i32
    scf.for %scan3A_73 = %scan3A_9 to %scan3A_11 step %scan3A_12  : i32 {
      %dma_start3A = arith.constant 0 : i32
      %dma_start3A_74 = arith.constant 0 : i32
      %dma_start3A_75 = tpu.memref_slice %arg9[%scan3A_73, %dma_start3A, %dma_start3A_74] : memref<4x64x128xf32, #tpu.memory_space<vmem>> -> memref<1x64x128xf32, #tpu.memory_space<vmem>>
      %dma_start3A_76 = tpu.memref_squeeze %dma_start3A_75 : memref<1x64x128xf32, #tpu.memory_space<vmem>> -> memref<64x128xf32, #tpu.memory_space<vmem>>
      %dma_start3A_77 = arith.constant 0 : i32
      %dma_start3A_78 = tpu.memref_slice %arg7[%scan3A_73, %dma_start3A_77] : memref<40x64xi32, #tpu.memory_space<vmem>> -> memref<1x64xi32, #tpu.memory_space<vmem>>
      %dma_start3A_79 = tpu.memref_squeeze %dma_start3A_78 : memref<1x64xi32, #tpu.memory_space<vmem>> -> memref<64xi32, #tpu.memory_space<vmem>>
      %dma_start3A_80 = arith.constant 0 : i32
      %dma_start3A_81 = arith.constant 0 : i32
      %dma_start3A_82 = tpu.memref_slice %arg2[%dma_start3A_80, %dma_start3A_81] : memref<10000x128xf32, #tpu.memory_space<hbm>> -> memref<10000x128xf32, #tpu.memory_space<hbm>>
      %dma_start3A_83 = tpu.memref_slice %arg11[%scan3A_73] : memref<4x!tpu.dma_semaphore, #tpu.memory_space<semaphore_mem>> -> memref<1x!tpu.dma_semaphore, #tpu.memory_space<semaphore_mem>>
      %dma_start3A_84 = tpu.memref_squeeze %dma_start3A_83 : memref<1x!tpu.dma_semaphore, #tpu.memory_space<semaphore_mem>> -> memref<!tpu.dma_semaphore, #tpu.memory_space<semaphore_mem>>
      tpu.enqueue_indirect_dma source(%dma_start3A_82 : memref<10000x128xf32, #tpu.memory_space<hbm>>) target(%dma_start3A_76 : memref<64x128xf32, #tpu.memory_space<vmem>>) offsets(%dma_start3A_79 : memref<64xi32, #tpu.memory_space<vmem>>) semaphore(%dma_start3A_84 : memref<!tpu.dma_semaphore, #tpu.memory_space<semaphore_mem>>)
    }
    %scan3A_13 = arith.constant 4 : i32
    %scan3A_14 = arith.constant 0 : i32
    %scan3A_15 = arith.constant 0 : i32
    %scan3A_16 = arith.constant 40 : i32
    %scan3A_17 = arith.addi %scan3A_15, %scan3A_16 : i32
    %scan3A_18 = arith.constant 1 : i32
    scf.for %scan3A_73 = %scan3A_15 to %scan3A_17 step %scan3A_18  : i32 {
      %rem3A = arith.constant 4 : i32
      %rem3A_74 = arith.remsi %scan3A_73, %rem3A : i32
      %dma_wait3A = arith.constant 0 : i32
      %dma_wait3A_75 = arith.constant 0 : i32
      %dma_wait3A_76 = tpu.memref_slice %arg9[%rem3A_74, %dma_wait3A, %dma_wait3A_75] : memref<4x64x128xf32, #tpu.memory_space<vmem>> -> memref<1x64x128xf32, #tpu.memory_space<vmem>>
      %dma_wait3A_77 = tpu.memref_squeeze %dma_wait3A_76 : memref<1x64x128xf32, #tpu.memory_space<vmem>> -> memref<64x128xf32, #tpu.memory_space<vmem>>
      %dma_wait3A_78 = arith.constant 0 : i32
      %dma_wait3A_79 = tpu.memref_slice %arg7[%scan3A_73, %dma_wait3A_78] : memref<40x64xi32, #tpu.memory_space<vmem>> -> memref<1x64xi32, #tpu.memory_space<vmem>>
      %dma_wait3A_80 = tpu.memref_squeeze %dma_wait3A_79 : memref<1x64xi32, #tpu.memory_space<vmem>> -> memref<64xi32, #tpu.memory_space<vmem>>
      %dma_wait3A_81 = arith.constant 0 : i32
      %dma_wait3A_82 = arith.constant 0 : i32
      %dma_wait3A_83 = tpu.memref_slice %arg2[%dma_wait3A_81, %dma_wait3A_82] : memref<10000x128xf32, #tpu.memory_space<hbm>> -> memref<10000x128xf32, #tpu.memory_space<hbm>>
      %dma_wait3A_84 = tpu.memref_slice %arg11[%rem3A_74] : memref<4x!tpu.dma_semaphore, #tpu.memory_space<semaphore_mem>> -> memref<1x!tpu.dma_semaphore, #tpu.memory_space<semaphore_mem>>
      %dma_wait3A_85 = tpu.memref_squeeze %dma_wait3A_84 : memref<1x!tpu.dma_semaphore, #tpu.memory_space<semaphore_mem>> -> memref<!tpu.dma_semaphore, #tpu.memory_space<semaphore_mem>>
      tpu.wait_indirect_dma semaphore(%dma_wait3A_85 : memref<!tpu.dma_semaphore, #tpu.memory_space<semaphore_mem>>) src(%dma_wait3A_83 : memref<10000x128xf32, #tpu.memory_space<hbm>>) dst(%dma_wait3A_77 : memref<64x128xf32, #tpu.memory_space<vmem>>)
      "tpu.region"() ({
        %run_scoped3A = tpu.sem_alloc : memref<!tpu.dma_semaphore, #tpu.memory_space<semaphore_mem>>
        %dma_start3A = arith.constant 0 : i32
        %dma_start3A_90 = arith.constant 0 : i32
        %dma_start3A_91 = tpu.memref_slice %arg9[%rem3A_74, %dma_start3A, %dma_start3A_90] : memref<4x64x128xf32, #tpu.memory_space<vmem>> -> memref<1x64x128xf32, #tpu.memory_space<vmem>>
        %dma_start3A_92 = tpu.memref_squeeze %dma_start3A_91 : memref<1x64x128xf32, #tpu.memory_space<vmem>> -> memref<64x128xf32, #tpu.memory_space<vmem>>
        %dma_start3A_93 = arith.constant 0 : i32
        %dma_start3A_94 = tpu.memref_slice %arg8[%scan3A_73, %dma_start3A_93] : memref<40x64xi32, #tpu.memory_space<vmem>> -> memref<1x64xi32, #tpu.memory_space<vmem>>
        %dma_start3A_95 = tpu.memref_squeeze %dma_start3A_94 : memref<1x64xi32, #tpu.memory_space<vmem>> -> memref<64xi32, #tpu.memory_space<vmem>>
        %dma_start3A_96 = arith.constant 0 : i32
        %dma_start3A_97 = arith.constant 0 : i32
        %dma_start3A_98 = tpu.memref_slice %arg10[%dma_start3A_96, %dma_start3A_97] : memref<10112x128xf32, #tpu.memory_space<vmem_shared>> -> memref<10112x128xf32, #tpu.memory_space<vmem_shared>>
        tpu.enqueue_indirect_dma source(%dma_start3A_92 : memref<64x128xf32, #tpu.memory_space<vmem>>) target(%dma_start3A_98 : memref<10112x128xf32, #tpu.memory_space<vmem_shared>>) offsets(%dma_start3A_95 : memref<64xi32, #tpu.memory_space<vmem>>) semaphore(%run_scoped3A : memref<!tpu.dma_semaphore, #tpu.memory_space<semaphore_mem>>) {add = true}
        %dma_wait3A_99 = arith.constant 0 : i32
        %dma_wait3A_100 = arith.constant 0 : i32
        %dma_wait3A_101 = tpu.memref_slice %arg9[%rem3A_74, %dma_wait3A_99, %dma_wait3A_100] : memref<4x64x128xf32, #tpu.memory_space<vmem>> -> memref<1x64x128xf32, #tpu.memory_space<vmem>>
        %dma_wait3A_102 = tpu.memref_squeeze %dma_wait3A_101 : memref<1x64x128xf32, #tpu.memory_space<vmem>> -> memref<64x128xf32, #tpu.memory_space<vmem>>
        %dma_wait3A_103 = arith.constant 0 : i32
        %dma_wait3A_104 = tpu.memref_slice %arg8[%scan3A_73, %dma_wait3A_103] : memref<40x64xi32, #tpu.memory_space<vmem>> -> memref<1x64xi32, #tpu.memory_space<vmem>>
        %dma_wait3A_105 = tpu.memref_squeeze %dma_wait3A_104 : memref<1x64xi32, #tpu.memory_space<vmem>> -> memref<64xi32, #tpu.memory_space<vmem>>
        %dma_wait3A_106 = arith.constant 0 : i32
        %dma_wait3A_107 = arith.constant 0 : i32
        %dma_wait3A_108 = tpu.memref_slice %arg10[%dma_wait3A_106, %dma_wait3A_107] : memref<10112x128xf32, #tpu.memory_space<vmem_shared>> -> memref<10112x128xf32, #tpu.memory_space<vmem_shared>>
        tpu.wait_indirect_dma semaphore(%run_scoped3A : memref<!tpu.dma_semaphore, #tpu.memory_space<semaphore_mem>>) src(%dma_wait3A_102 : memref<64x128xf32, #tpu.memory_space<vmem>>) dst(%dma_wait3A_108 : memref<10112x128xf32, #tpu.memory_space<vmem_shared>>)
        tpu.yield
      }) : () -> ()
      %add3A_86 = arith.constant 4 : i32
      %add3A_87 = arith.addi %scan3A_73, %add3A_86 : i32
      %lt3A = arith.constant 40 : i32
      %lt3A_88 = arith.cmpi slt, %add3A_87, %lt3A : i32
      %convert_element_type3A = arith.extui %lt3A_88 : i1 to i32
      %cond3A = arith.constant 0 : i32
      %cond3A_89 = arith.cmpi ne, %convert_element_type3A, %cond3A : i32
      scf.if %cond3A_89 {
        %add3A_90 = arith.constant 4 : i32
        %add3A_91 = arith.addi %scan3A_73, %add3A_90 : i32
        %dma_start3A = arith.constant 0 : i32
        %dma_start3A_92 = arith.constant 0 : i32
        %dma_start3A_93 = tpu.memref_slice %arg9[%rem3A_74, %dma_start3A, %dma_start3A_92] : memref<4x64x128xf32, #tpu.memory_space<vmem>> -> memref<1x64x128xf32, #tpu.memory_space<vmem>>
        %dma_start3A_94 = tpu.memref_squeeze %dma_start3A_93 : memref<1x64x128xf32, #tpu.memory_space<vmem>> -> memref<64x128xf32, #tpu.memory_space<vmem>>
        %dma_start3A_95 = arith.constant 0 : i32
        %dma_start3A_96 = tpu.memref_slice %arg7[%add3A_91, %dma_start3A_95] : memref<40x64xi32, #tpu.memory_space<vmem>> -> memref<1x64xi32, #tpu.memory_space<vmem>>
        %dma_start3A_97 = tpu.memref_squeeze %dma_start3A_96 : memref<1x64xi32, #tpu.memory_space<vmem>> -> memref<64xi32, #tpu.memory_space<vmem>>
        %dma_start3A_98 = arith.constant 0 : i32
        %dma_start3A_99 = arith.constant 0 : i32
        %dma_start3A_100 = tpu.memref_slice %arg2[%dma_start3A_98, %dma_start3A_99] : memref<10000x128xf32, #tpu.memory_space<hbm>> -> memref<10000x128xf32, #tpu.memory_space<hbm>>
        %dma_start3A_101 = tpu.memref_slice %arg11[%rem3A_74] : memref<4x!tpu.dma_semaphore, #tpu.memory_space<semaphore_mem>> -> memref<1x!tpu.dma_semaphore, #tpu.memory_space<semaphore_mem>>
        %dma_start3A_102 = tpu.memref_squeeze %dma_start3A_101 : memref<1x!tpu.dma_semaphore, #tpu.memory_space<semaphore_mem>> -> memref<!tpu.dma_semaphore, #tpu.memory_space<semaphore_mem>>
        tpu.enqueue_indirect_dma source(%dma_start3A_100 : memref<10000x128xf32, #tpu.memory_space<hbm>>) target(%dma_start3A_94 : memref<64x128xf32, #tpu.memory_space<vmem>>) offsets(%dma_start3A_97 : memref<64xi32, #tpu.memory_space<vmem>>) semaphore(%dma_start3A_102 : memref<!tpu.dma_semaphore, #tpu.memory_space<semaphore_mem>>)
      } else {
      }
    }
    %scan3A_19 = arith.constant 40 : i32
    %mul3A_20 = arith.constant 160 : i32
    %mul3A_21 = arith.muli %add3A, %mul3A_20 : i32
    %add3A_22 = arith.constant 40 : i32
    %add3A_23 = arith.addi %mul3A_21, %add3A_22 : i32
    "tpu.region"() ({
      %run_scoped3A = tpu.sem_alloc : memref<!tpu.dma_semaphore, #tpu.memory_space<semaphore_mem>>
      %dma_start3A = arith.constant 0 : i32
      %dma_start3A_73 = tpu.memref_slice %arg3[%add3A_23, %dma_start3A] : memref<5120x64xi32, #tpu.memory_space<hbm>> -> memref<40x64xi32, #tpu.memory_space<hbm>>
      %dma_start3A_74 = arith.constant 0 : i32
      %dma_start3A_75 = tpu.memref_slice %arg3[%add3A_23, %dma_start3A_74] : memref<5120x64xi32, #tpu.memory_space<hbm>> -> memref<40x64xi32, #tpu.memory_space<hbm>>
      tpu.enqueue_dma source(%dma_start3A_75 : memref<40x64xi32, #tpu.memory_space<hbm>>) target(%arg7 : memref<40x64xi32, #tpu.memory_space<vmem>>) target_semaphore(%run_scoped3A : memref<!tpu.dma_semaphore, #tpu.memory_space<semaphore_mem>>)
      %dma_wait3A = arith.constant 0 : i32
      %dma_wait3A_76 = tpu.memref_slice %arg3[%add3A_23, %dma_wait3A] : memref<5120x64xi32, #tpu.memory_space<hbm>> -> memref<40x64xi32, #tpu.memory_space<hbm>>
      %dma_wait3A_77 = arith.constant 0 : i32
      %dma_wait3A_78 = tpu.memref_slice %arg3[%add3A_23, %dma_wait3A_77] : memref<5120x64xi32, #tpu.memory_space<hbm>> -> memref<40x64xi32, #tpu.memory_space<hbm>>
      tpu.wait_dma2 semaphore(%run_scoped3A : memref<!tpu.dma_semaphore, #tpu.memory_space<semaphore_mem>>) src(%dma_wait3A_78 : memref<40x64xi32, #tpu.memory_space<hbm>>) dst(%arg7 : memref<40x64xi32, #tpu.memory_space<vmem>>)
      tpu.yield
    }) : () -> ()
    "tpu.region"() ({
      %run_scoped3A = tpu.sem_alloc : memref<!tpu.dma_semaphore, #tpu.memory_space<semaphore_mem>>
      %dma_start3A = arith.constant 0 : i32
      %dma_start3A_73 = tpu.memref_slice %arg4[%add3A_23, %dma_start3A] : memref<5120x64xi32, #tpu.memory_space<hbm>> -> memref<40x64xi32, #tpu.memory_space<hbm>>
      %dma_start3A_74 = arith.constant 0 : i32
      %dma_start3A_75 = tpu.memref_slice %arg4[%add3A_23, %dma_start3A_74] : memref<5120x64xi32, #tpu.memory_space<hbm>> -> memref<40x64xi32, #tpu.memory_space<hbm>>
      tpu.enqueue_dma source(%dma_start3A_75 : memref<40x64xi32, #tpu.memory_space<hbm>>) target(%arg8 : memref<40x64xi32, #tpu.memory_space<vmem>>) target_semaphore(%run_scoped3A : memref<!tpu.dma_semaphore, #tpu.memory_space<semaphore_mem>>)
      %dma_wait3A = arith.constant 0 : i32
      %dma_wait3A_76 = tpu.memref_slice %arg4[%add3A_23, %dma_wait3A] : memref<5120x64xi32, #tpu.memory_space<hbm>> -> memref<40x64xi32, #tpu.memory_space<hbm>>
      %dma_wait3A_77 = arith.constant 0 : i32
      %dma_wait3A_78 = tpu.memref_slice %arg4[%add3A_23, %dma_wait3A_77] : memref<5120x64xi32, #tpu.memory_space<hbm>> -> memref<40x64xi32, #tpu.memory_space<hbm>>
      tpu.wait_dma2 semaphore(%run_scoped3A : memref<!tpu.dma_semaphore, #tpu.memory_space<semaphore_mem>>) src(%dma_wait3A_78 : memref<40x64xi32, #tpu.memory_space<hbm>>) dst(%arg8 : memref<40x64xi32, #tpu.memory_space<vmem>>)
      tpu.yield
    }) : () -> ()
    %scan3A_24 = arith.constant 0 : i32
    %scan3A_25 = arith.constant 0 : i32
    %scan3A_26 = arith.constant 4 : i32
    %scan3A_27 = arith.addi %scan3A_25, %scan3A_26 : i32
    %scan3A_28 = arith.constant 1 : i32
    scf.for %scan3A_73 = %scan3A_25 to %scan3A_27 step %scan3A_28  : i32 {
      %dma_start3A = arith.constant 0 : i32
      %dma_start3A_74 = arith.constant 0 : i32
      %dma_start3A_75 = tpu.memref_slice %arg9[%scan3A_73, %dma_start3A, %dma_start3A_74] : memref<4x64x128xf32, #tpu.memory_space<vmem>> -> memref<1x64x128xf32, #tpu.memory_space<vmem>>
      %dma_start3A_76 = tpu.memref_squeeze %dma_start3A_75 : memref<1x64x128xf32, #tpu.memory_space<vmem>> -> memref<64x128xf32, #tpu.memory_space<vmem>>
      %dma_start3A_77 = arith.constant 0 : i32
      %dma_start3A_78 = tpu.memref_slice %arg7[%scan3A_73, %dma_start3A_77] : memref<40x64xi32, #tpu.memory_space<vmem>> -> memref<1x64xi32, #tpu.memory_space<vmem>>
      %dma_start3A_79 = tpu.memref_squeeze %dma_start3A_78 : memref<1x64xi32, #tpu.memory_space<vmem>> -> memref<64xi32, #tpu.memory_space<vmem>>
      %dma_start3A_80 = arith.constant 0 : i32
      %dma_start3A_81 = arith.constant 0 : i32
      %dma_start3A_82 = tpu.memref_slice %arg2[%dma_start3A_80, %dma_start3A_81] : memref<10000x128xf32, #tpu.memory_space<hbm>> -> memref<10000x128xf32, #tpu.memory_space<hbm>>
      %dma_start3A_83 = tpu.memref_slice %arg11[%scan3A_73] : memref<4x!tpu.dma_semaphore, #tpu.memory_space<semaphore_mem>> -> memref<1x!tpu.dma_semaphore, #tpu.memory_space<semaphore_mem>>
      %dma_start3A_84 = tpu.memref_squeeze %dma_start3A_83 : memref<1x!tpu.dma_semaphore, #tpu.memory_space<semaphore_mem>> -> memref<!tpu.dma_semaphore, #tpu.memory_space<semaphore_mem>>
      tpu.enqueue_indirect_dma source(%dma_start3A_82 : memref<10000x128xf32, #tpu.memory_space<hbm>>) target(%dma_start3A_76 : memref<64x128xf32, #tpu.memory_space<vmem>>) offsets(%dma_start3A_79 : memref<64xi32, #tpu.memory_space<vmem>>) semaphore(%dma_start3A_84 : memref<!tpu.dma_semaphore, #tpu.memory_space<semaphore_mem>>)
    }
    %scan3A_29 = arith.constant 4 : i32
    %scan3A_30 = arith.constant 0 : i32
    %scan3A_31 = arith.constant 0 : i32
    %scan3A_32 = arith.constant 40 : i32
    %scan3A_33 = arith.addi %scan3A_31, %scan3A_32 : i32
    %scan3A_34 = arith.constant 1 : i32
    scf.for %scan3A_73 = %scan3A_31 to %scan3A_33 step %scan3A_34  : i32 {
      %rem3A = arith.constant 4 : i32
      %rem3A_74 = arith.remsi %scan3A_73, %rem3A : i32
      %dma_wait3A = arith.constant 0 : i32
      %dma_wait3A_75 = arith.constant 0 : i32
      %dma_wait3A_76 = tpu.memref_slice %arg9[%rem3A_74, %dma_wait3A, %dma_wait3A_75] : memref<4x64x128xf32, #tpu.memory_space<vmem>> -> memref<1x64x128xf32, #tpu.memory_space<vmem>>
      %dma_wait3A_77 = tpu.memref_squeeze %dma_wait3A_76 : memref<1x64x128xf32, #tpu.memory_space<vmem>> -> memref<64x128xf32, #tpu.memory_space<vmem>>
      %dma_wait3A_78 = arith.constant 0 : i32
      %dma_wait3A_79 = tpu.memref_slice %arg7[%scan3A_73, %dma_wait3A_78] : memref<40x64xi32, #tpu.memory_space<vmem>> -> memref<1x64xi32, #tpu.memory_space<vmem>>
      %dma_wait3A_80 = tpu.memref_squeeze %dma_wait3A_79 : memref<1x64xi32, #tpu.memory_space<vmem>> -> memref<64xi32, #tpu.memory_space<vmem>>
      %dma_wait3A_81 = arith.constant 0 : i32
      %dma_wait3A_82 = arith.constant 0 : i32
      %dma_wait3A_83 = tpu.memref_slice %arg2[%dma_wait3A_81, %dma_wait3A_82] : memref<10000x128xf32, #tpu.memory_space<hbm>> -> memref<10000x128xf32, #tpu.memory_space<hbm>>
      %dma_wait3A_84 = tpu.memref_slice %arg11[%rem3A_74] : memref<4x!tpu.dma_semaphore, #tpu.memory_space<semaphore_mem>> -> memref<1x!tpu.dma_semaphore, #tpu.memory_space<semaphore_mem>>
      %dma_wait3A_85 = tpu.memref_squeeze %dma_wait3A_84 : memref<1x!tpu.dma_semaphore, #tpu.memory_space<semaphore_mem>> -> memref<!tpu.dma_semaphore, #tpu.memory_space<semaphore_mem>>
      tpu.wait_indirect_dma semaphore(%dma_wait3A_85 : memref<!tpu.dma_semaphore, #tpu.memory_space<semaphore_mem>>) src(%dma_wait3A_83 : memref<10000x128xf32, #tpu.memory_space<hbm>>) dst(%dma_wait3A_77 : memref<64x128xf32, #tpu.memory_space<vmem>>)
      "tpu.region"() ({
        %run_scoped3A = tpu.sem_alloc : memref<!tpu.dma_semaphore, #tpu.memory_space<semaphore_mem>>
        %dma_start3A = arith.constant 0 : i32
        %dma_start3A_90 = arith.constant 0 : i32
        %dma_start3A_91 = tpu.memref_slice %arg9[%rem3A_74, %dma_start3A, %dma_start3A_90] : memref<4x64x128xf32, #tpu.memory_space<vmem>> -> memref<1x64x128xf32, #tpu.memory_space<vmem>>
        %dma_start3A_92 = tpu.memref_squeeze %dma_start3A_91 : memref<1x64x128xf32, #tpu.memory_space<vmem>> -> memref<64x128xf32, #tpu.memory_space<vmem>>
        %dma_start3A_93 = arith.constant 0 : i32
        %dma_start3A_94 = tpu.memref_slice %arg8[%scan3A_73, %dma_start3A_93] : memref<40x64xi32, #tpu.memory_space<vmem>> -> memref<1x64xi32, #tpu.memory_space<vmem>>
        %dma_start3A_95 = tpu.memref_squeeze %dma_start3A_94 : memref<1x64xi32, #tpu.memory_space<vmem>> -> memref<64xi32, #tpu.memory_space<vmem>>
        %dma_start3A_96 = arith.constant 0 : i32
        %dma_start3A_97 = arith.constant 0 : i32
        %dma_start3A_98 = tpu.memref_slice %arg10[%dma_start3A_96, %dma_start3A_97] : memref<10112x128xf32, #tpu.memory_space<vmem_shared>> -> memref<10112x128xf32, #tpu.memory_space<vmem_shared>>
        tpu.enqueue_indirect_dma source(%dma_start3A_92 : memref<64x128xf32, #tpu.memory_space<vmem>>) target(%dma_start3A_98 : memref<10112x128xf32, #tpu.memory_space<vmem_shared>>) offsets(%dma_start3A_95 : memref<64xi32, #tpu.memory_space<vmem>>) semaphore(%run_scoped3A : memref<!tpu.dma_semaphore, #tpu.memory_space<semaphore_mem>>) {add = true}
        %dma_wait3A_99 = arith.constant 0 : i32
        %dma_wait3A_100 = arith.constant 0 : i32
        %dma_wait3A_101 = tpu.memref_slice %arg9[%rem3A_74, %dma_wait3A_99, %dma_wait3A_100] : memref<4x64x128xf32, #tpu.memory_space<vmem>> -> memref<1x64x128xf32, #tpu.memory_space<vmem>>
        %dma_wait3A_102 = tpu.memref_squeeze %dma_wait3A_101 : memref<1x64x128xf32, #tpu.memory_space<vmem>> -> memref<64x128xf32, #tpu.memory_space<vmem>>
        %dma_wait3A_103 = arith.constant 0 : i32
        %dma_wait3A_104 = tpu.memref_slice %arg8[%scan3A_73, %dma_wait3A_103] : memref<40x64xi32, #tpu.memory_space<vmem>> -> memref<1x64xi32, #tpu.memory_space<vmem>>
        %dma_wait3A_105 = tpu.memref_squeeze %dma_wait3A_104 : memref<1x64xi32, #tpu.memory_space<vmem>> -> memref<64xi32, #tpu.memory_space<vmem>>
        %dma_wait3A_106 = arith.constant 0 : i32
        %dma_wait3A_107 = arith.constant 0 : i32
        %dma_wait3A_108 = tpu.memref_slice %arg10[%dma_wait3A_106, %dma_wait3A_107] : memref<10112x128xf32, #tpu.memory_space<vmem_shared>> -> memref<10112x128xf32, #tpu.memory_space<vmem_shared>>
        tpu.wait_indirect_dma semaphore(%run_scoped3A : memref<!tpu.dma_semaphore, #tpu.memory_space<semaphore_mem>>) src(%dma_wait3A_102 : memref<64x128xf32, #tpu.memory_space<vmem>>) dst(%dma_wait3A_108 : memref<10112x128xf32, #tpu.memory_space<vmem_shared>>)
        tpu.yield
      }) : () -> ()
      %add3A_86 = arith.constant 4 : i32
      %add3A_87 = arith.addi %scan3A_73, %add3A_86 : i32
      %lt3A = arith.constant 40 : i32
      %lt3A_88 = arith.cmpi slt, %add3A_87, %lt3A : i32
      %convert_element_type3A = arith.extui %lt3A_88 : i1 to i32
      %cond3A = arith.constant 0 : i32
      %cond3A_89 = arith.cmpi ne, %convert_element_type3A, %cond3A : i32
      scf.if %cond3A_89 {
        %add3A_90 = arith.constant 4 : i32
        %add3A_91 = arith.addi %scan3A_73, %add3A_90 : i32
        %dma_start3A = arith.constant 0 : i32
        %dma_start3A_92 = arith.constant 0 : i32
        %dma_start3A_93 = tpu.memref_slice %arg9[%rem3A_74, %dma_start3A, %dma_start3A_92] : memref<4x64x128xf32, #tpu.memory_space<vmem>> -> memref<1x64x128xf32, #tpu.memory_space<vmem>>
        %dma_start3A_94 = tpu.memref_squeeze %dma_start3A_93 : memref<1x64x128xf32, #tpu.memory_space<vmem>> -> memref<64x128xf32, #tpu.memory_space<vmem>>
        %dma_start3A_95 = arith.constant 0 : i32
        %dma_start3A_96 = tpu.memref_slice %arg7[%add3A_91, %dma_start3A_95] : memref<40x64xi32, #tpu.memory_space<vmem>> -> memref<1x64xi32, #tpu.memory_space<vmem>>
        %dma_start3A_97 = tpu.memref_squeeze %dma_start3A_96 : memref<1x64xi32, #tpu.memory_space<vmem>> -> memref<64xi32, #tpu.memory_space<vmem>>
        %dma_start3A_98 = arith.constant 0 : i32
        %dma_start3A_99 = arith.constant 0 : i32
        %dma_start3A_100 = tpu.memref_slice %arg2[%dma_start3A_98, %dma_start3A_99] : memref<10000x128xf32, #tpu.memory_space<hbm>> -> memref<10000x128xf32, #tpu.memory_space<hbm>>
        %dma_start3A_101 = tpu.memref_slice %arg11[%rem3A_74] : memref<4x!tpu.dma_semaphore, #tpu.memory_space<semaphore_mem>> -> memref<1x!tpu.dma_semaphore, #tpu.memory_space<semaphore_mem>>
        %dma_start3A_102 = tpu.memref_squeeze %dma_start3A_101 : memref<1x!tpu.dma_semaphore, #tpu.memory_space<semaphore_mem>> -> memref<!tpu.dma_semaphore, #tpu.memory_space<semaphore_mem>>
        tpu.enqueue_indirect_dma source(%dma_start3A_100 : memref<10000x128xf32, #tpu.memory_space<hbm>>) target(%dma_start3A_94 : memref<64x128xf32, #tpu.memory_space<vmem>>) offsets(%dma_start3A_97 : memref<64xi32, #tpu.memory_space<vmem>>) semaphore(%dma_start3A_102 : memref<!tpu.dma_semaphore, #tpu.memory_space<semaphore_mem>>)
      } else {
      }
    }
    %scan3A_35 = arith.constant 40 : i32
    %mul3A_36 = arith.constant 160 : i32
    %mul3A_37 = arith.muli %add3A, %mul3A_36 : i32
    %add3A_38 = arith.constant 80 : i32
    %add3A_39 = arith.addi %mul3A_37, %add3A_38 : i32
    "tpu.region"() ({
      %run_scoped3A = tpu.sem_alloc : memref<!tpu.dma_semaphore, #tpu.memory_space<semaphore_mem>>
      %dma_start3A = arith.constant 0 : i32
      %dma_start3A_73 = tpu.memref_slice %arg3[%add3A_39, %dma_start3A] : memref<5120x64xi32, #tpu.memory_space<hbm>> -> memref<40x64xi32, #tpu.memory_space<hbm>>
      %dma_start3A_74 = arith.constant 0 : i32
      %dma_start3A_75 = tpu.memref_slice %arg3[%add3A_39, %dma_start3A_74] : memref<5120x64xi32, #tpu.memory_space<hbm>> -> memref<40x64xi32, #tpu.memory_space<hbm>>
      tpu.enqueue_dma source(%dma_start3A_75 : memref<40x64xi32, #tpu.memory_space<hbm>>) target(%arg7 : memref<40x64xi32, #tpu.memory_space<vmem>>) target_semaphore(%run_scoped3A : memref<!tpu.dma_semaphore, #tpu.memory_space<semaphore_mem>>)
      %dma_wait3A = arith.constant 0 : i32
      %dma_wait3A_76 = tpu.memref_slice %arg3[%add3A_39, %dma_wait3A] : memref<5120x64xi32, #tpu.memory_space<hbm>> -> memref<40x64xi32, #tpu.memory_space<hbm>>
      %dma_wait3A_77 = arith.constant 0 : i32
      %dma_wait3A_78 = tpu.memref_slice %arg3[%add3A_39, %dma_wait3A_77] : memref<5120x64xi32, #tpu.memory_space<hbm>> -> memref<40x64xi32, #tpu.memory_space<hbm>>
      tpu.wait_dma2 semaphore(%run_scoped3A : memref<!tpu.dma_semaphore, #tpu.memory_space<semaphore_mem>>) src(%dma_wait3A_78 : memref<40x64xi32, #tpu.memory_space<hbm>>) dst(%arg7 : memref<40x64xi32, #tpu.memory_space<vmem>>)
      tpu.yield
    }) : () -> ()
    "tpu.region"() ({
      %run_scoped3A = tpu.sem_alloc : memref<!tpu.dma_semaphore, #tpu.memory_space<semaphore_mem>>
      %dma_start3A = arith.constant 0 : i32
      %dma_start3A_73 = tpu.memref_slice %arg4[%add3A_39, %dma_start3A] : memref<5120x64xi32, #tpu.memory_space<hbm>> -> memref<40x64xi32, #tpu.memory_space<hbm>>
      %dma_start3A_74 = arith.constant 0 : i32
      %dma_start3A_75 = tpu.memref_slice %arg4[%add3A_39, %dma_start3A_74] : memref<5120x64xi32, #tpu.memory_space<hbm>> -> memref<40x64xi32, #tpu.memory_space<hbm>>
      tpu.enqueue_dma source(%dma_start3A_75 : memref<40x64xi32, #tpu.memory_space<hbm>>) target(%arg8 : memref<40x64xi32, #tpu.memory_space<vmem>>) target_semaphore(%run_scoped3A : memref<!tpu.dma_semaphore, #tpu.memory_space<semaphore_mem>>)
      %dma_wait3A = arith.constant 0 : i32
      %dma_wait3A_76 = tpu.memref_slice %arg4[%add3A_39, %dma_wait3A] : memref<5120x64xi32, #tpu.memory_space<hbm>> -> memref<40x64xi32, #tpu.memory_space<hbm>>
      %dma_wait3A_77 = arith.constant 0 : i32
      %dma_wait3A_78 = tpu.memref_slice %arg4[%add3A_39, %dma_wait3A_77] : memref<5120x64xi32, #tpu.memory_space<hbm>> -> memref<40x64xi32, #tpu.memory_space<hbm>>
      tpu.wait_dma2 semaphore(%run_scoped3A : memref<!tpu.dma_semaphore, #tpu.memory_space<semaphore_mem>>) src(%dma_wait3A_78 : memref<40x64xi32, #tpu.memory_space<hbm>>) dst(%arg8 : memref<40x64xi32, #tpu.memory_space<vmem>>)
      tpu.yield
    }) : () -> ()
    %scan3A_40 = arith.constant 0 : i32
    %scan3A_41 = arith.constant 0 : i32
    %scan3A_42 = arith.constant 4 : i32
    %scan3A_43 = arith.addi %scan3A_41, %scan3A_42 : i32
    %scan3A_44 = arith.constant 1 : i32
    scf.for %scan3A_73 = %scan3A_41 to %scan3A_43 step %scan3A_44  : i32 {
      %dma_start3A = arith.constant 0 : i32
      %dma_start3A_74 = arith.constant 0 : i32
      %dma_start3A_75 = tpu.memref_slice %arg9[%scan3A_73, %dma_start3A, %dma_start3A_74] : memref<4x64x128xf32, #tpu.memory_space<vmem>> -> memref<1x64x128xf32, #tpu.memory_space<vmem>>
      %dma_start3A_76 = tpu.memref_squeeze %dma_start3A_75 : memref<1x64x128xf32, #tpu.memory_space<vmem>> -> memref<64x128xf32, #tpu.memory_space<vmem>>
      %dma_start3A_77 = arith.constant 0 : i32
      %dma_start3A_78 = tpu.memref_slice %arg7[%scan3A_73, %dma_start3A_77] : memref<40x64xi32, #tpu.memory_space<vmem>> -> memref<1x64xi32, #tpu.memory_space<vmem>>
      %dma_start3A_79 = tpu.memref_squeeze %dma_start3A_78 : memref<1x64xi32, #tpu.memory_space<vmem>> -> memref<64xi32, #tpu.memory_space<vmem>>
      %dma_start3A_80 = arith.constant 0 : i32
      %dma_start3A_81 = arith.constant 0 : i32
      %dma_start3A_82 = tpu.memref_slice %arg2[%dma_start3A_80, %dma_start3A_81] : memref<10000x128xf32, #tpu.memory_space<hbm>> -> memref<10000x128xf32, #tpu.memory_space<hbm>>
      %dma_start3A_83 = tpu.memref_slice %arg11[%scan3A_73] : memref<4x!tpu.dma_semaphore, #tpu.memory_space<semaphore_mem>> -> memref<1x!tpu.dma_semaphore, #tpu.memory_space<semaphore_mem>>
      %dma_start3A_84 = tpu.memref_squeeze %dma_start3A_83 : memref<1x!tpu.dma_semaphore, #tpu.memory_space<semaphore_mem>> -> memref<!tpu.dma_semaphore, #tpu.memory_space<semaphore_mem>>
      tpu.enqueue_indirect_dma source(%dma_start3A_82 : memref<10000x128xf32, #tpu.memory_space<hbm>>) target(%dma_start3A_76 : memref<64x128xf32, #tpu.memory_space<vmem>>) offsets(%dma_start3A_79 : memref<64xi32, #tpu.memory_space<vmem>>) semaphore(%dma_start3A_84 : memref<!tpu.dma_semaphore, #tpu.memory_space<semaphore_mem>>)
    }
    %scan3A_45 = arith.constant 4 : i32
    %scan3A_46 = arith.constant 0 : i32
    %scan3A_47 = arith.constant 0 : i32
    %scan3A_48 = arith.constant 40 : i32
    %scan3A_49 = arith.addi %scan3A_47, %scan3A_48 : i32
    %scan3A_50 = arith.constant 1 : i32
    scf.for %scan3A_73 = %scan3A_47 to %scan3A_49 step %scan3A_50  : i32 {
      %rem3A = arith.constant 4 : i32
      %rem3A_74 = arith.remsi %scan3A_73, %rem3A : i32
      %dma_wait3A = arith.constant 0 : i32
      %dma_wait3A_75 = arith.constant 0 : i32
      %dma_wait3A_76 = tpu.memref_slice %arg9[%rem3A_74, %dma_wait3A, %dma_wait3A_75] : memref<4x64x128xf32, #tpu.memory_space<vmem>> -> memref<1x64x128xf32, #tpu.memory_space<vmem>>
      %dma_wait3A_77 = tpu.memref_squeeze %dma_wait3A_76 : memref<1x64x128xf32, #tpu.memory_space<vmem>> -> memref<64x128xf32, #tpu.memory_space<vmem>>
      %dma_wait3A_78 = arith.constant 0 : i32
      %dma_wait3A_79 = tpu.memref_slice %arg7[%scan3A_73, %dma_wait3A_78] : memref<40x64xi32, #tpu.memory_space<vmem>> -> memref<1x64xi32, #tpu.memory_space<vmem>>
      %dma_wait3A_80 = tpu.memref_squeeze %dma_wait3A_79 : memref<1x64xi32, #tpu.memory_space<vmem>> -> memref<64xi32, #tpu.memory_space<vmem>>
      %dma_wait3A_81 = arith.constant 0 : i32
      %dma_wait3A_82 = arith.constant 0 : i32
      %dma_wait3A_83 = tpu.memref_slice %arg2[%dma_wait3A_81, %dma_wait3A_82] : memref<10000x128xf32, #tpu.memory_space<hbm>> -> memref<10000x128xf32, #tpu.memory_space<hbm>>
      %dma_wait3A_84 = tpu.memref_slice %arg11[%rem3A_74] : memref<4x!tpu.dma_semaphore, #tpu.memory_space<semaphore_mem>> -> memref<1x!tpu.dma_semaphore, #tpu.memory_space<semaphore_mem>>
      %dma_wait3A_85 = tpu.memref_squeeze %dma_wait3A_84 : memref<1x!tpu.dma_semaphore, #tpu.memory_space<semaphore_mem>> -> memref<!tpu.dma_semaphore, #tpu.memory_space<semaphore_mem>>
      tpu.wait_indirect_dma semaphore(%dma_wait3A_85 : memref<!tpu.dma_semaphore, #tpu.memory_space<semaphore_mem>>) src(%dma_wait3A_83 : memref<10000x128xf32, #tpu.memory_space<hbm>>) dst(%dma_wait3A_77 : memref<64x128xf32, #tpu.memory_space<vmem>>)
      "tpu.region"() ({
        %run_scoped3A = tpu.sem_alloc : memref<!tpu.dma_semaphore, #tpu.memory_space<semaphore_mem>>
        %dma_start3A = arith.constant 0 : i32
        %dma_start3A_90 = arith.constant 0 : i32
        %dma_start3A_91 = tpu.memref_slice %arg9[%rem3A_74, %dma_start3A, %dma_start3A_90] : memref<4x64x128xf32, #tpu.memory_space<vmem>> -> memref<1x64x128xf32, #tpu.memory_space<vmem>>
        %dma_start3A_92 = tpu.memref_squeeze %dma_start3A_91 : memref<1x64x128xf32, #tpu.memory_space<vmem>> -> memref<64x128xf32, #tpu.memory_space<vmem>>
        %dma_start3A_93 = arith.constant 0 : i32
        %dma_start3A_94 = tpu.memref_slice %arg8[%scan3A_73, %dma_start3A_93] : memref<40x64xi32, #tpu.memory_space<vmem>> -> memref<1x64xi32, #tpu.memory_space<vmem>>
        %dma_start3A_95 = tpu.memref_squeeze %dma_start3A_94 : memref<1x64xi32, #tpu.memory_space<vmem>> -> memref<64xi32, #tpu.memory_space<vmem>>
        %dma_start3A_96 = arith.constant 0 : i32
        %dma_start3A_97 = arith.constant 0 : i32
        %dma_start3A_98 = tpu.memref_slice %arg10[%dma_start3A_96, %dma_start3A_97] : memref<10112x128xf32, #tpu.memory_space<vmem_shared>> -> memref<10112x128xf32, #tpu.memory_space<vmem_shared>>
        tpu.enqueue_indirect_dma source(%dma_start3A_92 : memref<64x128xf32, #tpu.memory_space<vmem>>) target(%dma_start3A_98 : memref<10112x128xf32, #tpu.memory_space<vmem_shared>>) offsets(%dma_start3A_95 : memref<64xi32, #tpu.memory_space<vmem>>) semaphore(%run_scoped3A : memref<!tpu.dma_semaphore, #tpu.memory_space<semaphore_mem>>) {add = true}
        %dma_wait3A_99 = arith.constant 0 : i32
        %dma_wait3A_100 = arith.constant 0 : i32
        %dma_wait3A_101 = tpu.memref_slice %arg9[%rem3A_74, %dma_wait3A_99, %dma_wait3A_100] : memref<4x64x128xf32, #tpu.memory_space<vmem>> -> memref<1x64x128xf32, #tpu.memory_space<vmem>>
        %dma_wait3A_102 = tpu.memref_squeeze %dma_wait3A_101 : memref<1x64x128xf32, #tpu.memory_space<vmem>> -> memref<64x128xf32, #tpu.memory_space<vmem>>
        %dma_wait3A_103 = arith.constant 0 : i32
        %dma_wait3A_104 = tpu.memref_slice %arg8[%scan3A_73, %dma_wait3A_103] : memref<40x64xi32, #tpu.memory_space<vmem>> -> memref<1x64xi32, #tpu.memory_space<vmem>>
        %dma_wait3A_105 = tpu.memref_squeeze %dma_wait3A_104 : memref<1x64xi32, #tpu.memory_space<vmem>> -> memref<64xi32, #tpu.memory_space<vmem>>
        %dma_wait3A_106 = arith.constant 0 : i32
        %dma_wait3A_107 = arith.constant 0 : i32
        %dma_wait3A_108 = tpu.memref_slice %arg10[%dma_wait3A_106, %dma_wait3A_107] : memref<10112x128xf32, #tpu.memory_space<vmem_shared>> -> memref<10112x128xf32, #tpu.memory_space<vmem_shared>>
        tpu.wait_indirect_dma semaphore(%run_scoped3A : memref<!tpu.dma_semaphore, #tpu.memory_space<semaphore_mem>>) src(%dma_wait3A_102 : memref<64x128xf32, #tpu.memory_space<vmem>>) dst(%dma_wait3A_108 : memref<10112x128xf32, #tpu.memory_space<vmem_shared>>)
        tpu.yield
      }) : () -> ()
      %add3A_86 = arith.constant 4 : i32
      %add3A_87 = arith.addi %scan3A_73, %add3A_86 : i32
      %lt3A = arith.constant 40 : i32
      %lt3A_88 = arith.cmpi slt, %add3A_87, %lt3A : i32
      %convert_element_type3A = arith.extui %lt3A_88 : i1 to i32
      %cond3A = arith.constant 0 : i32
      %cond3A_89 = arith.cmpi ne, %convert_element_type3A, %cond3A : i32
      scf.if %cond3A_89 {
        %add3A_90 = arith.constant 4 : i32
        %add3A_91 = arith.addi %scan3A_73, %add3A_90 : i32
        %dma_start3A = arith.constant 0 : i32
        %dma_start3A_92 = arith.constant 0 : i32
        %dma_start3A_93 = tpu.memref_slice %arg9[%rem3A_74, %dma_start3A, %dma_start3A_92] : memref<4x64x128xf32, #tpu.memory_space<vmem>> -> memref<1x64x128xf32, #tpu.memory_space<vmem>>
        %dma_start3A_94 = tpu.memref_squeeze %dma_start3A_93 : memref<1x64x128xf32, #tpu.memory_space<vmem>> -> memref<64x128xf32, #tpu.memory_space<vmem>>
        %dma_start3A_95 = arith.constant 0 : i32
        %dma_start3A_96 = tpu.memref_slice %arg7[%add3A_91, %dma_start3A_95] : memref<40x64xi32, #tpu.memory_space<vmem>> -> memref<1x64xi32, #tpu.memory_space<vmem>>
        %dma_start3A_97 = tpu.memref_squeeze %dma_start3A_96 : memref<1x64xi32, #tpu.memory_space<vmem>> -> memref<64xi32, #tpu.memory_space<vmem>>
        %dma_start3A_98 = arith.constant 0 : i32
        %dma_start3A_99 = arith.constant 0 : i32
        %dma_start3A_100 = tpu.memref_slice %arg2[%dma_start3A_98, %dma_start3A_99] : memref<10000x128xf32, #tpu.memory_space<hbm>> -> memref<10000x128xf32, #tpu.memory_space<hbm>>
        %dma_start3A_101 = tpu.memref_slice %arg11[%rem3A_74] : memref<4x!tpu.dma_semaphore, #tpu.memory_space<semaphore_mem>> -> memref<1x!tpu.dma_semaphore, #tpu.memory_space<semaphore_mem>>
        %dma_start3A_102 = tpu.memref_squeeze %dma_start3A_101 : memref<1x!tpu.dma_semaphore, #tpu.memory_space<semaphore_mem>> -> memref<!tpu.dma_semaphore, #tpu.memory_space<semaphore_mem>>
        tpu.enqueue_indirect_dma source(%dma_start3A_100 : memref<10000x128xf32, #tpu.memory_space<hbm>>) target(%dma_start3A_94 : memref<64x128xf32, #tpu.memory_space<vmem>>) offsets(%dma_start3A_97 : memref<64xi32, #tpu.memory_space<vmem>>) semaphore(%dma_start3A_102 : memref<!tpu.dma_semaphore, #tpu.memory_space<semaphore_mem>>)
      } else {
      }
    }
    %scan3A_51 = arith.constant 40 : i32
    %mul3A_52 = arith.constant 160 : i32
    %mul3A_53 = arith.muli %add3A, %mul3A_52 : i32
    %add3A_54 = arith.constant 120 : i32
    %add3A_55 = arith.addi %mul3A_53, %add3A_54 : i32
    "tpu.region"() ({
      %run_scoped3A = tpu.sem_alloc : memref<!tpu.dma_semaphore, #tpu.memory_space<semaphore_mem>>
      %dma_start3A = arith.constant 0 : i32
      %dma_start3A_73 = tpu.memref_slice %arg3[%add3A_55, %dma_start3A] : memref<5120x64xi32, #tpu.memory_space<hbm>> -> memref<40x64xi32, #tpu.memory_space<hbm>>
      %dma_start3A_74 = arith.constant 0 : i32
      %dma_start3A_75 = tpu.memref_slice %arg3[%add3A_55, %dma_start3A_74] : memref<5120x64xi32, #tpu.memory_space<hbm>> -> memref<40x64xi32, #tpu.memory_space<hbm>>
      tpu.enqueue_dma source(%dma_start3A_75 : memref<40x64xi32, #tpu.memory_space<hbm>>) target(%arg7 : memref<40x64xi32, #tpu.memory_space<vmem>>) target_semaphore(%run_scoped3A : memref<!tpu.dma_semaphore, #tpu.memory_space<semaphore_mem>>)
      %dma_wait3A = arith.constant 0 : i32
      %dma_wait3A_76 = tpu.memref_slice %arg3[%add3A_55, %dma_wait3A] : memref<5120x64xi32, #tpu.memory_space<hbm>> -> memref<40x64xi32, #tpu.memory_space<hbm>>
      %dma_wait3A_77 = arith.constant 0 : i32
      %dma_wait3A_78 = tpu.memref_slice %arg3[%add3A_55, %dma_wait3A_77] : memref<5120x64xi32, #tpu.memory_space<hbm>> -> memref<40x64xi32, #tpu.memory_space<hbm>>
      tpu.wait_dma2 semaphore(%run_scoped3A : memref<!tpu.dma_semaphore, #tpu.memory_space<semaphore_mem>>) src(%dma_wait3A_78 : memref<40x64xi32, #tpu.memory_space<hbm>>) dst(%arg7 : memref<40x64xi32, #tpu.memory_space<vmem>>)
      tpu.yield
    }) : () -> ()
    "tpu.region"() ({
      %run_scoped3A = tpu.sem_alloc : memref<!tpu.dma_semaphore, #tpu.memory_space<semaphore_mem>>
      %dma_start3A = arith.constant 0 : i32
      %dma_start3A_73 = tpu.memref_slice %arg4[%add3A_55, %dma_start3A] : memref<5120x64xi32, #tpu.memory_space<hbm>> -> memref<40x64xi32, #tpu.memory_space<hbm>>
      %dma_start3A_74 = arith.constant 0 : i32
      %dma_start3A_75 = tpu.memref_slice %arg4[%add3A_55, %dma_start3A_74] : memref<5120x64xi32, #tpu.memory_space<hbm>> -> memref<40x64xi32, #tpu.memory_space<hbm>>
      tpu.enqueue_dma source(%dma_start3A_75 : memref<40x64xi32, #tpu.memory_space<hbm>>) target(%arg8 : memref<40x64xi32, #tpu.memory_space<vmem>>) target_semaphore(%run_scoped3A : memref<!tpu.dma_semaphore, #tpu.memory_space<semaphore_mem>>)
      %dma_wait3A = arith.constant 0 : i32
      %dma_wait3A_76 = tpu.memref_slice %arg4[%add3A_55, %dma_wait3A] : memref<5120x64xi32, #tpu.memory_space<hbm>> -> memref<40x64xi32, #tpu.memory_space<hbm>>
      %dma_wait3A_77 = arith.constant 0 : i32
      %dma_wait3A_78 = tpu.memref_slice %arg4[%add3A_55, %dma_wait3A_77] : memref<5120x64xi32, #tpu.memory_space<hbm>> -> memref<40x64xi32, #tpu.memory_space<hbm>>
      tpu.wait_dma2 semaphore(%run_scoped3A : memref<!tpu.dma_semaphore, #tpu.memory_space<semaphore_mem>>) src(%dma_wait3A_78 : memref<40x64xi32, #tpu.memory_space<hbm>>) dst(%arg8 : memref<40x64xi32, #tpu.memory_space<vmem>>)
      tpu.yield
    }) : () -> ()
    %scan3A_56 = arith.constant 0 : i32
    %scan3A_57 = arith.constant 0 : i32
    %scan3A_58 = arith.constant 4 : i32
    %scan3A_59 = arith.addi %scan3A_57, %scan3A_58 : i32
    %scan3A_60 = arith.constant 1 : i32
    scf.for %scan3A_73 = %scan3A_57 to %scan3A_59 step %scan3A_60  : i32 {
      %dma_start3A = arith.constant 0 : i32
      %dma_start3A_74 = arith.constant 0 : i32
      %dma_start3A_75 = tpu.memref_slice %arg9[%scan3A_73, %dma_start3A, %dma_start3A_74] : memref<4x64x128xf32, #tpu.memory_space<vmem>> -> memref<1x64x128xf32, #tpu.memory_space<vmem>>
      %dma_start3A_76 = tpu.memref_squeeze %dma_start3A_75 : memref<1x64x128xf32, #tpu.memory_space<vmem>> -> memref<64x128xf32, #tpu.memory_space<vmem>>
      %dma_start3A_77 = arith.constant 0 : i32
      %dma_start3A_78 = tpu.memref_slice %arg7[%scan3A_73, %dma_start3A_77] : memref<40x64xi32, #tpu.memory_space<vmem>> -> memref<1x64xi32, #tpu.memory_space<vmem>>
      %dma_start3A_79 = tpu.memref_squeeze %dma_start3A_78 : memref<1x64xi32, #tpu.memory_space<vmem>> -> memref<64xi32, #tpu.memory_space<vmem>>
      %dma_start3A_80 = arith.constant 0 : i32
      %dma_start3A_81 = arith.constant 0 : i32
      %dma_start3A_82 = tpu.memref_slice %arg2[%dma_start3A_80, %dma_start3A_81] : memref<10000x128xf32, #tpu.memory_space<hbm>> -> memref<10000x128xf32, #tpu.memory_space<hbm>>
      %dma_start3A_83 = tpu.memref_slice %arg11[%scan3A_73] : memref<4x!tpu.dma_semaphore, #tpu.memory_space<semaphore_mem>> -> memref<1x!tpu.dma_semaphore, #tpu.memory_space<semaphore_mem>>
      %dma_start3A_84 = tpu.memref_squeeze %dma_start3A_83 : memref<1x!tpu.dma_semaphore, #tpu.memory_space<semaphore_mem>> -> memref<!tpu.dma_semaphore, #tpu.memory_space<semaphore_mem>>
      tpu.enqueue_indirect_dma source(%dma_start3A_82 : memref<10000x128xf32, #tpu.memory_space<hbm>>) target(%dma_start3A_76 : memref<64x128xf32, #tpu.memory_space<vmem>>) offsets(%dma_start3A_79 : memref<64xi32, #tpu.memory_space<vmem>>) semaphore(%dma_start3A_84 : memref<!tpu.dma_semaphore, #tpu.memory_space<semaphore_mem>>)
    }
    %scan3A_61 = arith.constant 4 : i32
    %scan3A_62 = arith.constant 0 : i32
    %scan3A_63 = arith.constant 0 : i32
    %scan3A_64 = arith.constant 40 : i32
    %scan3A_65 = arith.addi %scan3A_63, %scan3A_64 : i32
    %scan3A_66 = arith.constant 1 : i32
    scf.for %scan3A_73 = %scan3A_63 to %scan3A_65 step %scan3A_66  : i32 {
      %rem3A = arith.constant 4 : i32
      %rem3A_74 = arith.remsi %scan3A_73, %rem3A : i32
      %dma_wait3A = arith.constant 0 : i32
      %dma_wait3A_75 = arith.constant 0 : i32
      %dma_wait3A_76 = tpu.memref_slice %arg9[%rem3A_74, %dma_wait3A, %dma_wait3A_75] : memref<4x64x128xf32, #tpu.memory_space<vmem>> -> memref<1x64x128xf32, #tpu.memory_space<vmem>>
      %dma_wait3A_77 = tpu.memref_squeeze %dma_wait3A_76 : memref<1x64x128xf32, #tpu.memory_space<vmem>> -> memref<64x128xf32, #tpu.memory_space<vmem>>
      %dma_wait3A_78 = arith.constant 0 : i32
      %dma_wait3A_79 = tpu.memref_slice %arg7[%scan3A_73, %dma_wait3A_78] : memref<40x64xi32, #tpu.memory_space<vmem>> -> memref<1x64xi32, #tpu.memory_space<vmem>>
      %dma_wait3A_80 = tpu.memref_squeeze %dma_wait3A_79 : memref<1x64xi32, #tpu.memory_space<vmem>> -> memref<64xi32, #tpu.memory_space<vmem>>
      %dma_wait3A_81 = arith.constant 0 : i32
      %dma_wait3A_82 = arith.constant 0 : i32
      %dma_wait3A_83 = tpu.memref_slice %arg2[%dma_wait3A_81, %dma_wait3A_82] : memref<10000x128xf32, #tpu.memory_space<hbm>> -> memref<10000x128xf32, #tpu.memory_space<hbm>>
      %dma_wait3A_84 = tpu.memref_slice %arg11[%rem3A_74] : memref<4x!tpu.dma_semaphore, #tpu.memory_space<semaphore_mem>> -> memref<1x!tpu.dma_semaphore, #tpu.memory_space<semaphore_mem>>
      %dma_wait3A_85 = tpu.memref_squeeze %dma_wait3A_84 : memref<1x!tpu.dma_semaphore, #tpu.memory_space<semaphore_mem>> -> memref<!tpu.dma_semaphore, #tpu.memory_space<semaphore_mem>>
      tpu.wait_indirect_dma semaphore(%dma_wait3A_85 : memref<!tpu.dma_semaphore, #tpu.memory_space<semaphore_mem>>) src(%dma_wait3A_83 : memref<10000x128xf32, #tpu.memory_space<hbm>>) dst(%dma_wait3A_77 : memref<64x128xf32, #tpu.memory_space<vmem>>)
      "tpu.region"() ({
        %run_scoped3A = tpu.sem_alloc : memref<!tpu.dma_semaphore, #tpu.memory_space<semaphore_mem>>
        %dma_start3A = arith.constant 0 : i32
        %dma_start3A_90 = arith.constant 0 : i32
        %dma_start3A_91 = tpu.memref_slice %arg9[%rem3A_74, %dma_start3A, %dma_start3A_90] : memref<4x64x128xf32, #tpu.memory_space<vmem>> -> memref<1x64x128xf32, #tpu.memory_space<vmem>>
        %dma_start3A_92 = tpu.memref_squeeze %dma_start3A_91 : memref<1x64x128xf32, #tpu.memory_space<vmem>> -> memref<64x128xf32, #tpu.memory_space<vmem>>
        %dma_start3A_93 = arith.constant 0 : i32
        %dma_start3A_94 = tpu.memref_slice %arg8[%scan3A_73, %dma_start3A_93] : memref<40x64xi32, #tpu.memory_space<vmem>> -> memref<1x64xi32, #tpu.memory_space<vmem>>
        %dma_start3A_95 = tpu.memref_squeeze %dma_start3A_94 : memref<1x64xi32, #tpu.memory_space<vmem>> -> memref<64xi32, #tpu.memory_space<vmem>>
        %dma_start3A_96 = arith.constant 0 : i32
        %dma_start3A_97 = arith.constant 0 : i32
        %dma_start3A_98 = tpu.memref_slice %arg10[%dma_start3A_96, %dma_start3A_97] : memref<10112x128xf32, #tpu.memory_space<vmem_shared>> -> memref<10112x128xf32, #tpu.memory_space<vmem_shared>>
        tpu.enqueue_indirect_dma source(%dma_start3A_92 : memref<64x128xf32, #tpu.memory_space<vmem>>) target(%dma_start3A_98 : memref<10112x128xf32, #tpu.memory_space<vmem_shared>>) offsets(%dma_start3A_95 : memref<64xi32, #tpu.memory_space<vmem>>) semaphore(%run_scoped3A : memref<!tpu.dma_semaphore, #tpu.memory_space<semaphore_mem>>) {add = true}
        %dma_wait3A_99 = arith.constant 0 : i32
        %dma_wait3A_100 = arith.constant 0 : i32
        %dma_wait3A_101 = tpu.memref_slice %arg9[%rem3A_74, %dma_wait3A_99, %dma_wait3A_100] : memref<4x64x128xf32, #tpu.memory_space<vmem>> -> memref<1x64x128xf32, #tpu.memory_space<vmem>>
        %dma_wait3A_102 = tpu.memref_squeeze %dma_wait3A_101 : memref<1x64x128xf32, #tpu.memory_space<vmem>> -> memref<64x128xf32, #tpu.memory_space<vmem>>
        %dma_wait3A_103 = arith.constant 0 : i32
        %dma_wait3A_104 = tpu.memref_slice %arg8[%scan3A_73, %dma_wait3A_103] : memref<40x64xi32, #tpu.memory_space<vmem>> -> memref<1x64xi32, #tpu.memory_space<vmem>>
        %dma_wait3A_105 = tpu.memref_squeeze %dma_wait3A_104 : memref<1x64xi32, #tpu.memory_space<vmem>> -> memref<64xi32, #tpu.memory_space<vmem>>
        %dma_wait3A_106 = arith.constant 0 : i32
        %dma_wait3A_107 = arith.constant 0 : i32
        %dma_wait3A_108 = tpu.memref_slice %arg10[%dma_wait3A_106, %dma_wait3A_107] : memref<10112x128xf32, #tpu.memory_space<vmem_shared>> -> memref<10112x128xf32, #tpu.memory_space<vmem_shared>>
        tpu.wait_indirect_dma semaphore(%run_scoped3A : memref<!tpu.dma_semaphore, #tpu.memory_space<semaphore_mem>>) src(%dma_wait3A_102 : memref<64x128xf32, #tpu.memory_space<vmem>>) dst(%dma_wait3A_108 : memref<10112x128xf32, #tpu.memory_space<vmem_shared>>)
        tpu.yield
      }) : () -> ()
      %add3A_86 = arith.constant 4 : i32
      %add3A_87 = arith.addi %scan3A_73, %add3A_86 : i32
      %lt3A = arith.constant 40 : i32
      %lt3A_88 = arith.cmpi slt, %add3A_87, %lt3A : i32
      %convert_element_type3A = arith.extui %lt3A_88 : i1 to i32
      %cond3A = arith.constant 0 : i32
      %cond3A_89 = arith.cmpi ne, %convert_element_type3A, %cond3A : i32
      scf.if %cond3A_89 {
        %add3A_90 = arith.constant 4 : i32
        %add3A_91 = arith.addi %scan3A_73, %add3A_90 : i32
        %dma_start3A = arith.constant 0 : i32
        %dma_start3A_92 = arith.constant 0 : i32
        %dma_start3A_93 = tpu.memref_slice %arg9[%rem3A_74, %dma_start3A, %dma_start3A_92] : memref<4x64x128xf32, #tpu.memory_space<vmem>> -> memref<1x64x128xf32, #tpu.memory_space<vmem>>
        %dma_start3A_94 = tpu.memref_squeeze %dma_start3A_93 : memref<1x64x128xf32, #tpu.memory_space<vmem>> -> memref<64x128xf32, #tpu.memory_space<vmem>>
        %dma_start3A_95 = arith.constant 0 : i32
        %dma_start3A_96 = tpu.memref_slice %arg7[%add3A_91, %dma_start3A_95] : memref<40x64xi32, #tpu.memory_space<vmem>> -> memref<1x64xi32, #tpu.memory_space<vmem>>
        %dma_start3A_97 = tpu.memref_squeeze %dma_start3A_96 : memref<1x64xi32, #tpu.memory_space<vmem>> -> memref<64xi32, #tpu.memory_space<vmem>>
        %dma_start3A_98 = arith.constant 0 : i32
        %dma_start3A_99 = arith.constant 0 : i32
        %dma_start3A_100 = tpu.memref_slice %arg2[%dma_start3A_98, %dma_start3A_99] : memref<10000x128xf32, #tpu.memory_space<hbm>> -> memref<10000x128xf32, #tpu.memory_space<hbm>>
        %dma_start3A_101 = tpu.memref_slice %arg11[%rem3A_74] : memref<4x!tpu.dma_semaphore, #tpu.memory_space<semaphore_mem>> -> memref<1x!tpu.dma_semaphore, #tpu.memory_space<semaphore_mem>>
        %dma_start3A_102 = tpu.memref_squeeze %dma_start3A_101 : memref<1x!tpu.dma_semaphore, #tpu.memory_space<semaphore_mem>> -> memref<!tpu.dma_semaphore, #tpu.memory_space<semaphore_mem>>
        tpu.enqueue_indirect_dma source(%dma_start3A_100 : memref<10000x128xf32, #tpu.memory_space<hbm>>) target(%dma_start3A_94 : memref<64x128xf32, #tpu.memory_space<vmem>>) offsets(%dma_start3A_97 : memref<64xi32, #tpu.memory_space<vmem>>) semaphore(%dma_start3A_102 : memref<!tpu.dma_semaphore, #tpu.memory_space<semaphore_mem>>)
      } else {
      }
    }
    %scan3A_67 = arith.constant 40 : i32
    %barrier3A_68 = arith.constant 0 : index
    tpu.barrier barrier_id(%barrier3A_68)
    %mul3A_69 = arith.constant 632 : i32
    %mul3A_70 = arith.muli %arg1, %mul3A_69 : i32
    %mul3A_71 = arith.constant 632 : i32
    %mul3A_72 = arith.muli %arg1, %mul3A_71 : i32
    "tpu.region"() ({
      %run_scoped3A = tpu.sem_alloc : memref<!tpu.dma_semaphore, #tpu.memory_space<semaphore_mem>>
      %dma_start3A = arith.constant 0 : i32
      %dma_start3A_73 = arith.constant 0 : i32
      %dma_start3A_74 = tpu.memref_slice %arg6[%arg0, %dma_start3A, %dma_start3A_73] : memref<2x10112x128xf32, #tpu.memory_space<hbm>> -> memref<1x10112x128xf32, #tpu.memory_space<hbm>>
      %dma_start3A_75 = tpu.memref_squeeze %dma_start3A_74 : memref<1x10112x128xf32, #tpu.memory_space<hbm>> -> memref<10112x128xf32, #tpu.memory_space<hbm>>
      %dma_start3A_76 = arith.constant 0 : i32
      %dma_start3A_77 = tpu.memref_slice %dma_start3A_75[%mul3A_72, %dma_start3A_76] : memref<10112x128xf32, #tpu.memory_space<hbm>> -> memref<632x128xf32, #tpu.memory_space<hbm>>
      %dma_start3A_78 = arith.constant 0 : i32
      %dma_start3A_79 = tpu.memref_slice %arg10[%mul3A_70, %dma_start3A_78] : memref<10112x128xf32, #tpu.memory_space<vmem_shared>> -> memref<632x128xf32, #tpu.memory_space<vmem_shared>>
      tpu.enqueue_dma source(%dma_start3A_79 : memref<632x128xf32, #tpu.memory_space<vmem_shared>>) target(%dma_start3A_77 : memref<632x128xf32, #tpu.memory_space<hbm>>) target_semaphore(%run_scoped3A : memref<!tpu.dma_semaphore, #tpu.memory_space<semaphore_mem>>)
      %dma_wait3A = arith.constant 0 : i32
      %dma_wait3A_80 = arith.constant 0 : i32
      %dma_wait3A_81 = tpu.memref_slice %arg6[%arg0, %dma_wait3A, %dma_wait3A_80] : memref<2x10112x128xf32, #tpu.memory_space<hbm>> -> memref<1x10112x128xf32, #tpu.memory_space<hbm>>
      %dma_wait3A_82 = tpu.memref_squeeze %dma_wait3A_81 : memref<1x10112x128xf32, #tpu.memory_space<hbm>> -> memref<10112x128xf32, #tpu.memory_space<hbm>>
      %dma_wait3A_83 = arith.constant 0 : i32
      %dma_wait3A_84 = tpu.memref_slice %dma_wait3A_82[%mul3A_72, %dma_wait3A_83] : memref<10112x128xf32, #tpu.memory_space<hbm>> -> memref<632x128xf32, #tpu.memory_space<hbm>>
      %dma_wait3A_85 = arith.constant 0 : i32
      %dma_wait3A_86 = tpu.memref_slice %arg10[%mul3A_70, %dma_wait3A_85] : memref<10112x128xf32, #tpu.memory_space<vmem_shared>> -> memref<632x128xf32, #tpu.memory_space<vmem_shared>>
      tpu.wait_dma2 semaphore(%run_scoped3A : memref<!tpu.dma_semaphore, #tpu.memory_space<semaphore_mem>>) src(%dma_wait3A_86 : memref<632x128xf32, #tpu.memory_space<vmem_shared>>) dst(%dma_wait3A_84 : memref<632x128xf32, #tpu.memory_space<hbm>>)
      tpu.yield
    }) : () -> ()
    return
  }
}

module attributes {stable_mosaic.version = 14 : i64} {
  func.func @_mlp_body(%arg0: i32, %arg1: memref<2000x128xf32, #tpu.memory_space<vmem>>, %arg2: memref<1x2000x128xf32, #tpu.memory_space<vmem>>, %arg3: memref<1x2000x128xf32, #tpu.memory_space<vmem>>, %arg4: memref<1xf32, #tpu.memory_space<smem>>, %arg5: memref<128x256xf32, #tpu.memory_space<vmem>>, %arg6: memref<1x256xf32, #tpu.memory_space<vmem>>, %arg7: memref<256x128xf32, #tpu.memory_space<vmem>>, %arg8: memref<1x128xf32, #tpu.memory_space<vmem>>, %arg9: memref<2000x128xf32, #tpu.memory_space<vmem>>) attributes {dimension_semantics = [#tpu.dimension_semantics<arbitrary>], iteration_bounds = array<i64: 5>, scalar_prefetch = 0 : i64, scratch_operands = 0 : i64, tpu.core_type = #tpu.core_type<tc>, window_params = [{transform_indices = @transform_0, window_bounds = array<i64: 2000, 128>}, {transform_indices = @transform_1, window_bounds = array<i64: 1, 2000, 128>}, {transform_indices = @transform_2, window_bounds = array<i64: 1, 2000, 128>}, {transform_indices = @transform_3, window_bounds = array<i64: 1>}, {pipeline_mode = #tpu.pipeline_mode<synchronous>, transform_indices = @transform_4, window_bounds = array<i64: 128, 256>}, {pipeline_mode = #tpu.pipeline_mode<synchronous>, transform_indices = @transform_5, window_bounds = array<i64: 1, 256>}, {pipeline_mode = #tpu.pipeline_mode<synchronous>, transform_indices = @transform_6, window_bounds = array<i64: 256, 128>}, {pipeline_mode = #tpu.pipeline_mode<synchronous>, transform_indices = @transform_7, window_bounds = array<i64: 1, 128>}, {transform_indices = @transform_8, window_bounds = array<i64: 2000, 128>}]} {
    %get3A = arith.constant 0 : index
    %get3A_0 = arith.constant 0 : index
    %get3A_1 = arith.constant 0 : index
    %get3A_2 = vector.load %arg2[%get3A, %get3A_0, %get3A_1] : memref<1x2000x128xf32, #tpu.memory_space<vmem>>, vector<1x2000x128xf32>
    %get3A_3 = vector.shape_cast %get3A_2 : vector<1x2000x128xf32> to vector<2000x128xf32>
    %get3A_4 = arith.constant 0 : index
    %get3A_5 = arith.constant 0 : index
    %get3A_6 = arith.constant 0 : index
    %get3A_7 = vector.load %arg3[%get3A_4, %get3A_5, %get3A_6] : memref<1x2000x128xf32, #tpu.memory_space<vmem>>, vector<1x2000x128xf32>
    %get3A_8 = vector.shape_cast %get3A_7 : vector<1x2000x128xf32> to vector<2000x128xf32>
    %add3A = arith.addf %get3A_3, %get3A_8 : vector<2000x128xf32>
    %get3A_9 = arith.constant 0 : index
    %get3A_10 = memref.load %arg4[%get3A_9] : memref<1xf32, #tpu.memory_space<smem>>
    %add3A_11 = arith.constant 1.000000e+00 : f32
    %add3A_12 = arith.addf %add3A_11, %get3A_10 : f32
    %get3A_13 = arith.constant 0 : index
    %get3A_14 = arith.constant 0 : index
    %get3A_15 = vector.load %arg1[%get3A_13, %get3A_14] : memref<2000x128xf32, #tpu.memory_space<vmem>>, vector<2000x128xf32>
    %mul3A = vector.broadcast %add3A_12 : f32 to vector<2000x128xf32>
    %mul3A_16 = arith.mulf %mul3A, %get3A_15 : vector<2000x128xf32>
    %add3A_17 = arith.addf %add3A, %mul3A_16 : vector<2000x128xf32>
    %get3A_18 = arith.constant 0 : index
    %get3A_19 = arith.constant 0 : index
    %get3A_20 = vector.load %arg5[%get3A_18, %get3A_19] : memref<128x256xf32, #tpu.memory_space<vmem>>, vector<128x256xf32>
    %dot_general3A = arith.constant dense<0.000000e+00> : vector<2000x256xf32>
    %dot_general3A_21 = tpu.matmul %add3A_17, %get3A_20, %dot_general3A {dimension_numbers = #tpu.dot_dimension_numbers<[1], [0], [0], [1], [0, 0, 1, 1], [], []>, transpose_lhs_hint = false} : vector<2000x128xf32>, vector<128x256xf32>, vector<2000x256xf32> -> vector<2000x256xf32>
    %get3A_22 = arith.constant 0 : index
    %get3A_23 = arith.constant 0 : index
    %get3A_24 = vector.load %arg6[%get3A_22, %get3A_23] : memref<1x256xf32, #tpu.memory_space<vmem>>, vector<1x256xf32>
    %add3A_25 = vector.broadcast %get3A_24 : vector<1x256xf32> to vector<2000x256xf32>
    %add3A_26 = arith.addf %dot_general3A_21, %add3A_25 : vector<2000x256xf32>
    %max3A = arith.constant 0.000000e+00 : f32
    %max3A_27 = vector.broadcast %max3A : f32 to vector<2000x256xf32>
    %max3A_28 = arith.maximumf %add3A_26, %max3A_27 : vector<2000x256xf32>
    %get3A_29 = arith.constant 0 : index
    %get3A_30 = arith.constant 0 : index
    %get3A_31 = vector.load %arg7[%get3A_29, %get3A_30] : memref<256x128xf32, #tpu.memory_space<vmem>>, vector<256x128xf32>
    %dot_general3A_32 = arith.constant dense<0.000000e+00> : vector<2000x128xf32>
    %dot_general3A_33 = tpu.matmul %max3A_28, %get3A_31, %dot_general3A_32 {dimension_numbers = #tpu.dot_dimension_numbers<[1], [0], [0], [1], [0, 0, 1, 1], [], []>, transpose_lhs_hint = false} : vector<2000x256xf32>, vector<256x128xf32>, vector<2000x128xf32> -> vector<2000x128xf32>
    %get3A_34 = arith.constant 0 : index
    %get3A_35 = arith.constant 0 : index
    %get3A_36 = vector.load %arg8[%get3A_34, %get3A_35] : memref<1x128xf32, #tpu.memory_space<vmem>>, vector<1x128xf32>
    %add3A_37 = vector.broadcast %get3A_36 : vector<1x128xf32> to vector<2000x128xf32>
    %add3A_38 = arith.addf %dot_general3A_33, %add3A_37 : vector<2000x128xf32>
    %max3A_39 = arith.constant 0.000000e+00 : f32
    %max3A_40 = vector.broadcast %max3A_39 : f32 to vector<2000x128xf32>
    %max3A_41 = arith.maximumf %add3A_38, %max3A_40 : vector<2000x128xf32>
    %swap3A = arith.constant 0 : index
    %swap3A_42 = arith.constant 0 : index
    %swap3A_43 = vector.load %arg9[%swap3A, %swap3A_42] : memref<2000x128xf32, #tpu.memory_space<vmem>>, vector<2000x128xf32>
    tpu.vector_store %arg9[%swap3A, %swap3A_42], %max3A_41 {strides = array<i32>} : memref<2000x128xf32, #tpu.memory_space<vmem>>, vector<2000x128xf32>,
    return
  }
  func.func @transform_0(%arg0: i32) -> (i32, i32) {
    %c0_i32 = arith.constant 0 : i32
    %c0_i32_0 = arith.constant 0 : i32
    return %arg0, %c0_i32 : i32, i32
  }
  func.func @transform_1(%arg0: i32) -> (i32, i32, i32) {
    %c0_i32 = arith.constant 0 : i32
    %c0_i32_0 = arith.constant 0 : i32
    %c0_i32_1 = arith.constant 0 : i32
    return %c0_i32, %arg0, %c0_i32_0 : i32, i32, i32
  }
  func.func @transform_2(%arg0: i32) -> (i32, i32, i32) {
    %c1_i32 = arith.constant 1 : i32
    %c0_i32 = arith.constant 0 : i32
    %c0_i32_0 = arith.constant 0 : i32
    return %c1_i32, %arg0, %c0_i32 : i32, i32, i32
  }
  func.func @transform_3(%arg0: i32) -> i32 {
    %c0_i32 = arith.constant 0 : i32
    %c0_i32_0 = arith.constant 0 : i32
    return %c0_i32 : i32
  }
  func.func @transform_4(%arg0: i32) -> (i32, i32) {
    %c0_i32 = arith.constant 0 : i32
    %c0_i32_0 = arith.constant 0 : i32
    %c0_i32_1 = arith.constant 0 : i32
    return %c0_i32, %c0_i32_0 : i32, i32
  }
  func.func @transform_5(%arg0: i32) -> (i32, i32) {
    %c0_i32 = arith.constant 0 : i32
    %c0_i32_0 = arith.constant 0 : i32
    %c0_i32_1 = arith.constant 0 : i32
    return %c0_i32, %c0_i32_0 : i32, i32
  }
  func.func @transform_6(%arg0: i32) -> (i32, i32) {
    %c0_i32 = arith.constant 0 : i32
    %c0_i32_0 = arith.constant 0 : i32
    %c0_i32_1 = arith.constant 0 : i32
    return %c0_i32, %c0_i32_0 : i32, i32
  }
  func.func @transform_7(%arg0: i32) -> (i32, i32) {
    %c0_i32 = arith.constant 0 : i32
    %c0_i32_0 = arith.constant 0 : i32
    %c0_i32_1 = arith.constant 0 : i32
    return %c0_i32, %c0_i32_0 : i32, i32
  }
  func.func @transform_8(%arg0: i32) -> (i32, i32) {
    %c0_i32 = arith.constant 0 : i32
    %c0_i32_0 = arith.constant 0 : i32
    return %arg0, %c0_i32 : i32, i32
  }
}

module attributes {stable_mosaic.version = 14 : i64} {
  func.func @_mlp_pool_body(%arg0: i32, %arg1: memref<2000x128xf32, #tpu.memory_space<vmem>>, %arg2: memref<1x2000x128xf32, #tpu.memory_space<vmem>>, %arg3: memref<1x2000x128xf32, #tpu.memory_space<vmem>>, %arg4: memref<1xf32, #tpu.memory_space<smem>>, %arg5: memref<128x256xf32, #tpu.memory_space<vmem>>, %arg6: memref<1x256xf32, #tpu.memory_space<vmem>>, %arg7: memref<256x128xf32, #tpu.memory_space<vmem>>, %arg8: memref<1x128xf32, #tpu.memory_space<vmem>>, %arg9: memref<1x1x2000xi32, #tpu.memory_space<vmem>>, %arg10: memref<128x128xf32, #tpu.memory_space<vmem>>, %arg11: memref<1x128xf32, #tpu.memory_space<vmem>>, %arg12: memref<128x128xf32, #tpu.memory_space<vmem>>, %arg13: memref<1x128xf32, #tpu.memory_space<vmem>>, %arg14: memref<64x128xf32, #tpu.memory_space<vmem>>, %arg15: memref<64x128xf32, #tpu.memory_space<vmem>>) attributes {dimension_semantics = [#tpu.dimension_semantics<arbitrary>], iteration_bounds = array<i64: 5>, scalar_prefetch = 0 : i64, scratch_operands = 1 : i64, tpu.core_type = #tpu.core_type<tc>, window_params = [{transform_indices = @transform_0, window_bounds = array<i64: 2000, 128>}, {transform_indices = @transform_1, window_bounds = array<i64: 1, 2000, 128>}, {transform_indices = @transform_2, window_bounds = array<i64: 1, 2000, 128>}, {transform_indices = @transform_3, window_bounds = array<i64: 1>}, {pipeline_mode = #tpu.pipeline_mode<synchronous>, transform_indices = @transform_4, window_bounds = array<i64: 128, 256>}, {pipeline_mode = #tpu.pipeline_mode<synchronous>, transform_indices = @transform_5, window_bounds = array<i64: 1, 256>}, {pipeline_mode = #tpu.pipeline_mode<synchronous>, transform_indices = @transform_6, window_bounds = array<i64: 256, 128>}, {pipeline_mode = #tpu.pipeline_mode<synchronous>, transform_indices = @transform_7, window_bounds = array<i64: 1, 128>}, {transform_indices = @transform_8, window_bounds = array<i64: 1, 1, 2000>}, {pipeline_mode = #tpu.pipeline_mode<synchronous>, transform_indices = @transform_9, window_bounds = array<i64: 128, 128>}, {pipeline_mode = #tpu.pipeline_mode<synchronous>, transform_indices = @transform_10, window_bounds = array<i64: 1, 128>}, {pipeline_mode = #tpu.pipeline_mode<synchronous>, transform_indices = @transform_11, window_bounds = array<i64: 128, 128>}, {pipeline_mode = #tpu.pipeline_mode<synchronous>, transform_indices = @transform_12, window_bounds = array<i64: 1, 128>}, {pipeline_mode = #tpu.pipeline_mode<synchronous>, transform_indices = @transform_13, window_bounds = array<i64: 64, 128>}]} {
    %get3A = arith.constant 0 : index
    %get3A_0 = arith.constant 0 : index
    %get3A_1 = arith.constant 0 : index
    %get3A_2 = vector.load %arg2[%get3A, %get3A_0, %get3A_1] : memref<1x2000x128xf32, #tpu.memory_space<vmem>>, vector<1x2000x128xf32>
    %get3A_3 = vector.shape_cast %get3A_2 : vector<1x2000x128xf32> to vector<2000x128xf32>
    %get3A_4 = arith.constant 0 : index
    %get3A_5 = arith.constant 0 : index
    %get3A_6 = arith.constant 0 : index
    %get3A_7 = vector.load %arg3[%get3A_4, %get3A_5, %get3A_6] : memref<1x2000x128xf32, #tpu.memory_space<vmem>>, vector<1x2000x128xf32>
    %get3A_8 = vector.shape_cast %get3A_7 : vector<1x2000x128xf32> to vector<2000x128xf32>
    %add3A = arith.addf %get3A_3, %get3A_8 : vector<2000x128xf32>
    %get3A_9 = arith.constant 0 : index
    %get3A_10 = memref.load %arg4[%get3A_9] : memref<1xf32, #tpu.memory_space<smem>>
    %add3A_11 = arith.constant 1.000000e+00 : f32
    %add3A_12 = arith.addf %add3A_11, %get3A_10 : f32
    %get3A_13 = arith.constant 0 : index
    %get3A_14 = arith.constant 0 : index
    %get3A_15 = vector.load %arg1[%get3A_13, %get3A_14] : memref<2000x128xf32, #tpu.memory_space<vmem>>, vector<2000x128xf32>
    %mul3A = vector.broadcast %add3A_12 : f32 to vector<2000x128xf32>
    %mul3A_16 = arith.mulf %mul3A, %get3A_15 : vector<2000x128xf32>
    %add3A_17 = arith.addf %add3A, %mul3A_16 : vector<2000x128xf32>
    %get3A_18 = arith.constant 0 : index
    %get3A_19 = arith.constant 0 : index
    %get3A_20 = vector.load %arg5[%get3A_18, %get3A_19] : memref<128x256xf32, #tpu.memory_space<vmem>>, vector<128x256xf32>
    %dot_general3A = arith.constant dense<0.000000e+00> : vector<2000x256xf32>
    %dot_general3A_21 = tpu.matmul %add3A_17, %get3A_20, %dot_general3A {dimension_numbers = #tpu.dot_dimension_numbers<[1], [0], [0], [1], [0, 0, 1, 1], [], []>, transpose_lhs_hint = false} : vector<2000x128xf32>, vector<128x256xf32>, vector<2000x256xf32> -> vector<2000x256xf32>
    %get3A_22 = arith.constant 0 : index
    %get3A_23 = arith.constant 0 : index
    %get3A_24 = vector.load %arg6[%get3A_22, %get3A_23] : memref<1x256xf32, #tpu.memory_space<vmem>>, vector<1x256xf32>
    %add3A_25 = vector.broadcast %get3A_24 : vector<1x256xf32> to vector<2000x256xf32>
    %add3A_26 = arith.addf %dot_general3A_21, %add3A_25 : vector<2000x256xf32>
    %max3A = arith.constant 0.000000e+00 : f32
    %max3A_27 = vector.broadcast %max3A : f32 to vector<2000x256xf32>
    %max3A_28 = arith.maximumf %add3A_26, %max3A_27 : vector<2000x256xf32>
    %get3A_29 = arith.constant 0 : index
    %get3A_30 = arith.constant 0 : index
    %get3A_31 = vector.load %arg7[%get3A_29, %get3A_30] : memref<256x128xf32, #tpu.memory_space<vmem>>, vector<256x128xf32>
    %dot_general3A_32 = arith.constant dense<0.000000e+00> : vector<2000x128xf32>
    %dot_general3A_33 = tpu.matmul %max3A_28, %get3A_31, %dot_general3A_32 {dimension_numbers = #tpu.dot_dimension_numbers<[1], [0], [0], [1], [0, 0, 1, 1], [], []>, transpose_lhs_hint = false} : vector<2000x256xf32>, vector<256x128xf32>, vector<2000x128xf32> -> vector<2000x128xf32>
    %get3A_34 = arith.constant 0 : index
    %get3A_35 = arith.constant 0 : index
    %get3A_36 = vector.load %arg8[%get3A_34, %get3A_35] : memref<1x128xf32, #tpu.memory_space<vmem>>, vector<1x128xf32>
    %add3A_37 = vector.broadcast %get3A_36 : vector<1x128xf32> to vector<2000x128xf32>
    %add3A_38 = arith.addf %dot_general3A_33, %add3A_37 : vector<2000x128xf32>
    %max3A_39 = arith.constant 0.000000e+00 : f32
    %max3A_40 = vector.broadcast %max3A_39 : f32 to vector<2000x128xf32>
    %max3A_41 = arith.maximumf %add3A_38, %max3A_40 : vector<2000x128xf32>
    %eq3A = arith.constant 0 : i32
    %eq3A_42 = arith.cmpi eq, %arg0, %eq3A : i32
    %convert_element_type3A = arith.extui %eq3A_42 : i1 to i32
    %cond3A = arith.constant 0 : i32
    %cond3A_43 = arith.cmpi ne, %convert_element_type3A, %cond3A : i32
    scf.if %cond3A_43 {
      %broadcast_in_dim3A_66 = arith.constant 0.000000e+00 : f32
      %broadcast_in_dim3A_67 = vector.broadcast %broadcast_in_dim3A_66 : f32 to vector<64x128xf32>
      %swap3A_68 = arith.constant 0 : index
      %swap3A_69 = arith.constant 0 : index
      %swap3A_70 = vector.load %arg15[%swap3A_68, %swap3A_69] : memref<64x128xf32, #tpu.memory_space<vmem>>, vector<64x128xf32>
      tpu.vector_store %arg15[%swap3A_68, %swap3A_69], %broadcast_in_dim3A_67 {strides = array<i32>} : memref<64x128xf32, #tpu.memory_space<vmem>>, vector<64x128xf32>,
    } else {
    }
    %get3A_44 = arith.constant 0 : index
    %get3A_45 = arith.constant 0 : index
    %get3A_46 = arith.constant 0 : index
    %get3A_47 = vector.load %arg9[%get3A_44, %get3A_45, %get3A_46] : memref<1x1x2000xi32, #tpu.memory_space<vmem>>, vector<1x1x2000xi32>
    %get3A_48 = vector.shape_cast %get3A_47 : vector<1x1x2000xi32> to vector<2000xi32>
    %broadcast_in_dim3A = vector.shape_cast %get3A_48 : vector<2000xi32> to vector<2000x1xi32>
    %iota3A = tpu.iota {dimensions = array<i32: 1>} : vector<2000x64xi32>
    %eq3A_49 = vector.broadcast %broadcast_in_dim3A : vector<2000x1xi32> to vector<2000x64xi32>
    %eq3A_50 = arith.cmpi eq, %eq3A_49, %iota3A : vector<2000x64xi32>
    %convert_element_type3A_51 = arith.extui %eq3A_50 : vector<2000x64xi1> to vector<2000x64xi32>
    %convert_element_type3A_52 = arith.sitofp %convert_element_type3A_51 : vector<2000x64xi32> to vector<2000x64xf32>
    %get3A_53 = arith.constant 0 : index
    %get3A_54 = arith.constant 0 : index
    %get3A_55 = vector.load %arg15[%get3A_53, %get3A_54] : memref<64x128xf32, #tpu.memory_space<vmem>>, vector<64x128xf32>
    %dot_general3A_56 = arith.constant dense<0.000000e+00> : vector<64x128xf32>
    %dot_general3A_57 = tpu.matmul %convert_element_type3A_52, %max3A_41, %dot_general3A_56 {dimension_numbers = #tpu.dot_dimension_numbers<[0], [0], [1], [1], [0, 1, 1, 1], [], []>, transpose_lhs_hint = false} : vector<2000x64xf32>, vector<2000x128xf32>, vector<64x128xf32> -> vector<64x128xf32>
    %add3A_58 = arith.addf %get3A_55, %dot_general3A_57 : vector<64x128xf32>
    %swap3A = arith.constant 0 : index
    %swap3A_59 = arith.constant 0 : index
    %swap3A_60 = vector.load %arg15[%swap3A, %swap3A_59] : memref<64x128xf32, #tpu.memory_space<vmem>>, vector<64x128xf32>
    tpu.vector_store %arg15[%swap3A, %swap3A_59], %add3A_58 {strides = array<i32>} : memref<64x128xf32, #tpu.memory_space<vmem>>, vector<64x128xf32>,
    %eq3A_61 = arith.constant 4 : i32
    %eq3A_62 = arith.cmpi eq, %arg0, %eq3A_61 : i32
    %convert_element_type3A_63 = arith.extui %eq3A_62 : i1 to i32
    %cond3A_64 = arith.constant 0 : i32
    %cond3A_65 = arith.cmpi ne, %convert_element_type3A_63, %cond3A_64 : i32
    scf.if %cond3A_65 {
      %get3A_66 = arith.constant 0 : index
      %get3A_67 = arith.constant 0 : index
      %get3A_68 = vector.load %arg15[%get3A_66, %get3A_67] : memref<64x128xf32, #tpu.memory_space<vmem>>, vector<64x128xf32>
      %get3A_69 = arith.constant 0 : index
      %get3A_70 = arith.constant 0 : index
      %get3A_71 = vector.load %arg10[%get3A_69, %get3A_70] : memref<128x128xf32, #tpu.memory_space<vmem>>, vector<128x128xf32>
      %dot_general3A_72 = arith.constant dense<0.000000e+00> : vector<64x128xf32>
      %dot_general3A_73 = tpu.matmul %get3A_68, %get3A_71, %dot_general3A_72 {dimension_numbers = #tpu.dot_dimension_numbers<[1], [0], [0], [1], [0, 0, 1, 1], [], []>, transpose_lhs_hint = false} : vector<64x128xf32>, vector<128x128xf32>, vector<64x128xf32> -> vector<64x128xf32>
      %get3A_74 = arith.constant 0 : index
      %get3A_75 = arith.constant 0 : index
      %get3A_76 = vector.load %arg11[%get3A_74, %get3A_75] : memref<1x128xf32, #tpu.memory_space<vmem>>, vector<1x128xf32>
      %add3A_77 = vector.broadcast %get3A_76 : vector<1x128xf32> to vector<64x128xf32>
      %add3A_78 = arith.addf %dot_general3A_73, %add3A_77 : vector<64x128xf32>
      %max3A_79 = arith.constant 0.000000e+00 : f32
      %max3A_80 = vector.broadcast %max3A_79 : f32 to vector<64x128xf32>
      %max3A_81 = arith.maximumf %add3A_78, %max3A_80 : vector<64x128xf32>
      %get3A_82 = arith.constant 0 : index
      %get3A_83 = arith.constant 0 : index
      %get3A_84 = vector.load %arg12[%get3A_82, %get3A_83] : memref<128x128xf32, #tpu.memory_space<vmem>>, vector<128x128xf32>
      %dot_general3A_85 = arith.constant dense<0.000000e+00> : vector<64x128xf32>
      %dot_general3A_86 = tpu.matmul %max3A_81, %get3A_84, %dot_general3A_85 {dimension_numbers = #tpu.dot_dimension_numbers<[1], [0], [0], [1], [0, 0, 1, 1], [], []>, transpose_lhs_hint = false} : vector<64x128xf32>, vector<128x128xf32>, vector<64x128xf32> -> vector<64x128xf32>
      %get3A_87 = arith.constant 0 : index
      %get3A_88 = arith.constant 0 : index
      %get3A_89 = vector.load %arg13[%get3A_87, %get3A_88] : memref<1x128xf32, #tpu.memory_space<vmem>>, vector<1x128xf32>
      %add3A_90 = vector.broadcast %get3A_89 : vector<1x128xf32> to vector<64x128xf32>
      %add3A_91 = arith.addf %dot_general3A_86, %add3A_90 : vector<64x128xf32>
      %swap3A_92 = arith.constant 0 : index
      %swap3A_93 = arith.constant 0 : index
      %swap3A_94 = vector.load %arg14[%swap3A_92, %swap3A_93] : memref<64x128xf32, #tpu.memory_space<vmem>>, vector<64x128xf32>
      tpu.vector_store %arg14[%swap3A_92, %swap3A_93], %add3A_91 {strides = array<i32>} : memref<64x128xf32, #tpu.memory_space<vmem>>, vector<64x128xf32>,
    } else {
    }
    return
  }
  func.func @transform_0(%arg0: i32) -> (i32, i32) {
    %c0_i32 = arith.constant 0 : i32
    %c0_i32_0 = arith.constant 0 : i32
    return %arg0, %c0_i32 : i32, i32
  }
  func.func @transform_1(%arg0: i32) -> (i32, i32, i32) {
    %c0_i32 = arith.constant 0 : i32
    %c0_i32_0 = arith.constant 0 : i32
    %c0_i32_1 = arith.constant 0 : i32
    return %c0_i32, %arg0, %c0_i32_0 : i32, i32, i32
  }
  func.func @transform_2(%arg0: i32) -> (i32, i32, i32) {
    %c1_i32 = arith.constant 1 : i32
    %c0_i32 = arith.constant 0 : i32
    %c0_i32_0 = arith.constant 0 : i32
    return %c1_i32, %arg0, %c0_i32 : i32, i32, i32
  }
  func.func @transform_3(%arg0: i32) -> i32 {
    %c0_i32 = arith.constant 0 : i32
    %c0_i32_0 = arith.constant 0 : i32
    return %c0_i32 : i32
  }
  func.func @transform_4(%arg0: i32) -> (i32, i32) {
    %c0_i32 = arith.constant 0 : i32
    %c0_i32_0 = arith.constant 0 : i32
    %c0_i32_1 = arith.constant 0 : i32
    return %c0_i32, %c0_i32_0 : i32, i32
  }
  func.func @transform_5(%arg0: i32) -> (i32, i32) {
    %c0_i32 = arith.constant 0 : i32
    %c0_i32_0 = arith.constant 0 : i32
    %c0_i32_1 = arith.constant 0 : i32
    return %c0_i32, %c0_i32_0 : i32, i32
  }
  func.func @transform_6(%arg0: i32) -> (i32, i32) {
    %c0_i32 = arith.constant 0 : i32
    %c0_i32_0 = arith.constant 0 : i32
    %c0_i32_1 = arith.constant 0 : i32
    return %c0_i32, %c0_i32_0 : i32, i32
  }
  func.func @transform_7(%arg0: i32) -> (i32, i32) {
    %c0_i32 = arith.constant 0 : i32
    %c0_i32_0 = arith.constant 0 : i32
    %c0_i32_1 = arith.constant 0 : i32
    return %c0_i32, %c0_i32_0 : i32, i32
  }
  func.func @transform_8(%arg0: i32) -> (i32, i32, i32) {
    %c0_i32 = arith.constant 0 : i32
    %c0_i32_0 = arith.constant 0 : i32
    %c0_i32_1 = arith.constant 0 : i32
    return %arg0, %c0_i32, %c0_i32_0 : i32, i32, i32
  }
  func.func @transform_9(%arg0: i32) -> (i32, i32) {
    %c0_i32 = arith.constant 0 : i32
    %c0_i32_0 = arith.constant 0 : i32
    %c0_i32_1 = arith.constant 0 : i32
    return %c0_i32, %c0_i32_0 : i32, i32
  }
  func.func @transform_10(%arg0: i32) -> (i32, i32) {
    %c0_i32 = arith.constant 0 : i32
    %c0_i32_0 = arith.constant 0 : i32
    %c0_i32_1 = arith.constant 0 : i32
    return %c0_i32, %c0_i32_0 : i32, i32
  }
  func.func @transform_11(%arg0: i32) -> (i32, i32) {
    %c0_i32 = arith.constant 0 : i32
    %c0_i32_0 = arith.constant 0 : i32
    %c0_i32_1 = arith.constant 0 : i32
    return %c0_i32, %c0_i32_0 : i32, i32
  }
  func.func @transform_12(%arg0: i32) -> (i32, i32) {
    %c0_i32 = arith.constant 0 : i32
    %c0_i32_0 = arith.constant 0 : i32
    %c0_i32_1 = arith.constant 0 : i32
    return %c0_i32, %c0_i32_0 : i32, i32
  }
  func.func @transform_13(%arg0: i32) -> (i32, i32) {
    %c0_i32 = arith.constant 0 : i32
    %c0_i32_0 = arith.constant 0 : i32
    %c0_i32_1 = arith.constant 0 : i32
    return %c0_i32, %c0_i32_0 : i32, i32
  }
}

</mosaic_0001>

<sc_bundles>
// kernel: kernel.11.cloned.1.call-start
scs
__scs_entry_jumppad:
0x0: {  	(pc) =	sbr.rel $0x88, $3  }
0x1: {  	(tag) =	ssettag $0x0;
	lr =	simm.s32 $0x1  }
0x2: {  	[smem:$0x3F7D] =	sst lr;
	_ =	strace $0xD0000000  }
0x3: {  	_ = 	snop  }
0x4: {  	_ = 	snop  }
0x5: {  	_ = 	snop  }
0x6: {  	_ = 	snop  }
0x7: {  	_ = 	snop  }
__scs_overlays_trampoline_lowered:
0x8: {  	[smem:$0x3F8C] =	sst s0  }
0x9: {  	[smem:$0x3F8D] =	sst s1  }
0xa: {  	[smem:$0x3F8E] =	sst s2  }
0xb: {  	[smem:$0x3F8F] =	sst s3  }
0xc: {  	[smem:$0x3F90] =	sst s4  }
0xd: {  	[smem:$0x3F91] =	sst s5  }
0xe: {  	[smem:$0x3F92] =	sst s6  }
0xf: {  	[smem:$0x3F93] =	sst s7  }
0x10: {  	[smem:$0x3F94] =	sst s8  }
0x11: {  	[smem:$0x3F95] =	sst s9;
	s0 =	simm.s32 @!p0 $0x0  }
0x12: {  	s1 =	sld [smem:$0x3F7B];
	s0 =	simm.s32 @p0 $0x1  }
0x13: {  	[smem:$0x3F96] =	sst s0;
	s0 =	simm.s32 @!p1 $0x0  }
0x14: {  	s2 =	sld [smem:$0x3F7A];
	s0 =	simm.s32 @p1 $0x1  }
0x15: {  	[smem:$0x3F97] =	sst s0;
	s0 =	simm.s32 @!p2 $0x0  }
0x16: {  	s3 =	sld [smem:$0x3FDB];
	s0 =	simm.s32 @p2 $0x1  }
0x17: {  	s4 =	simm.s32 $0x1BF5;
	[smem:$0x3F99] =	sst s0  }
0x18: {  	s0 =	sld [smem:$0x3F7C];
	_ =	swait.ge [sflag:s4], $0x0  }
0x19: {  	s7 =	sld [smem:$0x3F7D]  }
0x1a: {  	s8 =	sadd.s32 $0xFFFFE003, lr  }
0x1b: {  	s9 =	sadd.s32 $0xFFFFFEF7, lr;
	s5 =	simm.s32 $0xFFFFFFFF;
	p2 =	slt.u32 s8, $0xFFFFF086  }
0x1c: {  	p1 =	slt.u32 s9, $0xF7A;
	s5 =	simm.s32 @!p2 $0x0  }
0x1d: {  	s5 =	simm.s32 @p1 $0x1;
	p0 =	seq.s32 s7, s2  }
0x1e: {  	s7 =	smul.u32 @!p0 $0xF7A, s2;
	p2 =	seq.s32 @!p0 s5, $0x0  }
0x1f: {  	s9 =	smul.u32 $0xF7A, s1;
	s8 =	simm.s32 @!p0 $0x1BF5;
	p2 =	por !p2, p0  }
0x20: {  	[sflag:s8] =	ssyncset.s32 @!p0 $0xFFFFF086;
	s6 =	sadd.s32 @!p0 s3, s7;
	s7 =	simm.s32 @!p0 $0x108  }
0x21: {  	s3 =	sadd.s32 s3, s9;
	s6 =	sadd.s32 @!p0 $0x88, s6;
	s7 =	simm.s32 @p2 $0x1082  }
0x22: {  	[simem:s7], [sflag:s8] =	dma.local @!p0 [hbm:s6], $0xF7A  }
0x23: {  	s9 =	sor.u32 $0xD0000000, s2;
	s6 =	simm.s32 $0x108;
	_ =	swait.ge @!p0 [sflag:s8], $0x0  }
0x24: {  	s3 =	sadd.s32 $0x88, s3;
	s6 =	simm.s32 @!p1 $0x1082;
	[sflag:s4] =	ssyncset.s32 $0xFFFFF086  }
0x25: {  	[simem:s6], [sflag:s4] =	dma.local [hbm:s3], $0xF7A  }
0x26: {  	[smem:$0x3F7D] =	sst s1;
	(tag) =	ssettag s2;
	_ =	strace s9  }
0x27: {  	s1 =	sld [smem:$0x3F8D]  }
0x28: {  	s2 =	sld [smem:$0x3F8E]  }
0x29: {  	s4 =	sld [smem:$0x3F90]  }
0x2a: {  	p0 =	seq.s32 s5, $0x0;
	s5 =	sld [smem:$0x3F91]  }
0x2b: {  	s6 =	sld [smem:$0x3F92]  }
0x2c: {  	s7 =	sld [smem:$0x3F93]  }
0x2d: {  	s3 =	simm.s32 $0x108;
	s8 =	sld [smem:$0x3F94]  }
0x2e: {  	s3 =	simm.s32 @!p0 $0x1082;
	s9 =	sld [smem:$0x3F95]  }
0x2f: {  	lr =	sadd.s32 s0, s3;
	s0 =	sld [smem:$0x3F8C]  }
0x30: {  	s3 =	sld [smem:$0x3F8F]  }
0x31: {  	[smem:$0x3F98] =	sst s10  }
0x32: {  	s10 =	sld [smem:$0x3F96];
	_ =	sdelay $0x3  }
0x33: {  	p0 =	seq.s32 s10, $0x1;
	s10 =	sld [smem:$0x3F98];
	_ =	sdelay $0x3  }
0x34: {  	[smem:$0x3F98] =	sst s10  }
0x35: {  	s10 =	sld [smem:$0x3F97];
	_ =	sdelay $0x3  }
0x36: {  	p1 =	seq.s32 s10, $0x1;
	s10 =	sld [smem:$0x3F98];
	_ =	sdelay $0x3  }
0x37: {  	[smem:$0x3F98] =	sst s10  }
0x38: {  	s10 =	sld [smem:$0x3F99]  }
0x39: {  	_ = 	snop;
	(pc) =	sbr.ind lr, $3  }
0x3a: {  	_ = 	snop  }
0x3b: {  	_ = 	snop  }
0x3c: {  	p2 =	seq.s32 s10, $0x1;
	s10 =	sld [smem:$0x3F98]  }
0x3d: {  	_ =	shalt  }
0x3e: {  	_ =	shalt  }
0x3f: {  	_ =	shalt  }
0x40: {  	_ =	shalt  }
0x41: {  	_ =	shalt  }
0x42: {  	_ =	shalt  }
0x43: {  	_ =	shalt  }
0x44: {  	_ =	shalt  }
0x45: {  	_ =	shalt  }
0x46: {  	_ =	shalt  }
0x47: {  	_ =	shalt  }
0x48: {  	_ =	shalt  }
0x49: {  	_ =	shalt  }
0x4a: {  	_ =	shalt  }
0x4b: {  	_ =	shalt  }
0x4c: {  	_ =	shalt  }
0x4d: {  	_ =	shalt  }
0x4e: {  	_ =	shalt  }
0x4f: {  	_ =	shalt  }
0x50: {  	_ =	shalt  }
0x51: {  	_ =	shalt  }
0x52: {  	_ =	shalt  }
0x53: {  	_ =	shalt  }
0x54: {  	_ =	shalt  }
0x55: {  	_ =	shalt  }
0x56: {  	_ =	shalt  }
0x57: {  	_ =	shalt  }
0x58: {  	_ =	shalt  }
0x59: {  	_ =	shalt  }
0x5a: {  	_ =	shalt  }
0x5b: {  	_ =	shalt  }
0x5c: {  	_ =	shalt  }
0x5d: {  	_ =	shalt  }
0x5e: {  	_ =	shalt  }
0x5f: {  	_ =	shalt  }
0x60: {  	_ =	shalt  }
0x61: {  	_ =	shalt  }
0x62: {  	_ =	shalt  }
0x63: {  	_ =	shalt  }
0x64: {  	_ =	shalt  }
0x65: {  	_ =	shalt  }
0x66: {  	_ =	shalt  }
0x67: {  	_ =	shalt  }
0x68: {  	_ =	shalt  }
0x69: {  	_ =	shalt  }
0x6a: {  	_ =	shalt  }
0x6b: {  	_ =	shalt  }
0x6c: {  	_ =	shalt  }
0x6d: {  	_ =	shalt  }
0x6e: {  	_ =	shalt  }
0x6f: {  	_ =	shalt  }
0x70: {  	_ =	shalt  }
0x71: {  	_ =	shalt  }
0x72: {  	_ =	shalt  }
0x73: {  	_ =	shalt  }
0x74: {  	_ =	shalt  }
0x75: {  	_ =	shalt  }
0x76: {  	_ =	shalt  }
0x77: {  	_ =	shalt  }
0x78: {  	_ =	shalt  }
0x79: {  	_ =	shalt  }
0x7a: {  	_ =	shalt  }
0x7b: {  	_ =	shalt  }
0x7c: {  	_ =	shalt  }
0x7d: {  	_ =	shalt  }
0x7e: {  	_ =	shalt  }
0x7f: {  	_ =	shalt  }
0x80: {  	_ =	shalt  }
0x81: {  	_ =	shalt  }
0x82: {  	_ =	shalt  }
0x83: {  	_ =	shalt  }
0x84: {  	_ =	shalt  }
0x85: {  	_ =	shalt  }
0x86: {  	_ =	shalt  }
0x87: {  	_ =	shalt  }
.Lfunc_end0:
.L_simem_size_0:
called_computation.1_lowered:
.L_overlay_start_0:
0x88: {  	s2 =	sld [smem:$0x3FD9]  }
0x89: {  	s3 =	sld [smem:$0x3FFE];
	_ =	sdelay $0x1  }
0x8a: {  	s1 =	srdreg.scid  }
0x8b: {  	s0 =	sand.u32 $0x1, s1  }
0x8c: {  	s16 =	sshll.u32 s0, $0xA;
	s2 =	sadd.s32 s3, s2  }
0x8d: {  	s2 =	sadd.s32 s2, s16  }
0x8e: {  	[smem:$0x3FA4] =	sst s2  }
0x8f: {  	_ = 	snop  }
0x90: {  	(tm) =	ssettm $0x1  }
0x91: {  	s17 =	sld [smem:$0x3FFB];
	_ =	sdelay $0x3  }
0x92: {  	_ =	strace s17  }
0x93: {  	s2 =	sld [smem:$0x3FFC];
	_ =	sdelay $0x3  }
0x94: {  	_ =	strace s2  }
0x95: {  	s2 =	sld [smem:$0x3FFD];
	_ =	sdelay $0x3  }
0x96: {  	_ =	strace s2  }
0x97: {  	_ =	strace $0x8FFFFFFF  }
0x98: {  	s18 =	sld [smem:$0x3FDB];
	_ =	sdelay $0x1  }
0x99: {  	s19 =	simm.s32 $_scs_section_size  }
0x9a: {  	s4 =	simm.s32 $_size__tile_overlayer_lowered;
	s5 =	simm.s32 $_tile_overlayer_lowered  }
0x9b: {  	s22 =	simm.s32 $0x1BFF;
	s21 =	sshll.u32 s5, $0x1;
	s2 =	sadd.s32 s19, s18  }
0x9c: {  	s6 =	simm.s32 $0x0;
	s20 =	sshll.u32 s4, $0x1;
	s4 =	sadd.s32 s21, s2  }
0x9d: {  	[timem:s6], [sflag:s22] =	dma.local [hbm:s4], s20  }
0x9e: {  	_ =	swait.ge [sflag:s22], s20  }
0x9f: {  	s3 =	ssub.s32 $0x0, s20;
	[sflag:s22] =	ssyncset.done $0x0  }
0xa0: {  	[sflag:s22] =	ssyncadd.s32 s3;
	_ =	sdelay $0x1  }
0xa1: {  	s23 =	simm.s32 $0x1B8B  }
0xa2: {  	_ =	swait.ge [sflag:s23], $0x1  }
0xa3: {  	[sflag:s23] =	ssyncset.done $0x0  }
0xa4: {  	s25 =	simm.s32 $0x1B8E;
	s24 =	sld [smem:$0x3FFE];
	[sflag:s23] =	ssyncadd.s32 $0xFFFFFFFF  }
0xa5: {  	s26 =	simm.s32 $execute0_lowered;
	[smem:$0x3FD2] =	sst s25  }
0xa6: {  	s4 =	sshll.u32 s26, $0x1;
	_ =	strace $0x80000049;
	[dreg:$0x1] =	wrdreg $0xFFFFFFFF  }
0xa7: {  	s28 =	simm.s32 $_size_execute0_lowered;
	s2 =	sadd.s32 s2, s4;
	[dreg:$0x0] =	wrdreg $0x0  }
0xa8: {  	s4 =	sshll.u32 s28, $0x1;
	[dreg:$0x2] =	wrdreg s2  }
0xa9: {  	[dreg:$0x3] =	wrdreg s4  }
0xaa: {  	[dreg:$0x4] =	wrdreg $0xC0  }
0xab: {  	_ =	task [dreg:s6], $0x5FFFF  }
0xac: {  	[dreg:$0x1] =	wrdreg $0xFFFFFFFF  }
0xad: {  	[dreg:$0x0] =	wrdreg $0x60  }
0xae: {  	[dreg:$0x2] =	wrdreg s24  }
0xaf: {  	[dreg:$0x3] =	wrdreg $0xA8000  }
0xb0: {  	[dreg:$0x4] =	wrdreg $0x9  }
0xb1: {  	_ =	task.clear_ibuf [dreg:s6], $0x5FFFF;
	_ =	strace $0x90000049  }
0xb2: {  	s29 =	simm.s32 $0x9;
	_ =	strace $0x8000004B  }
0xb3: {  	_ =	swait.ge [sflag:s29], $0x1  }
0xb4: {  	[sflag:s29] =	ssyncadd.s32 $0xFFFFFFFF  }
0xb5: {  	_ =	strace $0x9000004B  }
0xb6: {  	_ =	sfence  }
0xb7: {  	s30 =	sld [smem:$0x0];
	_ =	sdelay $0x2  }
0xb8: {  	s31 =	sshll.u32 s1, $0xD;
	s1 =	sshrl.u32 s1, $0x2  }
0xb9: {  	s3 =	sand.u32 $0x4000, s31;
	s1 =	sadd.s32 s1, s30  }
0xba: {  	s0 =	sor.u32 s3, s0;
	s1 =	sshll.u32 s1, $0x11  }
0xbb: {  	s0 =	sor.u32 s1, s0  }
0xbc: {  	s0 =	sadd.s32 $0x8F2B, s0  }
0xbd: {  	[sflag:s0] =	ssyncadd.remote.s32 $0x1  }
0xbe: {  	_ =	sfence.sel $0xFFFF  }
0xbf: {  	[dreg:$0x0] =	wrdreg $0xFFFFFFFF;
	(pc) =	sbr.abs _section_cstart, $3  }
0xc0: {  	[dreg:$0x1] =	wrdreg $0xFFFFFFFF  }
0xc1: {  	_ =	task.clear_ibuf [dreg:s6], $0x2FFFF;
	_ =	strace $0x9FFFFFFF  }
0xc2: {  	(tm) =	ssettm $0x7FFFFFFF  }
0xc3: {  	_ =	shalt  }
tec
execute0_lowered:
.L_overlay_start_1:
0x0: {  	(tag) =	ssettag $0x1  }
0x1: {  	s0 =	rddreg [dreg:$0x0]  }
0x2: {  	s2 =	rddreg [dreg:$0x1];
	s3 =	simm.s32 $0x0  }
0x3: {  	s14 =	stileid.u32;
	s8 =	srdreg.scid;
	s17 =	simm.s32 $0x5  }
0x4: {  	s18 =	simm.s32 $0x40;
	s19 =	simm.s32 $0x2800;
	s28 =	simm.s32 $0x0  }
0x5: {  	[smem:$0x7FF] =	sst s3;
	s1 =	smul.u32 $0x2780, s14;
	s4 =	sadd.s32 $0x55E00, s0  }
0x6: {  	s5 =	sadd.s32 $0x6600, s0;
	s7 =	sadd.s32 $0x1A600, s0;
	s8 =	sand.u32 $0x1, s8  }
0x7: {  	s9 =	sshll.u32 s14, $0x1;
	s10 =	smul.u32 $0x4F000, s14;
	s21 =	sshll.u32 s14, $0x6  }
0x8: {  	s11 =	smul.u32 $0x27800, s8;
	s12 =	ssub.s32 $0x2, s8;
	s8 =	sor.u32 s8, s9  }
0x9: {  	_ =	strace $0x8000004A;
	s6 =	sadd.s32 s1, s0;
	s13 =	smul.u32 $0x5000, s8  }
0xa: {  	s20 =	sshrl.u32 s12, $0x1;
	s10 =	sshrl.u32 s10, $0x2;
	s8 =	smul.u32 $0xA00, s8  }
0xb: {  	s0 =	sadd.s32 s11, s0;
	s9 =	ssub.s32 s12, s20;
	s10 =	sadd.s32 s10, s2  }
0xc: {  	s6 =	sadd.s32 $0x2E600, s6;
	s20 =	simm.s32 $0x80;
	s22 =	sshrl.u32 s13, $0x3  }
0xd: {  	[dreg:$0x3] =	wrdreg s6;
	s6 =	sor.u32 $0x1C05, s21;
	s24 =	sadd.s32 s5, s8  }
0xe: {  	s8 =	sadd.s32 s7, s8;
	s0 =	sadd.s32 $0x7D000, s0;
	s15 =	smax.u32 s9, $0x1  }
0xf: {  	s16 =	sshrl.u32 s10, $0x3;
	s21 =	simm.s32 $0x4800;
	[dreg:$0x4] =	wrdreg s24  }
0x10: {  	s23 =	sadd.s32 $0x280, s22;
	[dreg:$0x5] =	wrdreg s8;
	s29 =	sadd.s32 $0x500, s22  }
0x11: {  	s30 =	sadd.s32 $0x780, s22;
	s22 =	simm.s32 $0x100;
	s24 =	sadd.s32 s1, s0  }
0x12: {  	s25 =	sadd.s32 s5, s23;
	s26 =	sadd.s32 s7, s23;
	s31 =	sadd.s32 s5, s29  }
0x13: {  	s12 =	sadd.s32 s7, s29;
	s13 =	sadd.s32 s5, s30;
	[dreg:$0x6] =	wrdreg s25  }
0x14: {  	s14 =	sadd.s32 s7, s30;
	s23 =	simm.s32 $0x6800;
	[dreg:$0x7] =	wrdreg s26  }
0x15: {  	[dreg:$0x8] =	wrdreg s31;
	s25 =	simm.s32 $0x180;
	s26 =	simm.s32 $0x8800  }
.LBB2_1:
0x16: {  	s0 =	rddreg [dreg:$0x3]  }
0x17: {  	[spmem:s16], [sflag:s6] =	dma.local [hbm:s0], $0x2780  }
0x18: {  	_ =	swait.ge [sflag:s17], $0x2780  }
0x19: {  	[sflag:s17] =	ssyncset.done $0x0  }
0x1a: {  	[sflag:s17] =	ssyncadd.s32 $0xFFFFD880  }
0x1b: {  	[bflag:$0x0] =	sbarrier.arrive $0xFFFF  }
0x1c: {  	s9 =	rddreg [dreg:$0x4]  }
0x1d: {  	[tilespmem:s3], [sflag:$0x5] =	stream.linear.gather [hbm4b:s9+s3], $0x1400, $0x38;
	[tilespmem:$0x1E400] =	vst v63  }
0x1e: {  	_ =	swait.ge [sflag:s17], $0x1400  }
0x1f: {  	[sflag:s17] =	ssyncset.done $0x0  }
0x20: {  	s10 =	simm.s32 $0x1400;
	s1 =	rddreg [dreg:$0x5];
	[sflag:s17] =	ssyncadd.s32 $0xFFFFEC00  }
0x21: {  	[tilespmem:s10], [sflag:$0x5] =	stream.linear.gather [hbm4b:s1+s3], $0x1400, $0x38;
	[tilespmem:$0x1E400] =	vst v63  }
0x22: {  	_ =	swait.ge [sflag:s17], $0x1400  }
0x23: {  	[sflag:s17] =	ssyncset.done $0x0  }
0x24: {  	[sflag:s17] =	ssyncadd.s32 $0xFFFFEC00  }
0x25: {  	[tilespmem:s19], [sflag:$0x1] =	stream.indirect.gather [hbm4b:s4+s18], $0x80, s3, s18, $0xb8;
	[tilespmem:$0x1E400] =	vst v63  }
0x26: {  	_ = 	snop  }
0x27: {  	[tilespmem:s21], [sflag:$0x2] =	stream.indirect.gather [hbm4b:s4+s18], $0x80, s20, s18, $0xb8;
	[tilespmem:$0x1E400] =	vst v63  }
0x28: {  	s11 =	sand.u32 $0x3, s3  }
0x29: {  	[tilespmem:s23], [sflag:$0x3] =	stream.indirect.gather [hbm4b:s4+s18], $0x80, s22, s18, $0xb8;
	[tilespmem:$0x1E400] =	vst v63  }
0x2a: {  	s31 =	sadd.s32 $0x1, s11  }
0x2b: {  	[tilespmem:s26], [sflag:$0x4] =	stream.indirect.gather [hbm4b:s4+s18], $0x80, s25, s18, $0xb8;
	[tilespmem:$0x1E400] =	vst v63  }
0x2c: {  	s30 =	simm.s32 $0x200;
	_ =	swait.ge [sflag:s31], $0x2000  }
0x2d: {  	s29 =	simm.s32 $0x1;
	s5 =	sshll.u32 s11, $0xD;
	[sflag:s31] =	ssyncset.done $0x0  }
0x2e: {  	s7 =	simm.s32 $0x2;
	s9 =	sadd.s32 $0x2800, s5;
	[sflag:s31] =	ssyncadd.s32 $0xFFFFE000  }
0x2f: {  	[spmem:s2] =	stream.indirect.scatter.add.f32 [tilespmem:s9], [sflag:$0x5], $0x80, s10, s18, $0xb8;
	[tilespmem:$0x1E400] =	vst v63  }
0x30: {  	p1 =	por $0x0, $0x0;
	s0 =	simm.s32 $0x280;
	_ =	swait.ge [sflag:s17], $0x2000  }
0x31: {  	s5 =	simm.s32 $0x1480;
	s1 =	sand.u32 $0x3, s29;
	[sflag:s17] =	ssyncset.done $0x0  }
0x32: {  	s8 =	sshll.u32 s1, $0xD;
	s10 =	simm.s32 @!p1 $0x40;
	[sflag:s17] =	ssyncadd.s32 $0xFFFFE000  }
.LBB2_2:
0x33: {  	[tilespmem:s9], [sflag:s31] =	stream.indirect.gather @!p1 [hbm4b:s4+s10], $0x80, s30, s10, $0xb8;
	[tilespmem:$0x1E400] =	vst v63  }
0x34: {  	s10 =	smov.u32 s29;
	s29 =	smov.u32 s7;
	s30 =	smov.u32 s0  }
0x35: {  	s7 =	sadd.s32 $0x1, s7;
	s31 =	sadd.s32 $0x1, s1;
	s1 =	sand.u32 $0x3, s29  }
0x36: {  	p0 =	sne.s32 s7, $0x28;
	s11 =	sshll.u32 s1, $0xD;
	_ =	swait.ge [sflag:s31], $0x2000  }
0x37: {  	[sflag:s31] =	ssyncset.done $0x0  }
.Ltmp0:
0x38: {  	s9 =	sadd.s32 $0x2800, s8;
	[sflag:s31] =	ssyncadd.s32 $0xFFFFE000;
	(pc) =	sbr.rel @p0 .LBB2_2-.Ltmp0, $4  }
0x39: {  	[spmem:s2] =	stream.indirect.scatter.add.f32 [tilespmem:s9], [sflag:$0x5], $0x80, s5, s18, $0xb8;
	[tilespmem:$0x1E400] =	vst v63  }
0x3a: {  	s8 =	smov.u32 s11;
	_ =	swait.ge [sflag:s17], $0x2000  }
0x3b: {  	p1 =	sgt.u32 s10, $0x23;
	s5 =	sadd.s32 $0x80, s5;
	[sflag:s17] =	ssyncset.done $0x0  }
0x3c: {  	s0 =	sadd.s32 $0x80, s0;
	s10 =	simm.s32 @!p1 $0x40;
	[sflag:s17] =	ssyncadd.s32 $0xFFFFE000  }
0x3d: {  	[tilespmem:s9], [sflag:s31] =	stream.indirect.gather @!p1 [hbm4b:s4+s10], $0x80, s30, s10, $0xb8;
	[tilespmem:$0x1E400] =	vst v63  }
0x3e: {  	s1 =	sadd.s32 $0x1, s1  }
0x3f: {  	_ =	swait.ge [sflag:s1], $0x2000  }
0x40: {  	[sflag:s1] =	ssyncset.done $0x0  }
0x41: {  	s7 =	sadd.s32 $0x2800, s8;
	[sflag:s1] =	ssyncadd.s32 $0xFFFFE000  }
0x42: {  	[spmem:s2] =	stream.indirect.scatter.add.f32 [tilespmem:s7], [sflag:$0x5], $0x80, s5, s18, $0xb8;
	[tilespmem:$0x1E400] =	vst v63  }
0x43: {  	_ =	swait.ge [sflag:s17], $0x2000  }
0x44: {  	p0 =	sgt.u32 s29, $0x23;
	[sflag:s17] =	ssyncset.done $0x0  }
0x45: {  	s5 =	simm.s32 @!p0 $0x40;
	[sflag:s17] =	ssyncadd.s32 $0xFFFFE000  }
0x46: {  	[tilespmem:s7], [sflag:s1] =	stream.indirect.gather @!p0 [hbm4b:s4+s5], $0x80, s0, s5, $0xb8;
	[tilespmem:$0x1E400] =	vst v63  }
0x47: {  	s11 =	simm.s32 $0x0;
	s7 =	rddreg [dreg:$0x6]  }
0x48: {  	[tilespmem:s11], [sflag:$0x5] =	stream.linear.gather [hbm4b:s7+s11], $0x1400, $0x38;
	[tilespmem:$0x1E400] =	vst v63  }
0x49: {  	_ =	swait.ge [sflag:s17], $0x1400  }
0x4a: {  	[sflag:s17] =	ssyncset.done $0x0  }
0x4b: {  	s8 =	simm.s32 $0x1400;
	s10 =	rddreg [dreg:$0x7];
	[sflag:s17] =	ssyncadd.s32 $0xFFFFEC00  }
0x4c: {  	[tilespmem:s8], [sflag:$0x5] =	stream.linear.gather [hbm4b:s10+s11], $0x1400, $0x38;
	[tilespmem:$0x1E400] =	vst v63  }
0x4d: {  	_ =	swait.ge [sflag:s17], $0x1400  }
0x4e: {  	[sflag:s17] =	ssyncset.done $0x0  }
0x4f: {  	[sflag:s17] =	ssyncadd.s32 $0xFFFFEC00  }
0x50: {  	[tilespmem:s19], [sflag:$0x1] =	stream.indirect.gather [hbm4b:s4+s18], $0x80, s11, s18, $0xb8;
	[tilespmem:$0x1E400] =	vst v63  }
0x51: {  	_ = 	snop  }
0x52: {  	[tilespmem:s21], [sflag:$0x2] =	stream.indirect.gather [hbm4b:s4+s18], $0x80, s20, s18, $0xb8;
	[tilespmem:$0x1E400] =	vst v63  }
0x53: {  	s11 =	sand.u32 $0x3, s11  }
0x54: {  	[tilespmem:s23], [sflag:$0x3] =	stream.indirect.gather [hbm4b:s4+s18], $0x80, s22, s18, $0xb8;
	[tilespmem:$0x1E400] =	vst v63  }
0x55: {  	s0 =	sadd.s32 $0x1, s11  }
0x56: {  	[tilespmem:s26], [sflag:$0x4] =	stream.indirect.gather [hbm4b:s4+s18], $0x80, s25, s18, $0xb8;
	[tilespmem:$0x1E400] =	vst v63  }
0x57: {  	s30 =	simm.s32 $0x200;
	_ =	swait.ge [sflag:s0], $0x2000  }
0x58: {  	s29 =	simm.s32 $0x1;
	s5 =	sshll.u32 s11, $0xD;
	[sflag:s0] =	ssyncset.done $0x0  }
0x59: {  	p1 =	por $0x0, $0x0;
	s9 =	sadd.s32 $0x2800, s5;
	[sflag:s0] =	ssyncadd.s32 $0xFFFFE000  }
0x5a: {  	[spmem:s2] =	stream.indirect.scatter.add.f32 [tilespmem:s9], [sflag:$0x5], $0x80, s8, s18, $0xb8;
	[tilespmem:$0x1E400] =	vst v63  }
0x5b: {  	s31 =	sand.u32 $0x3, s29;
	s1 =	simm.s32 $0x280;
	_ =	swait.ge [sflag:s17], $0x2000  }
0x5c: {  	s7 =	simm.s32 $0x2;
	s10 =	simm.s32 @!p1 $0x40;
	[sflag:s17] =	ssyncset.done $0x0  }
0x5d: {  	s5 =	simm.s32 $0x1480;
	s8 =	sshll.u32 s31, $0xD;
	[sflag:s17] =	ssyncadd.s32 $0xFFFFE000  }
.LBB2_4:
0x5e: {  	[tilespmem:s9], [sflag:s0] =	stream.indirect.gather @!p1 [hbm4b:s4+s10], $0x80, s30, s10, $0xb8;
	[tilespmem:$0x1E400] =	vst v63  }
0x5f: {  	s10 =	smov.u32 s29;
	s29 =	smov.u32 s7;
	s30 =	smov.u32 s1  }
0x60: {  	s7 =	sadd.s32 $0x1, s7;
	s0 =	sadd.s32 $0x1, s31;
	s31 =	sand.u32 $0x3, s29  }
0x61: {  	p0 =	sne.s32 s7, $0x28;
	s11 =	sshll.u32 s31, $0xD;
	_ =	swait.ge [sflag:s0], $0x2000  }
0x62: {  	[sflag:s0] =	ssyncset.done $0x0  }
.Ltmp1:
0x63: {  	s9 =	sadd.s32 $0x2800, s8;
	[sflag:s0] =	ssyncadd.s32 $0xFFFFE000;
	(pc) =	sbr.rel @p0 .LBB2_4-.Ltmp1, $4  }
0x64: {  	[spmem:s2] =	stream.indirect.scatter.add.f32 [tilespmem:s9], [sflag:$0x5], $0x80, s5, s18, $0xb8;
	[tilespmem:$0x1E400] =	vst v63  }
0x65: {  	s8 =	smov.u32 s11;
	_ =	swait.ge [sflag:s17], $0x2000  }
0x66: {  	p1 =	sgt.u32 s10, $0x23;
	s5 =	sadd.s32 $0x80, s5;
	[sflag:s17] =	ssyncset.done $0x0  }
0x67: {  	s1 =	sadd.s32 $0x80, s1;
	s10 =	simm.s32 @!p1 $0x40;
	[sflag:s17] =	ssyncadd.s32 $0xFFFFE000  }
0x68: {  	[tilespmem:s9], [sflag:s0] =	stream.indirect.gather @!p1 [hbm4b:s4+s10], $0x80, s30, s10, $0xb8;
	[tilespmem:$0x1E400] =	vst v63  }
0x69: {  	s0 =	sadd.s32 $0x1, s31  }
0x6a: {  	_ =	swait.ge [sflag:s0], $0x2000  }
0x6b: {  	[sflag:s0] =	ssyncset.done $0x0  }
0x6c: {  	s7 =	sadd.s32 $0x2800, s8;
	[sflag:s0] =	ssyncadd.s32 $0xFFFFE000  }
0x6d: {  	[spmem:s2] =	stream.indirect.scatter.add.f32 [tilespmem:s7], [sflag:$0x5], $0x80, s5, s18, $0xb8;
	[tilespmem:$0x1E400] =	vst v63  }
0x6e: {  	_ =	swait.ge [sflag:s17], $0x2000  }
0x6f: {  	p0 =	sgt.u32 s29, $0x23;
	[sflag:s17] =	ssyncset.done $0x0  }
0x70: {  	s5 =	simm.s32 @!p0 $0x40;
	[sflag:s17] =	ssyncadd.s32 $0xFFFFE000  }
0x71: {  	[tilespmem:s7], [sflag:s0] =	stream.indirect.gather @!p0 [hbm4b:s4+s5], $0x80, s1, s5, $0xb8;
	[tilespmem:$0x1E400] =	vst v63  }
0x72: {  	s8 =	simm.s32 $0x0;
	s9 =	rddreg [dreg:$0x8]  }
0x73: {  	[tilespmem:s8], [sflag:$0x5] =	stream.linear.gather [hbm4b:s9+s8], $0x1400, $0x38;
	[tilespmem:$0x1E400] =	vst v63  }
0x74: {  	_ =	swait.ge [sflag:s17], $0x1400  }
0x75: {  	[sflag:s17] =	ssyncset.done $0x0  }
0x76: {  	s10 =	simm.s32 $0x1400;
	[sflag:s17] =	ssyncadd.s32 $0xFFFFEC00  }
0x77: {  	[tilespmem:s10], [sflag:$0x5] =	stream.linear.gather [hbm4b:s12+s8], $0x1400, $0x38;
	[tilespmem:$0x1E400] =	vst v63  }
0x78: {  	_ =	swait.ge [sflag:s17], $0x1400  }
0x79: {  	[sflag:s17] =	ssyncset.done $0x0  }
0x7a: {  	[sflag:s17] =	ssyncadd.s32 $0xFFFFEC00  }
0x7b: {  	[tilespmem:s19], [sflag:$0x1] =	stream.indirect.gather [hbm4b:s4+s18], $0x80, s8, s18, $0xb8;
	[tilespmem:$0x1E400] =	vst v63  }
0x7c: {  	_ = 	snop  }
0x7d: {  	[tilespmem:s21], [sflag:$0x2] =	stream.indirect.gather [hbm4b:s4+s18], $0x80, s20, s18, $0xb8;
	[tilespmem:$0x1E400] =	vst v63  }
0x7e: {  	s11 =	sand.u32 $0x3, s8  }
0x7f: {  	[tilespmem:s23], [sflag:$0x3] =	stream.indirect.gather [hbm4b:s4+s18], $0x80, s22, s18, $0xb8;
	[tilespmem:$0x1E400] =	vst v63  }
0x80: {  	s0 =	sadd.s32 $0x1, s11  }
0x81: {  	[tilespmem:s26], [sflag:$0x4] =	stream.indirect.gather [hbm4b:s4+s18], $0x80, s25, s18, $0xb8;
	[tilespmem:$0x1E400] =	vst v63  }
0x82: {  	s30 =	simm.s32 $0x200;
	_ =	swait.ge [sflag:s0], $0x2000  }
0x83: {  	s29 =	simm.s32 $0x1;
	s5 =	sshll.u32 s11, $0xD;
	[sflag:s0] =	ssyncset.done $0x0  }
0x84: {  	p1 =	por $0x0, $0x0;
	s9 =	sadd.s32 $0x2800, s5;
	[sflag:s0] =	ssyncadd.s32 $0xFFFFE000  }
0x85: {  	[spmem:s2] =	stream.indirect.scatter.add.f32 [tilespmem:s9], [sflag:$0x5], $0x80, s10, s18, $0xb8;
	[tilespmem:$0x1E400] =	vst v63  }
0x86: {  	s31 =	sand.u32 $0x3, s29;
	s7 =	simm.s32 $0x2;
	_ =	swait.ge [sflag:s17], $0x2000  }
0x87: {  	s1 =	simm.s32 $0x280;
	s5 =	simm.s32 $0x1480;
	[sflag:s17] =	ssyncset.done $0x0  }
0x88: {  	s8 =	sshll.u32 s31, $0xD;
	s10 =	simm.s32 @!p1 $0x40;
	[sflag:s17] =	ssyncadd.s32 $0xFFFFE000  }
.LBB2_6:
0x89: {  	[tilespmem:s9], [sflag:s0] =	stream.indirect.gather @!p1 [hbm4b:s4+s10], $0x80, s30, s10, $0xb8;
	[tilespmem:$0x1E400] =	vst v63  }
0x8a: {  	s10 =	smov.u32 s29;
	s29 =	smov.u32 s7;
	s30 =	smov.u32 s1  }
0x8b: {  	s7 =	sadd.s32 $0x1, s7;
	s0 =	sadd.s32 $0x1, s31;
	s31 =	sand.u32 $0x3, s29  }
0x8c: {  	p0 =	sne.s32 s7, $0x28;
	s11 =	sshll.u32 s31, $0xD;
	_ =	swait.ge [sflag:s0], $0x2000  }
0x8d: {  	[sflag:s0] =	ssyncset.done $0x0  }
.Ltmp2:
0x8e: {  	s9 =	sadd.s32 $0x2800, s8;
	[sflag:s0] =	ssyncadd.s32 $0xFFFFE000;
	(pc) =	sbr.rel @p0 .LBB2_6-.Ltmp2, $4  }
0x8f: {  	[spmem:s2] =	stream.indirect.scatter.add.f32 [tilespmem:s9], [sflag:$0x5], $0x80, s5, s18, $0xb8;
	[tilespmem:$0x1E400] =	vst v63  }
0x90: {  	s8 =	smov.u32 s11;
	_ =	swait.ge [sflag:s17], $0x2000  }
0x91: {  	p1 =	sgt.u32 s10, $0x23;
	s5 =	sadd.s32 $0x80, s5;
	[sflag:s17] =	ssyncset.done $0x0  }
0x92: {  	s1 =	sadd.s32 $0x80, s1;
	s10 =	simm.s32 @!p1 $0x40;
	[sflag:s17] =	ssyncadd.s32 $0xFFFFE000  }
0x93: {  	[tilespmem:s9], [sflag:s0] =	stream.indirect.gather @!p1 [hbm4b:s4+s10], $0x80, s30, s10, $0xb8;
	[tilespmem:$0x1E400] =	vst v63  }
0x94: {  	s0 =	sadd.s32 $0x1, s31  }
0x95: {  	_ =	swait.ge [sflag:s0], $0x2000  }
0x96: {  	[sflag:s0] =	ssyncset.done $0x0  }
0x97: {  	s7 =	sadd.s32 $0x2800, s8;
	[sflag:s0] =	ssyncadd.s32 $0xFFFFE000  }
0x98: {  	[spmem:s2] =	stream.indirect.scatter.add.f32 [tilespmem:s7], [sflag:$0x5], $0x80, s5, s18, $0xb8;
	[tilespmem:$0x1E400] =	vst v63  }
0x99: {  	_ =	swait.ge [sflag:s17], $0x2000  }
0x9a: {  	p0 =	sgt.u32 s29, $0x23;
	[sflag:s17] =	ssyncset.done $0x0  }
0x9b: {  	s5 =	simm.s32 @!p0 $0x40;
	[sflag:s17] =	ssyncadd.s32 $0xFFFFE000  }
0x9c: {  	[tilespmem:s7], [sflag:s0] =	stream.indirect.gather @!p0 [hbm4b:s4+s5], $0x80, s1, s5, $0xb8;
	[tilespmem:$0x1E400] =	vst v63  }
0x9d: {  	s9 =	simm.s32 $0x0  }
0x9e: {  	[tilespmem:s9], [sflag:$0x5] =	stream.linear.gather [hbm4b:s13+s9], $0x1400, $0x38;
	[tilespmem:$0x1E400] =	vst v63  }
0x9f: {  	_ =	swait.ge [sflag:s17], $0x1400  }
0xa0: {  	[sflag:s17] =	ssyncset.done $0x0  }
0xa1: {  	s10 =	simm.s32 $0x1400;
	[sflag:s17] =	ssyncadd.s32 $0xFFFFEC00  }
0xa2: {  	[tilespmem:s10], [sflag:$0x5] =	stream.linear.gather [hbm4b:s14+s9], $0x1400, $0x38;
	[tilespmem:$0x1E400] =	vst v63  }
0xa3: {  	_ =	swait.ge [sflag:s17], $0x1400  }
0xa4: {  	[sflag:s17] =	ssyncset.done $0x0  }
0xa5: {  	[sflag:s17] =	ssyncadd.s32 $0xFFFFEC00  }
0xa6: {  	[tilespmem:s19], [sflag:$0x1] =	stream.indirect.gather [hbm4b:s4+s18], $0x80, s9, s18, $0xb8;
	[tilespmem:$0x1E400] =	vst v63  }
0xa7: {  	_ = 	snop  }
0xa8: {  	[tilespmem:s21], [sflag:$0x2] =	stream.indirect.gather [hbm4b:s4+s18], $0x80, s20, s18, $0xb8;
	[tilespmem:$0x1E400] =	vst v63  }
0xa9: {  	s11 =	sand.u32 $0x3, s9  }
0xaa: {  	[tilespmem:s23], [sflag:$0x3] =	stream.indirect.gather [hbm4b:s4+s18], $0x80, s22, s18, $0xb8;
	[tilespmem:$0x1E400] =	vst v63  }
0xab: {  	s0 =	sadd.s32 $0x1, s11  }
0xac: {  	[tilespmem:s26], [sflag:$0x4] =	stream.indirect.gather [hbm4b:s4+s18], $0x80, s25, s18, $0xb8;
	[tilespmem:$0x1E400] =	vst v63  }
0xad: {  	s30 =	simm.s32 $0x200;
	_ =	swait.ge [sflag:s0], $0x2000  }
0xae: {  	s29 =	simm.s32 $0x1;
	s5 =	sshll.u32 s11, $0xD;
	[sflag:s0] =	ssyncset.done $0x0  }
0xaf: {  	s31 =	sand.u32 $0x3, s29;
	s9 =	sadd.s32 $0x2800, s5;
	[sflag:s0] =	ssyncadd.s32 $0xFFFFE000  }
0xb0: {  	[spmem:s2] =	stream.indirect.scatter.add.f32 [tilespmem:s9], [sflag:$0x5], $0x80, s10, s18, $0xb8;
	[tilespmem:$0x1E400] =	vst v63  }
0xb1: {  	p1 =	por $0x0, $0x0;
	s8 =	sshll.u32 s31, $0xD;
	_ =	swait.ge [sflag:s17], $0x2000  }
0xb2: {  	s7 =	simm.s32 $0x2;
	s1 =	simm.s32 $0x280;
	[sflag:s17] =	ssyncset.done $0x0  }
0xb3: {  	s5 =	simm.s32 $0x1480;
	s10 =	simm.s32 @!p1 $0x40;
	[sflag:s17] =	ssyncadd.s32 $0xFFFFE000  }
.LBB2_8:
0xb4: {  	[tilespmem:s9], [sflag:s0] =	stream.indirect.gather @!p1 [hbm4b:s4+s10], $0x80, s30, s10, $0xb8;
	[tilespmem:$0x1E400] =	vst v63  }
0xb5: {  	s10 =	smov.u32 s29;
	s29 =	smov.u32 s7;
	s30 =	smov.u32 s1  }
0xb6: {  	s7 =	sadd.s32 $0x1, s7;
	s0 =	sadd.s32 $0x1, s31;
	s31 =	sand.u32 $0x3, s29  }
0xb7: {  	p0 =	sne.s32 s7, $0x28;
	s11 =	sshll.u32 s31, $0xD;
	_ =	swait.ge [sflag:s0], $0x2000  }
0xb8: {  	[sflag:s0] =	ssyncset.done $0x0  }
.Ltmp3:
0xb9: {  	s9 =	sadd.s32 $0x2800, s8;
	[sflag:s0] =	ssyncadd.s32 $0xFFFFE000;
	(pc) =	sbr.rel @p0 .LBB2_8-.Ltmp3, $4  }
0xba: {  	[spmem:s2] =	stream.indirect.scatter.add.f32 [tilespmem:s9], [sflag:$0x5], $0x80, s5, s18, $0xb8;
	[tilespmem:$0x1E400] =	vst v63  }
0xbb: {  	s8 =	smov.u32 s11;
	_ =	swait.ge [sflag:s17], $0x2000  }
0xbc: {  	p1 =	sgt.u32 s10, $0x23;
	s5 =	sadd.s32 $0x80, s5;
	[sflag:s17] =	ssyncset.done $0x0  }
0xbd: {  	s1 =	sadd.s32 $0x80, s1;
	s10 =	simm.s32 @!p1 $0x40;
	[sflag:s17] =	ssyncadd.s32 $0xFFFFE000  }
0xbe: {  	[tilespmem:s9], [sflag:s0] =	stream.indirect.gather @!p1 [hbm4b:s4+s10], $0x80, s30, s10, $0xb8;
	[tilespmem:$0x1E400] =	vst v63  }
0xbf: {  	s0 =	sadd.s32 $0x1, s31  }
0xc0: {  	_ =	swait.ge [sflag:s0], $0x2000  }
0xc1: {  	[sflag:s0] =	ssyncset.done $0x0  }
0xc2: {  	s7 =	sadd.s32 $0x2800, s8;
	[sflag:s0] =	ssyncadd.s32 $0xFFFFE000  }
0xc3: {  	[spmem:s2] =	stream.indirect.scatter.add.f32 [tilespmem:s7], [sflag:$0x5], $0x80, s5, s18, $0xb8;
	[tilespmem:$0x1E400] =	vst v63  }
0xc4: {  	_ =	swait.ge [sflag:s17], $0x2000  }
0xc5: {  	p0 =	sgt.u32 s29, $0x23;
	[sflag:s17] =	ssyncset.done $0x0  }
0xc6: {  	s28 =	sadd.s32 $0x1, s28;
	s5 =	simm.s32 @!p0 $0x40;
	[sflag:s17] =	ssyncadd.s32 $0xFFFFE000  }
0xc7: {  	[tilespmem:s7], [sflag:s0] =	stream.indirect.gather @!p0 [hbm4b:s4+s5], $0x80, s1, s5, $0xb8;
	[tilespmem:$0x1E400] =	vst v63  }
0xc8: {  	p0 =	sne.s32 s28, s15  }
.Ltmp4:
0xc9: {  	[bflag:$0x0] =	sbarrier.arrive $0xFFFF;
	(pc) =	sbr.rel @p0 .LBB2_1-.Ltmp4, $4  }
0xca: {  	[hbm:s24], [sflag:s6] =	dma.local [spmem:s16], $0x2780  }
0xcb: {  	_ =	swait.ge [sflag:s17], $0x2780  }
0xcc: {  	[sflag:s17] =	ssyncset.done $0x0  }
0xcd: {  	[sflag:s17] =	ssyncadd.s32 $0xFFFFD880  }
0xce: {  	_ =	sfence.sel $0x180000  }
0xcf: {  	[bflag:$0x0] =	sbarrier.arrive $0xFFFF  }
0xd0: {  	_ =	strace $0x9000004A  }
0xd1: {  	s0 =	stileid.u32;
	[bflag:$0x2] =	sbarrier.arrive $0xFFFF  }
0xd2: {  	p0 =	sne.s32 s0, $0x0;
	s0 =	rddreg [dreg:$0x2]  }
0xd3: {  	s0 =	sadd.s32 @!p0 $0x100000, s0  }
0xd4: {  	[sflag:s0] =	ssyncadd.tile.s32 @!p0 $0x1;
	_ =	shalt  }
.Lfunc_end2:
_tile_overlayer_lowered:
.L_overlay_start_2:
0xd5: {  	(tag) =	ssettag $0x2  }
0xd6: {  	s0 =	rddreg [dreg:$0x0];
	s2 =	stileid.u32  }
0xd7: {  	s1 =	rddreg [dreg:$0x1];
	p0 =	sne.s32 s2, $0x0  }
0xd8: {  	s3 =	rddreg [dreg:$0x2];
	[bflag:$0x3] =	sbarrier.arrive $0xFFFF;
	s2 =	simm.s32 @!p0 $0x1C05  }
0xd9: {  	[timem:s3], [sflag:s2] =	dma.local @!p0 [hbm:s0], s1  }
0xda: {  	s0 =	simm.s32 @!p0 $0x5  }
0xdb: {  	_ =	swait.ge @!p0 [sflag:s0], s1  }
0xdc: {  	s1 =	ssub.s32 @!p0 $0x0, s1;
	[sflag:s0] =	ssyncset.done @!p0 $0x0  }
0xdd: {  	[sflag:s0] =	ssyncadd.s32 @!p0 s1  }
0xde: {  	[bflag:$0x3] =	sbarrier.arrive $0xFFFF  }
0xdf: {  	_ =	shalt  }

// kernel: kernel.14.cloned.1.call-start
scs
__scs_entry_jumppad:
0x0: {  	(pc) =	sbr.rel $0x88, $3  }
0x1: {  	(tag) =	ssettag $0x0;
	lr =	simm.s32 $0x1  }
0x2: {  	[smem:$0x3F7D] =	sst lr;
	_ =	strace $0xD0000000  }
0x3: {  	_ = 	snop  }
0x4: {  	_ = 	snop  }
0x5: {  	_ = 	snop  }
0x6: {  	_ = 	snop  }
0x7: {  	_ = 	snop  }
__scs_overlays_trampoline_lowered:
0x8: {  	[smem:$0x3F8C] =	sst s0  }
0x9: {  	[smem:$0x3F8D] =	sst s1  }
0xa: {  	[smem:$0x3F8E] =	sst s2  }
0xb: {  	[smem:$0x3F8F] =	sst s3  }
0xc: {  	[smem:$0x3F90] =	sst s4  }
0xd: {  	[smem:$0x3F91] =	sst s5  }
0xe: {  	[smem:$0x3F92] =	sst s6  }
0xf: {  	[smem:$0x3F93] =	sst s7  }
0x10: {  	[smem:$0x3F94] =	sst s8  }
0x11: {  	[smem:$0x3F95] =	sst s9;
	s0 =	simm.s32 @!p0 $0x0  }
0x12: {  	s1 =	sld [smem:$0x3F7B];
	s0 =	simm.s32 @p0 $0x1  }
0x13: {  	[smem:$0x3F96] =	sst s0;
	s0 =	simm.s32 @!p1 $0x0  }
0x14: {  	s2 =	sld [smem:$0x3F7A];
	s0 =	simm.s32 @p1 $0x1  }
0x15: {  	[smem:$0x3F97] =	sst s0;
	s0 =	simm.s32 @!p2 $0x0  }
0x16: {  	s3 =	sld [smem:$0x3FDB];
	s0 =	simm.s32 @p2 $0x1  }
0x17: {  	s4 =	simm.s32 $0x1BF5;
	[smem:$0x3F99] =	sst s0  }
0x18: {  	s0 =	sld [smem:$0x3F7C];
	_ =	swait.ge [sflag:s4], $0x0  }
0x19: {  	s7 =	sld [smem:$0x3F7D]  }
0x1a: {  	s8 =	sadd.s32 $0xFFFFE003, lr  }
0x1b: {  	s9 =	sadd.s32 $0xFFFFFEF7, lr;
	s5 =	simm.s32 $0xFFFFFFFF;
	p2 =	slt.u32 s8, $0xFFFFF086  }
0x1c: {  	p1 =	slt.u32 s9, $0xF7A;
	s5 =	simm.s32 @!p2 $0x0  }
0x1d: {  	s5 =	simm.s32 @p1 $0x1;
	p0 =	seq.s32 s7, s2  }
0x1e: {  	s7 =	smul.u32 @!p0 $0xF7A, s2;
	p2 =	seq.s32 @!p0 s5, $0x0  }
0x1f: {  	s9 =	smul.u32 $0xF7A, s1;
	s8 =	simm.s32 @!p0 $0x1BF5;
	p2 =	por !p2, p0  }
0x20: {  	[sflag:s8] =	ssyncset.s32 @!p0 $0xFFFFF086;
	s6 =	sadd.s32 @!p0 s3, s7;
	s7 =	simm.s32 @!p0 $0x108  }
0x21: {  	s3 =	sadd.s32 s3, s9;
	s6 =	sadd.s32 @!p0 $0x88, s6;
	s7 =	simm.s32 @p2 $0x1082  }
0x22: {  	[simem:s7], [sflag:s8] =	dma.local @!p0 [hbm:s6], $0xF7A  }
0x23: {  	s9 =	sor.u32 $0xD0000000, s2;
	s6 =	simm.s32 $0x108;
	_ =	swait.ge @!p0 [sflag:s8], $0x0  }
0x24: {  	s3 =	sadd.s32 $0x88, s3;
	s6 =	simm.s32 @!p1 $0x1082;
	[sflag:s4] =	ssyncset.s32 $0xFFFFF086  }
0x25: {  	[simem:s6], [sflag:s4] =	dma.local [hbm:s3], $0xF7A  }
0x26: {  	[smem:$0x3F7D] =	sst s1;
	(tag) =	ssettag s2;
	_ =	strace s9  }
0x27: {  	s1 =	sld [smem:$0x3F8D]  }
0x28: {  	s2 =	sld [smem:$0x3F8E]  }
0x29: {  	s4 =	sld [smem:$0x3F90]  }
0x2a: {  	p0 =	seq.s32 s5, $0x0;
	s5 =	sld [smem:$0x3F91]  }
0x2b: {  	s6 =	sld [smem:$0x3F92]  }
0x2c: {  	s7 =	sld [smem:$0x3F93]  }
0x2d: {  	s3 =	simm.s32 $0x108;
	s8 =	sld [smem:$0x3F94]  }
0x2e: {  	s3 =	simm.s32 @!p0 $0x1082;
	s9 =	sld [smem:$0x3F95]  }
0x2f: {  	lr =	sadd.s32 s0, s3;
	s0 =	sld [smem:$0x3F8C]  }
0x30: {  	s3 =	sld [smem:$0x3F8F]  }
0x31: {  	[smem:$0x3F98] =	sst s10  }
0x32: {  	s10 =	sld [smem:$0x3F96];
	_ =	sdelay $0x3  }
0x33: {  	p0 =	seq.s32 s10, $0x1;
	s10 =	sld [smem:$0x3F98];
	_ =	sdelay $0x3  }
0x34: {  	[smem:$0x3F98] =	sst s10  }
0x35: {  	s10 =	sld [smem:$0x3F97];
	_ =	sdelay $0x3  }
0x36: {  	p1 =	seq.s32 s10, $0x1;
	s10 =	sld [smem:$0x3F98];
	_ =	sdelay $0x3  }
0x37: {  	[smem:$0x3F98] =	sst s10  }
0x38: {  	s10 =	sld [smem:$0x3F99]  }
0x39: {  	_ = 	snop;
	(pc) =	sbr.ind lr, $3  }
0x3a: {  	_ = 	snop  }
0x3b: {  	_ = 	snop  }
0x3c: {  	p2 =	seq.s32 s10, $0x1;
	s10 =	sld [smem:$0x3F98]  }
0x3d: {  	_ =	shalt  }
0x3e: {  	_ =	shalt  }
0x3f: {  	_ =	shalt  }
0x40: {  	_ =	shalt  }
0x41: {  	_ =	shalt  }
0x42: {  	_ =	shalt  }
0x43: {  	_ =	shalt  }
0x44: {  	_ =	shalt  }
0x45: {  	_ =	shalt  }
0x46: {  	_ =	shalt  }
0x47: {  	_ =	shalt  }
0x48: {  	_ =	shalt  }
0x49: {  	_ =	shalt  }
0x4a: {  	_ =	shalt  }
0x4b: {  	_ =	shalt  }
0x4c: {  	_ =	shalt  }
0x4d: {  	_ =	shalt  }
0x4e: {  	_ =	shalt  }
0x4f: {  	_ =	shalt  }
0x50: {  	_ =	shalt  }
0x51: {  	_ =	shalt  }
0x52: {  	_ =	shalt  }
0x53: {  	_ =	shalt  }
0x54: {  	_ =	shalt  }
0x55: {  	_ =	shalt  }
0x56: {  	_ =	shalt  }
0x57: {  	_ =	shalt  }
0x58: {  	_ =	shalt  }
0x59: {  	_ =	shalt  }
0x5a: {  	_ =	shalt  }
0x5b: {  	_ =	shalt  }
0x5c: {  	_ =	shalt  }
0x5d: {  	_ =	shalt  }
0x5e: {  	_ =	shalt  }
0x5f: {  	_ =	shalt  }
0x60: {  	_ =	shalt  }
0x61: {  	_ =	shalt  }
0x62: {  	_ =	shalt  }
0x63: {  	_ =	shalt  }
0x64: {  	_ =	shalt  }
0x65: {  	_ =	shalt  }
0x66: {  	_ =	shalt  }
0x67: {  	_ =	shalt  }
0x68: {  	_ =	shalt  }
0x69: {  	_ =	shalt  }
0x6a: {  	_ =	shalt  }
0x6b: {  	_ =	shalt  }
0x6c: {  	_ =	shalt  }
0x6d: {  	_ =	shalt  }
0x6e: {  	_ =	shalt  }
0x6f: {  	_ =	shalt  }
0x70: {  	_ =	shalt  }
0x71: {  	_ =	shalt  }
0x72: {  	_ =	shalt  }
0x73: {  	_ =	shalt  }
0x74: {  	_ =	shalt  }
0x75: {  	_ =	shalt  }
0x76: {  	_ =	shalt  }
0x77: {  	_ =	shalt  }
0x78: {  	_ =	shalt  }
0x79: {  	_ =	shalt  }
0x7a: {  	_ =	shalt  }
0x7b: {  	_ =	shalt  }
0x7c: {  	_ =	shalt  }
0x7d: {  	_ =	shalt  }
0x7e: {  	_ =	shalt  }
0x7f: {  	_ =	shalt  }
0x80: {  	_ =	shalt  }
0x81: {  	_ =	shalt  }
0x82: {  	_ =	shalt  }
0x83: {  	_ =	shalt  }
0x84: {  	_ =	shalt  }
0x85: {  	_ =	shalt  }
0x86: {  	_ =	shalt  }
0x87: {  	_ =	shalt  }
.Lfunc_end0:
.L_simem_size_0:
called_computation.2_lowered:
.L_overlay_start_0:
0x88: {  	s2 =	sld [smem:$0x3FD9]  }
0x89: {  	s3 =	sld [smem:$0x3FFE];
	_ =	sdelay $0x1  }
0x8a: {  	s1 =	srdreg.scid  }
0x8b: {  	s0 =	sand.u32 $0x1, s1  }
0x8c: {  	s16 =	sshll.u32 s0, $0xA;
	s2 =	sadd.s32 s3, s2  }
0x8d: {  	s2 =	sadd.s32 s2, s16  }
0x8e: {  	[smem:$0x3FA4] =	sst s2  }
0x8f: {  	_ = 	snop  }
0x90: {  	(tm) =	ssettm $0x1  }
0x91: {  	s17 =	sld [smem:$0x3FFB];
	_ =	sdelay $0x3  }
0x92: {  	_ =	strace s17  }
0x93: {  	s2 =	sld [smem:$0x3FFC];
	_ =	sdelay $0x3  }
0x94: {  	_ =	strace s2  }
0x95: {  	s2 =	sld [smem:$0x3FFD];
	_ =	sdelay $0x3  }
0x96: {  	_ =	strace s2  }
0x97: {  	_ =	strace $0x8FFFFFFF  }
0x98: {  	s18 =	sld [smem:$0x3FDB];
	_ =	sdelay $0x1  }
0x99: {  	s19 =	simm.s32 $_scs_section_size  }
0x9a: {  	s4 =	simm.s32 $_size__tile_overlayer_lowered;
	s5 =	simm.s32 $_tile_overlayer_lowered  }
0x9b: {  	s22 =	simm.s32 $0x1BFF;
	s21 =	sshll.u32 s5, $0x1;
	s2 =	sadd.s32 s19, s18  }
0x9c: {  	s6 =	simm.s32 $0x0;
	s20 =	sshll.u32 s4, $0x1;
	s4 =	sadd.s32 s21, s2  }
0x9d: {  	[timem:s6], [sflag:s22] =	dma.local [hbm:s4], s20  }
0x9e: {  	_ =	swait.ge [sflag:s22], s20  }
0x9f: {  	s3 =	ssub.s32 $0x0, s20;
	[sflag:s22] =	ssyncset.done $0x0  }
0xa0: {  	[sflag:s22] =	ssyncadd.s32 s3;
	_ =	sdelay $0x1  }
0xa1: {  	s23 =	simm.s32 $0x1B8B  }
0xa2: {  	_ =	swait.ge [sflag:s23], $0x1  }
0xa3: {  	[sflag:s23] =	ssyncset.done $0x0  }
0xa4: {  	s25 =	simm.s32 $0x1B8E;
	s24 =	sld [smem:$0x3FFE];
	[sflag:s23] =	ssyncadd.s32 $0xFFFFFFFF  }
0xa5: {  	s26 =	simm.s32 $execute0_lowered;
	[smem:$0x3FD2] =	sst s25  }
0xa6: {  	s4 =	sshll.u32 s26, $0x1;
	_ =	strace $0x8000004C;
	[dreg:$0x1] =	wrdreg $0xFFFFFFFF  }
0xa7: {  	s28 =	simm.s32 $_size_execute0_lowered;
	s2 =	sadd.s32 s2, s4;
	[dreg:$0x0] =	wrdreg $0x0  }
0xa8: {  	s4 =	sshll.u32 s28, $0x1;
	[dreg:$0x2] =	wrdreg s2  }
0xa9: {  	[dreg:$0x3] =	wrdreg s4  }
0xaa: {  	[dreg:$0x4] =	wrdreg $0xC0  }
0xab: {  	_ =	task [dreg:s6], $0x5FFFF  }
0xac: {  	[dreg:$0x1] =	wrdreg $0xFFFFFFFF  }
0xad: {  	[dreg:$0x0] =	wrdreg $0x60  }
0xae: {  	[dreg:$0x2] =	wrdreg s24  }
0xaf: {  	[dreg:$0x3] =	wrdreg $0xA8000  }
0xb0: {  	[dreg:$0x4] =	wrdreg $0x9  }
0xb1: {  	_ =	task.clear_ibuf [dreg:s6], $0x5FFFF;
	_ =	strace $0x9000004C  }
0xb2: {  	s29 =	simm.s32 $0x9;
	_ =	strace $0x8000004E  }
0xb3: {  	_ =	swait.ge [sflag:s29], $0x1  }
0xb4: {  	[sflag:s29] =	ssyncadd.s32 $0xFFFFFFFF  }
0xb5: {  	_ =	strace $0x9000004E  }
0xb6: {  	_ =	sfence  }
0xb7: {  	s30 =	sld [smem:$0x0];
	_ =	sdelay $0x2  }
0xb8: {  	s31 =	sshll.u32 s1, $0xD;
	s1 =	sshrl.u32 s1, $0x2  }
0xb9: {  	s3 =	sand.u32 $0x4000, s31;
	s1 =	sadd.s32 s1, s30  }
0xba: {  	s0 =	sor.u32 s3, s0;
	s1 =	sshll.u32 s1, $0x11  }
0xbb: {  	s0 =	sor.u32 s1, s0  }
0xbc: {  	s0 =	sadd.s32 $0x8F2B, s0  }
0xbd: {  	[sflag:s0] =	ssyncadd.remote.s32 $0x1  }
0xbe: {  	_ =	sfence.sel $0xFFFF  }
0xbf: {  	[dreg:$0x0] =	wrdreg $0xFFFFFFFF;
	(pc) =	sbr.abs _section_cstart, $3  }
0xc0: {  	[dreg:$0x1] =	wrdreg $0xFFFFFFFF  }
0xc1: {  	_ =	task.clear_ibuf [dreg:s6], $0x2FFFF;
	_ =	strace $0x9FFFFFFF  }
0xc2: {  	(tm) =	ssettm $0x7FFFFFFF  }
0xc3: {  	_ =	shalt  }
tec
execute0_lowered:
.L_overlay_start_1:
0x0: {  	(tag) =	ssettag $0x1  }
0x1: {  	s0 =	rddreg [dreg:$0x0]  }
0x2: {  	s2 =	rddreg [dreg:$0x1];
	s3 =	simm.s32 $0x0  }
0x3: {  	s14 =	stileid.u32;
	s8 =	srdreg.scid;
	s17 =	simm.s32 $0x5  }
0x4: {  	s18 =	simm.s32 $0x40;
	s19 =	simm.s32 $0x2800;
	s28 =	simm.s32 $0x0  }
0x5: {  	[smem:$0x7FF] =	sst s3;
	s1 =	smul.u32 $0x2780, s14;
	s4 =	sadd.s32 $0x55E00, s0  }
0x6: {  	s5 =	sadd.s32 $0x6600, s0;
	s7 =	sadd.s32 $0x1A600, s0;
	s8 =	sand.u32 $0x1, s8  }
0x7: {  	s9 =	sshll.u32 s14, $0x1;
	s10 =	smul.u32 $0x4F000, s14;
	s21 =	sshll.u32 s14, $0x6  }
0x8: {  	s11 =	smul.u32 $0x27800, s8;
	s12 =	ssub.s32 $0x2, s8;
	s8 =	sor.u32 s8, s9  }
0x9: {  	_ =	strace $0x8000004D;
	s6 =	sadd.s32 s1, s0;
	s13 =	smul.u32 $0x5000, s8  }
0xa: {  	s20 =	sshrl.u32 s12, $0x1;
	s10 =	sshrl.u32 s10, $0x2;
	s8 =	smul.u32 $0xA00, s8  }
0xb: {  	s0 =	sadd.s32 s11, s0;
	s9 =	ssub.s32 s12, s20;
	s10 =	sadd.s32 s10, s2  }
0xc: {  	s6 =	sadd.s32 $0x2E600, s6;
	s20 =	simm.s32 $0x80;
	s22 =	sshrl.u32 s13, $0x3  }
0xd: {  	[dreg:$0x3] =	wrdreg s6;
	s6 =	sor.u32 $0x1C05, s21;
	s24 =	sadd.s32 s5, s8  }
0xe: {  	s8 =	sadd.s32 s7, s8;
	s0 =	sadd.s32 $0x7D000, s0;
	s15 =	smax.u32 s9, $0x1  }
0xf: {  	s16 =	sshrl.u32 s10, $0x3;
	s21 =	simm.s32 $0x4800;
	[dreg:$0x4] =	wrdreg s24  }
0x10: {  	s23 =	sadd.s32 $0x280, s22;
	[dreg:$0x5] =	wrdreg s8;
	s29 =	sadd.s32 $0x500, s22  }
0x11: {  	s30 =	sadd.s32 $0x780, s22;
	s22 =	simm.s32 $0x100;
	s24 =	sadd.s32 s1, s0  }
0x12: {  	s25 =	sadd.s32 s5, s23;
	s26 =	sadd.s32 s7, s23;
	s31 =	sadd.s32 s5, s29  }
0x13: {  	s12 =	sadd.s32 s7, s29;
	s13 =	sadd.s32 s5, s30;
	[dreg:$0x6] =	wrdreg s25  }
0x14: {  	s14 =	sadd.s32 s7, s30;
	s23 =	simm.s32 $0x6800;
	[dreg:$0x7] =	wrdreg s26  }
0x15: {  	[dreg:$0x8] =	wrdreg s31;
	s25 =	simm.s32 $0x180;
	s26 =	simm.s32 $0x8800  }
.LBB2_1:
0x16: {  	s0 =	rddreg [dreg:$0x3]  }
0x17: {  	[spmem:s16], [sflag:s6] =	dma.local [hbm:s0], $0x2780  }
0x18: {  	_ =	swait.ge [sflag:s17], $0x2780  }
0x19: {  	[sflag:s17] =	ssyncset.done $0x0  }
0x1a: {  	[sflag:s17] =	ssyncadd.s32 $0xFFFFD880  }
0x1b: {  	[bflag:$0x0] =	sbarrier.arrive $0xFFFF  }
0x1c: {  	s9 =	rddreg [dreg:$0x4]  }
0x1d: {  	[tilespmem:s3], [sflag:$0x5] =	stream.linear.gather [hbm4b:s9+s3], $0x1400, $0x38;
	[tilespmem:$0x1E400] =	vst v63  }
0x1e: {  	_ =	swait.ge [sflag:s17], $0x1400  }
0x1f: {  	[sflag:s17] =	ssyncset.done $0x0  }
0x20: {  	s10 =	simm.s32 $0x1400;
	s1 =	rddreg [dreg:$0x5];
	[sflag:s17] =	ssyncadd.s32 $0xFFFFEC00  }
0x21: {  	[tilespmem:s10], [sflag:$0x5] =	stream.linear.gather [hbm4b:s1+s3], $0x1400, $0x38;
	[tilespmem:$0x1E400] =	vst v63  }
0x22: {  	_ =	swait.ge [sflag:s17], $0x1400  }
0x23: {  	[sflag:s17] =	ssyncset.done $0x0  }
0x24: {  	[sflag:s17] =	ssyncadd.s32 $0xFFFFEC00  }
0x25: {  	[tilespmem:s19], [sflag:$0x1] =	stream.indirect.gather [hbm4b:s4+s18], $0x80, s3, s18, $0xb8;
	[tilespmem:$0x1E400] =	vst v63  }
0x26: {  	_ = 	snop  }
0x27: {  	[tilespmem:s21], [sflag:$0x2] =	stream.indirect.gather [hbm4b:s4+s18], $0x80, s20, s18, $0xb8;
	[tilespmem:$0x1E400] =	vst v63  }
0x28: {  	s11 =	sand.u32 $0x3, s3  }
0x29: {  	[tilespmem:s23], [sflag:$0x3] =	stream.indirect.gather [hbm4b:s4+s18], $0x80, s22, s18, $0xb8;
	[tilespmem:$0x1E400] =	vst v63  }
0x2a: {  	s31 =	sadd.s32 $0x1, s11  }
0x2b: {  	[tilespmem:s26], [sflag:$0x4] =	stream.indirect.gather [hbm4b:s4+s18], $0x80, s25, s18, $0xb8;
	[tilespmem:$0x1E400] =	vst v63  }
0x2c: {  	s30 =	simm.s32 $0x200;
	_ =	swait.ge [sflag:s31], $0x2000  }
0x2d: {  	s29 =	simm.s32 $0x1;
	s5 =	sshll.u32 s11, $0xD;
	[sflag:s31] =	ssyncset.done $0x0  }
0x2e: {  	s7 =	simm.s32 $0x2;
	s9 =	sadd.s32 $0x2800, s5;
	[sflag:s31] =	ssyncadd.s32 $0xFFFFE000  }
0x2f: {  	[spmem:s2] =	stream.indirect.scatter.add.f32 [tilespmem:s9], [sflag:$0x5], $0x80, s10, s18, $0xb8;
	[tilespmem:$0x1E400] =	vst v63  }
0x30: {  	p1 =	por $0x0, $0x0;
	s0 =	simm.s32 $0x280;
	_ =	swait.ge [sflag:s17], $0x2000  }
0x31: {  	s5 =	simm.s32 $0x1480;
	s1 =	sand.u32 $0x3, s29;
	[sflag:s17] =	ssyncset.done $0x0  }
0x32: {  	s8 =	sshll.u32 s1, $0xD;
	s10 =	simm.s32 @!p1 $0x40;
	[sflag:s17] =	ssyncadd.s32 $0xFFFFE000  }
.LBB2_2:
0x33: {  	[tilespmem:s9], [sflag:s31] =	stream.indirect.gather @!p1 [hbm4b:s4+s10], $0x80, s30, s10, $0xb8;
	[tilespmem:$0x1E400] =	vst v63  }
0x34: {  	s10 =	smov.u32 s29;
	s29 =	smov.u32 s7;
	s30 =	smov.u32 s0  }
0x35: {  	s7 =	sadd.s32 $0x1, s7;
	s31 =	sadd.s32 $0x1, s1;
	s1 =	sand.u32 $0x3, s29  }
0x36: {  	p0 =	sne.s32 s7, $0x28;
	s11 =	sshll.u32 s1, $0xD;
	_ =	swait.ge [sflag:s31], $0x2000  }
0x37: {  	[sflag:s31] =	ssyncset.done $0x0  }
.Ltmp0:
0x38: {  	s9 =	sadd.s32 $0x2800, s8;
	[sflag:s31] =	ssyncadd.s32 $0xFFFFE000;
	(pc) =	sbr.rel @p0 .LBB2_2-.Ltmp0, $4  }
0x39: {  	[spmem:s2] =	stream.indirect.scatter.add.f32 [tilespmem:s9], [sflag:$0x5], $0x80, s5, s18, $0xb8;
	[tilespmem:$0x1E400] =	vst v63  }
0x3a: {  	s8 =	smov.u32 s11;
	_ =	swait.ge [sflag:s17], $0x2000  }
0x3b: {  	p1 =	sgt.u32 s10, $0x23;
	s5 =	sadd.s32 $0x80, s5;
	[sflag:s17] =	ssyncset.done $0x0  }
0x3c: {  	s0 =	sadd.s32 $0x80, s0;
	s10 =	simm.s32 @!p1 $0x40;
	[sflag:s17] =	ssyncadd.s32 $0xFFFFE000  }
0x3d: {  	[tilespmem:s9], [sflag:s31] =	stream.indirect.gather @!p1 [hbm4b:s4+s10], $0x80, s30, s10, $0xb8;
	[tilespmem:$0x1E400] =	vst v63  }
0x3e: {  	s1 =	sadd.s32 $0x1, s1  }
0x3f: {  	_ =	swait.ge [sflag:s1], $0x2000  }
0x40: {  	[sflag:s1] =	ssyncset.done $0x0  }
0x41: {  	s7 =	sadd.s32 $0x2800, s8;
	[sflag:s1] =	ssyncadd.s32 $0xFFFFE000  }
0x42: {  	[spmem:s2] =	stream.indirect.scatter.add.f32 [tilespmem:s7], [sflag:$0x5], $0x80, s5, s18, $0xb8;
	[tilespmem:$0x1E400] =	vst v63  }
0x43: {  	_ =	swait.ge [sflag:s17], $0x2000  }
0x44: {  	p0 =	sgt.u32 s29, $0x23;
	[sflag:s17] =	ssyncset.done $0x0  }
0x45: {  	s5 =	simm.s32 @!p0 $0x40;
	[sflag:s17] =	ssyncadd.s32 $0xFFFFE000  }
0x46: {  	[tilespmem:s7], [sflag:s1] =	stream.indirect.gather @!p0 [hbm4b:s4+s5], $0x80, s0, s5, $0xb8;
	[tilespmem:$0x1E400] =	vst v63  }
0x47: {  	s11 =	simm.s32 $0x0;
	s7 =	rddreg [dreg:$0x6]  }
0x48: {  	[tilespmem:s11], [sflag:$0x5] =	stream.linear.gather [hbm4b:s7+s11], $0x1400, $0x38;
	[tilespmem:$0x1E400] =	vst v63  }
0x49: {  	_ =	swait.ge [sflag:s17], $0x1400  }
0x4a: {  	[sflag:s17] =	ssyncset.done $0x0  }
0x4b: {  	s8 =	simm.s32 $0x1400;
	s10 =	rddreg [dreg:$0x7];
	[sflag:s17] =	ssyncadd.s32 $0xFFFFEC00  }
0x4c: {  	[tilespmem:s8], [sflag:$0x5] =	stream.linear.gather [hbm4b:s10+s11], $0x1400, $0x38;
	[tilespmem:$0x1E400] =	vst v63  }
0x4d: {  	_ =	swait.ge [sflag:s17], $0x1400  }
0x4e: {  	[sflag:s17] =	ssyncset.done $0x0  }
0x4f: {  	[sflag:s17] =	ssyncadd.s32 $0xFFFFEC00  }
0x50: {  	[tilespmem:s19], [sflag:$0x1] =	stream.indirect.gather [hbm4b:s4+s18], $0x80, s11, s18, $0xb8;
	[tilespmem:$0x1E400] =	vst v63  }
0x51: {  	_ = 	snop  }
0x52: {  	[tilespmem:s21], [sflag:$0x2] =	stream.indirect.gather [hbm4b:s4+s18], $0x80, s20, s18, $0xb8;
	[tilespmem:$0x1E400] =	vst v63  }
0x53: {  	s11 =	sand.u32 $0x3, s11  }
0x54: {  	[tilespmem:s23], [sflag:$0x3] =	stream.indirect.gather [hbm4b:s4+s18], $0x80, s22, s18, $0xb8;
	[tilespmem:$0x1E400] =	vst v63  }
0x55: {  	s0 =	sadd.s32 $0x1, s11  }
0x56: {  	[tilespmem:s26], [sflag:$0x4] =	stream.indirect.gather [hbm4b:s4+s18], $0x80, s25, s18, $0xb8;
	[tilespmem:$0x1E400] =	vst v63  }
0x57: {  	s30 =	simm.s32 $0x200;
	_ =	swait.ge [sflag:s0], $0x2000  }
0x58: {  	s29 =	simm.s32 $0x1;
	s5 =	sshll.u32 s11, $0xD;
	[sflag:s0] =	ssyncset.done $0x0  }
0x59: {  	p1 =	por $0x0, $0x0;
	s9 =	sadd.s32 $0x2800, s5;
	[sflag:s0] =	ssyncadd.s32 $0xFFFFE000  }
0x5a: {  	[spmem:s2] =	stream.indirect.scatter.add.f32 [tilespmem:s9], [sflag:$0x5], $0x80, s8, s18, $0xb8;
	[tilespmem:$0x1E400] =	vst v63  }
0x5b: {  	s31 =	sand.u32 $0x3, s29;
	s1 =	simm.s32 $0x280;
	_ =	swait.ge [sflag:s17], $0x2000  }
0x5c: {  	s7 =	simm.s32 $0x2;
	s10 =	simm.s32 @!p1 $0x40;
	[sflag:s17] =	ssyncset.done $0x0  }
0x5d: {  	s5 =	simm.s32 $0x1480;
	s8 =	sshll.u32 s31, $0xD;
	[sflag:s17] =	ssyncadd.s32 $0xFFFFE000  }
.LBB2_4:
0x5e: {  	[tilespmem:s9], [sflag:s0] =	stream.indirect.gather @!p1 [hbm4b:s4+s10], $0x80, s30, s10, $0xb8;
	[tilespmem:$0x1E400] =	vst v63  }
0x5f: {  	s10 =	smov.u32 s29;
	s29 =	smov.u32 s7;
	s30 =	smov.u32 s1  }
0x60: {  	s7 =	sadd.s32 $0x1, s7;
	s0 =	sadd.s32 $0x1, s31;
	s31 =	sand.u32 $0x3, s29  }
0x61: {  	p0 =	sne.s32 s7, $0x28;
	s11 =	sshll.u32 s31, $0xD;
	_ =	swait.ge [sflag:s0], $0x2000  }
0x62: {  	[sflag:s0] =	ssyncset.done $0x0  }
.Ltmp1:
0x63: {  	s9 =	sadd.s32 $0x2800, s8;
	[sflag:s0] =	ssyncadd.s32 $0xFFFFE000;
	(pc) =	sbr.rel @p0 .LBB2_4-.Ltmp1, $4  }
0x64: {  	[spmem:s2] =	stream.indirect.scatter.add.f32 [tilespmem:s9], [sflag:$0x5], $0x80, s5, s18, $0xb8;
	[tilespmem:$0x1E400] =	vst v63  }
0x65: {  	s8 =	smov.u32 s11;
	_ =	swait.ge [sflag:s17], $0x2000  }
0x66: {  	p1 =	sgt.u32 s10, $0x23;
	s5 =	sadd.s32 $0x80, s5;
	[sflag:s17] =	ssyncset.done $0x0  }
0x67: {  	s1 =	sadd.s32 $0x80, s1;
	s10 =	simm.s32 @!p1 $0x40;
	[sflag:s17] =	ssyncadd.s32 $0xFFFFE000  }
0x68: {  	[tilespmem:s9], [sflag:s0] =	stream.indirect.gather @!p1 [hbm4b:s4+s10], $0x80, s30, s10, $0xb8;
	[tilespmem:$0x1E400] =	vst v63  }
0x69: {  	s0 =	sadd.s32 $0x1, s31  }
0x6a: {  	_ =	swait.ge [sflag:s0], $0x2000  }
0x6b: {  	[sflag:s0] =	ssyncset.done $0x0  }
0x6c: {  	s7 =	sadd.s32 $0x2800, s8;
	[sflag:s0] =	ssyncadd.s32 $0xFFFFE000  }
0x6d: {  	[spmem:s2] =	stream.indirect.scatter.add.f32 [tilespmem:s7], [sflag:$0x5], $0x80, s5, s18, $0xb8;
	[tilespmem:$0x1E400] =	vst v63  }
0x6e: {  	_ =	swait.ge [sflag:s17], $0x2000  }
0x6f: {  	p0 =	sgt.u32 s29, $0x23;
	[sflag:s17] =	ssyncset.done $0x0  }
0x70: {  	s5 =	simm.s32 @!p0 $0x40;
	[sflag:s17] =	ssyncadd.s32 $0xFFFFE000  }
0x71: {  	[tilespmem:s7], [sflag:s0] =	stream.indirect.gather @!p0 [hbm4b:s4+s5], $0x80, s1, s5, $0xb8;
	[tilespmem:$0x1E400] =	vst v63  }
0x72: {  	s8 =	simm.s32 $0x0;
	s9 =	rddreg [dreg:$0x8]  }
0x73: {  	[tilespmem:s8], [sflag:$0x5] =	stream.linear.gather [hbm4b:s9+s8], $0x1400, $0x38;
	[tilespmem:$0x1E400] =	vst v63  }
0x74: {  	_ =	swait.ge [sflag:s17], $0x1400  }
0x75: {  	[sflag:s17] =	ssyncset.done $0x0  }
0x76: {  	s10 =	simm.s32 $0x1400;
	[sflag:s17] =	ssyncadd.s32 $0xFFFFEC00  }
0x77: {  	[tilespmem:s10], [sflag:$0x5] =	stream.linear.gather [hbm4b:s12+s8], $0x1400, $0x38;
	[tilespmem:$0x1E400] =	vst v63  }
0x78: {  	_ =	swait.ge [sflag:s17], $0x1400  }
0x79: {  	[sflag:s17] =	ssyncset.done $0x0  }
0x7a: {  	[sflag:s17] =	ssyncadd.s32 $0xFFFFEC00  }
0x7b: {  	[tilespmem:s19], [sflag:$0x1] =	stream.indirect.gather [hbm4b:s4+s18], $0x80, s8, s18, $0xb8;
	[tilespmem:$0x1E400] =	vst v63  }
0x7c: {  	_ = 	snop  }
0x7d: {  	[tilespmem:s21], [sflag:$0x2] =	stream.indirect.gather [hbm4b:s4+s18], $0x80, s20, s18, $0xb8;
	[tilespmem:$0x1E400] =	vst v63  }
0x7e: {  	s11 =	sand.u32 $0x3, s8  }
0x7f: {  	[tilespmem:s23], [sflag:$0x3] =	stream.indirect.gather [hbm4b:s4+s18], $0x80, s22, s18, $0xb8;
	[tilespmem:$0x1E400] =	vst v63  }
0x80: {  	s0 =	sadd.s32 $0x1, s11  }
0x81: {  	[tilespmem:s26], [sflag:$0x4] =	stream.indirect.gather [hbm4b:s4+s18], $0x80, s25, s18, $0xb8;
	[tilespmem:$0x1E400] =	vst v63  }
0x82: {  	s30 =	simm.s32 $0x200;
	_ =	swait.ge [sflag:s0], $0x2000  }
0x83: {  	s29 =	simm.s32 $0x1;
	s5 =	sshll.u32 s11, $0xD;
	[sflag:s0] =	ssyncset.done $0x0  }
0x84: {  	p1 =	por $0x0, $0x0;
	s9 =	sadd.s32 $0x2800, s5;
	[sflag:s0] =	ssyncadd.s32 $0xFFFFE000  }
0x85: {  	[spmem:s2] =	stream.indirect.scatter.add.f32 [tilespmem:s9], [sflag:$0x5], $0x80, s10, s18, $0xb8;
	[tilespmem:$0x1E400] =	vst v63  }
0x86: {  	s31 =	sand.u32 $0x3, s29;
	s7 =	simm.s32 $0x2;
	_ =	swait.ge [sflag:s17], $0x2000  }
0x87: {  	s1 =	simm.s32 $0x280;
	s5 =	simm.s32 $0x1480;
	[sflag:s17] =	ssyncset.done $0x0  }
0x88: {  	s8 =	sshll.u32 s31, $0xD;
	s10 =	simm.s32 @!p1 $0x40;
	[sflag:s17] =	ssyncadd.s32 $0xFFFFE000  }
.LBB2_6:
0x89: {  	[tilespmem:s9], [sflag:s0] =	stream.indirect.gather @!p1 [hbm4b:s4+s10], $0x80, s30, s10, $0xb8;
	[tilespmem:$0x1E400] =	vst v63  }
0x8a: {  	s10 =	smov.u32 s29;
	s29 =	smov.u32 s7;
	s30 =	smov.u32 s1  }
0x8b: {  	s7 =	sadd.s32 $0x1, s7;
	s0 =	sadd.s32 $0x1, s31;
	s31 =	sand.u32 $0x3, s29  }
0x8c: {  	p0 =	sne.s32 s7, $0x28;
	s11 =	sshll.u32 s31, $0xD;
	_ =	swait.ge [sflag:s0], $0x2000  }
0x8d: {  	[sflag:s0] =	ssyncset.done $0x0  }
.Ltmp2:
0x8e: {  	s9 =	sadd.s32 $0x2800, s8;
	[sflag:s0] =	ssyncadd.s32 $0xFFFFE000;
	(pc) =	sbr.rel @p0 .LBB2_6-.Ltmp2, $4  }
0x8f: {  	[spmem:s2] =	stream.indirect.scatter.add.f32 [tilespmem:s9], [sflag:$0x5], $0x80, s5, s18, $0xb8;
	[tilespmem:$0x1E400] =	vst v63  }
0x90: {  	s8 =	smov.u32 s11;
	_ =	swait.ge [sflag:s17], $0x2000  }
0x91: {  	p1 =	sgt.u32 s10, $0x23;
	s5 =	sadd.s32 $0x80, s5;
	[sflag:s17] =	ssyncset.done $0x0  }
0x92: {  	s1 =	sadd.s32 $0x80, s1;
	s10 =	simm.s32 @!p1 $0x40;
	[sflag:s17] =	ssyncadd.s32 $0xFFFFE000  }
0x93: {  	[tilespmem:s9], [sflag:s0] =	stream.indirect.gather @!p1 [hbm4b:s4+s10], $0x80, s30, s10, $0xb8;
	[tilespmem:$0x1E400] =	vst v63  }
0x94: {  	s0 =	sadd.s32 $0x1, s31  }
0x95: {  	_ =	swait.ge [sflag:s0], $0x2000  }
0x96: {  	[sflag:s0] =	ssyncset.done $0x0  }
0x97: {  	s7 =	sadd.s32 $0x2800, s8;
	[sflag:s0] =	ssyncadd.s32 $0xFFFFE000  }
0x98: {  	[spmem:s2] =	stream.indirect.scatter.add.f32 [tilespmem:s7], [sflag:$0x5], $0x80, s5, s18, $0xb8;
	[tilespmem:$0x1E400] =	vst v63  }
0x99: {  	_ =	swait.ge [sflag:s17], $0x2000  }
0x9a: {  	p0 =	sgt.u32 s29, $0x23;
	[sflag:s17] =	ssyncset.done $0x0  }
0x9b: {  	s5 =	simm.s32 @!p0 $0x40;
	[sflag:s17] =	ssyncadd.s32 $0xFFFFE000  }
0x9c: {  	[tilespmem:s7], [sflag:s0] =	stream.indirect.gather @!p0 [hbm4b:s4+s5], $0x80, s1, s5, $0xb8;
	[tilespmem:$0x1E400] =	vst v63  }
0x9d: {  	s9 =	simm.s32 $0x0  }
0x9e: {  	[tilespmem:s9], [sflag:$0x5] =	stream.linear.gather [hbm4b:s13+s9], $0x1400, $0x38;
	[tilespmem:$0x1E400] =	vst v63  }
0x9f: {  	_ =	swait.ge [sflag:s17], $0x1400  }
0xa0: {  	[sflag:s17] =	ssyncset.done $0x0  }
0xa1: {  	s10 =	simm.s32 $0x1400;
	[sflag:s17] =	ssyncadd.s32 $0xFFFFEC00  }
0xa2: {  	[tilespmem:s10], [sflag:$0x5] =	stream.linear.gather [hbm4b:s14+s9], $0x1400, $0x38;
	[tilespmem:$0x1E400] =	vst v63  }
0xa3: {  	_ =	swait.ge [sflag:s17], $0x1400  }
0xa4: {  	[sflag:s17] =	ssyncset.done $0x0  }
0xa5: {  	[sflag:s17] =	ssyncadd.s32 $0xFFFFEC00  }
0xa6: {  	[tilespmem:s19], [sflag:$0x1] =	stream.indirect.gather [hbm4b:s4+s18], $0x80, s9, s18, $0xb8;
	[tilespmem:$0x1E400] =	vst v63  }
0xa7: {  	_ = 	snop  }
0xa8: {  	[tilespmem:s21], [sflag:$0x2] =	stream.indirect.gather [hbm4b:s4+s18], $0x80, s20, s18, $0xb8;
	[tilespmem:$0x1E400] =	vst v63  }
0xa9: {  	s11 =	sand.u32 $0x3, s9  }
0xaa: {  	[tilespmem:s23], [sflag:$0x3] =	stream.indirect.gather [hbm4b:s4+s18], $0x80, s22, s18, $0xb8;
	[tilespmem:$0x1E400] =	vst v63  }
0xab: {  	s0 =	sadd.s32 $0x1, s11  }
0xac: {  	[tilespmem:s26], [sflag:$0x4] =	stream.indirect.gather [hbm4b:s4+s18], $0x80, s25, s18, $0xb8;
	[tilespmem:$0x1E400] =	vst v63  }
0xad: {  	s30 =	simm.s32 $0x200;
	_ =	swait.ge [sflag:s0], $0x2000  }
0xae: {  	s29 =	simm.s32 $0x1;
	s5 =	sshll.u32 s11, $0xD;
	[sflag:s0] =	ssyncset.done $0x0  }
0xaf: {  	s31 =	sand.u32 $0x3, s29;
	s9 =	sadd.s32 $0x2800, s5;
	[sflag:s0] =	ssyncadd.s32 $0xFFFFE000  }
0xb0: {  	[spmem:s2] =	stream.indirect.scatter.add.f32 [tilespmem:s9], [sflag:$0x5], $0x80, s10, s18, $0xb8;
	[tilespmem:$0x1E400] =	vst v63  }
0xb1: {  	p1 =	por $0x0, $0x0;
	s8 =	sshll.u32 s31, $0xD;
	_ =	swait.ge [sflag:s17], $0x2000  }
0xb2: {  	s7 =	simm.s32 $0x2;
	s1 =	simm.s32 $0x280;
	[sflag:s17] =	ssyncset.done $0x0  }
0xb3: {  	s5 =	simm.s32 $0x1480;
	s10 =	simm.s32 @!p1 $0x40;
	[sflag:s17] =	ssyncadd.s32 $0xFFFFE000  }
.LBB2_8:
0xb4: {  	[tilespmem:s9], [sflag:s0] =	stream.indirect.gather @!p1 [hbm4b:s4+s10], $0x80, s30, s10, $0xb8;
	[tilespmem:$0x1E400] =	vst v63  }
0xb5: {  	s10 =	smov.u32 s29;
	s29 =	smov.u32 s7;
	s30 =	smov.u32 s1  }
0xb6: {  	s7 =	sadd.s32 $0x1, s7;
	s0 =	sadd.s32 $0x1, s31;
	s31 =	sand.u32 $0x3, s29  }
0xb7: {  	p0 =	sne.s32 s7, $0x28;
	s11 =	sshll.u32 s31, $0xD;
	_ =	swait.ge [sflag:s0], $0x2000  }
0xb8: {  	[sflag:s0] =	ssyncset.done $0x0  }
.Ltmp3:
0xb9: {  	s9 =	sadd.s32 $0x2800, s8;
	[sflag:s0] =	ssyncadd.s32 $0xFFFFE000;
	(pc) =	sbr.rel @p0 .LBB2_8-.Ltmp3, $4  }
0xba: {  	[spmem:s2] =	stream.indirect.scatter.add.f32 [tilespmem:s9], [sflag:$0x5], $0x80, s5, s18, $0xb8;
	[tilespmem:$0x1E400] =	vst v63  }
0xbb: {  	s8 =	smov.u32 s11;
	_ =	swait.ge [sflag:s17], $0x2000  }
0xbc: {  	p1 =	sgt.u32 s10, $0x23;
	s5 =	sadd.s32 $0x80, s5;
	[sflag:s17] =	ssyncset.done $0x0  }
0xbd: {  	s1 =	sadd.s32 $0x80, s1;
	s10 =	simm.s32 @!p1 $0x40;
	[sflag:s17] =	ssyncadd.s32 $0xFFFFE000  }
0xbe: {  	[tilespmem:s9], [sflag:s0] =	stream.indirect.gather @!p1 [hbm4b:s4+s10], $0x80, s30, s10, $0xb8;
	[tilespmem:$0x1E400] =	vst v63  }
0xbf: {  	s0 =	sadd.s32 $0x1, s31  }
0xc0: {  	_ =	swait.ge [sflag:s0], $0x2000  }
0xc1: {  	[sflag:s0] =	ssyncset.done $0x0  }
0xc2: {  	s7 =	sadd.s32 $0x2800, s8;
	[sflag:s0] =	ssyncadd.s32 $0xFFFFE000  }
0xc3: {  	[spmem:s2] =	stream.indirect.scatter.add.f32 [tilespmem:s7], [sflag:$0x5], $0x80, s5, s18, $0xb8;
	[tilespmem:$0x1E400] =	vst v63  }
0xc4: {  	_ =	swait.ge [sflag:s17], $0x2000  }
0xc5: {  	p0 =	sgt.u32 s29, $0x23;
	[sflag:s17] =	ssyncset.done $0x0  }
0xc6: {  	s28 =	sadd.s32 $0x1, s28;
	s5 =	simm.s32 @!p0 $0x40;
	[sflag:s17] =	ssyncadd.s32 $0xFFFFE000  }
0xc7: {  	[tilespmem:s7], [sflag:s0] =	stream.indirect.gather @!p0 [hbm4b:s4+s5], $0x80, s1, s5, $0xb8;
	[tilespmem:$0x1E400] =	vst v63  }
0xc8: {  	p0 =	sne.s32 s28, s15  }
.Ltmp4:
0xc9: {  	[bflag:$0x0] =	sbarrier.arrive $0xFFFF;
	(pc) =	sbr.rel @p0 .LBB2_1-.Ltmp4, $4  }
0xca: {  	[hbm:s24], [sflag:s6] =	dma.local [spmem:s16], $0x2780  }
0xcb: {  	_ =	swait.ge [sflag:s17], $0x2780  }
0xcc: {  	[sflag:s17] =	ssyncset.done $0x0  }
0xcd: {  	[sflag:s17] =	ssyncadd.s32 $0xFFFFD880  }
0xce: {  	_ =	sfence.sel $0x180000  }
0xcf: {  	[bflag:$0x0] =	sbarrier.arrive $0xFFFF  }
0xd0: {  	_ =	strace $0x9000004D  }
0xd1: {  	s0 =	stileid.u32;
	[bflag:$0x2] =	sbarrier.arrive $0xFFFF  }
0xd2: {  	p0 =	sne.s32 s0, $0x0;
	s0 =	rddreg [dreg:$0x2]  }
0xd3: {  	s0 =	sadd.s32 @!p0 $0x100000, s0  }
0xd4: {  	[sflag:s0] =	ssyncadd.tile.s32 @!p0 $0x1;
	_ =	shalt  }
.Lfunc_end2:
_tile_overlayer_lowered:
.L_overlay_start_2:
0xd5: {  	(tag) =	ssettag $0x2  }
0xd6: {  	s0 =	rddreg [dreg:$0x0];
	s2 =	stileid.u32  }
0xd7: {  	s1 =	rddreg [dreg:$0x1];
	p0 =	sne.s32 s2, $0x0  }
0xd8: {  	s3 =	rddreg [dreg:$0x2];
	[bflag:$0x3] =	sbarrier.arrive $0xFFFF;
	s2 =	simm.s32 @!p0 $0x1C05  }
0xd9: {  	[timem:s3], [sflag:s2] =	dma.local @!p0 [hbm:s0], s1  }
0xda: {  	s0 =	simm.s32 @!p0 $0x5  }
0xdb: {  	_ =	swait.ge @!p0 [sflag:s0], s1  }
0xdc: {  	s1 =	ssub.s32 @!p0 $0x0, s1;
	[sflag:s0] =	ssyncset.done @!p0 $0x0  }
0xdd: {  	[sflag:s0] =	ssyncadd.s32 @!p0 s1  }
0xde: {  	[bflag:$0x3] =	sbarrier.arrive $0xFFFF  }
0xdf: {  	_ =	shalt  }

// kernel: kernel.8.cloned.1.call-start
scs
__scs_entry_jumppad:
0x0: {  	(pc) =	sbr.rel $0x88, $3  }
0x1: {  	(tag) =	ssettag $0x0;
	lr =	simm.s32 $0x1  }
0x2: {  	[smem:$0x3F7D] =	sst lr;
	_ =	strace $0xD0000000  }
0x3: {  	_ = 	snop  }
0x4: {  	_ = 	snop  }
0x5: {  	_ = 	snop  }
0x6: {  	_ = 	snop  }
0x7: {  	_ = 	snop  }
__scs_overlays_trampoline_lowered:
0x8: {  	[smem:$0x3F8C] =	sst s0  }
0x9: {  	[smem:$0x3F8D] =	sst s1  }
0xa: {  	[smem:$0x3F8E] =	sst s2  }
0xb: {  	[smem:$0x3F8F] =	sst s3  }
0xc: {  	[smem:$0x3F90] =	sst s4  }
0xd: {  	[smem:$0x3F91] =	sst s5  }
0xe: {  	[smem:$0x3F92] =	sst s6  }
0xf: {  	[smem:$0x3F93] =	sst s7  }
0x10: {  	[smem:$0x3F94] =	sst s8  }
0x11: {  	[smem:$0x3F95] =	sst s9;
	s0 =	simm.s32 @!p0 $0x0  }
0x12: {  	s1 =	sld [smem:$0x3F7B];
	s0 =	simm.s32 @p0 $0x1  }
0x13: {  	[smem:$0x3F96] =	sst s0;
	s0 =	simm.s32 @!p1 $0x0  }
0x14: {  	s2 =	sld [smem:$0x3F7A];
	s0 =	simm.s32 @p1 $0x1  }
0x15: {  	[smem:$0x3F97] =	sst s0;
	s0 =	simm.s32 @!p2 $0x0  }
0x16: {  	s3 =	sld [smem:$0x3FDB];
	s0 =	simm.s32 @p2 $0x1  }
0x17: {  	s4 =	simm.s32 $0x1BF5;
	[smem:$0x3F99] =	sst s0  }
0x18: {  	s0 =	sld [smem:$0x3F7C];
	_ =	swait.ge [sflag:s4], $0x0  }
0x19: {  	s7 =	sld [smem:$0x3F7D]  }
0x1a: {  	s8 =	sadd.s32 $0xFFFFE003, lr  }
0x1b: {  	s9 =	sadd.s32 $0xFFFFFEF7, lr;
	s5 =	simm.s32 $0xFFFFFFFF;
	p2 =	slt.u32 s8, $0xFFFFF086  }
0x1c: {  	p1 =	slt.u32 s9, $0xF7A;
	s5 =	simm.s32 @!p2 $0x0  }
0x1d: {  	s5 =	simm.s32 @p1 $0x1;
	p0 =	seq.s32 s7, s2  }
0x1e: {  	s7 =	smul.u32 @!p0 $0xF7A, s2;
	p2 =	seq.s32 @!p0 s5, $0x0  }
0x1f: {  	s9 =	smul.u32 $0xF7A, s1;
	s8 =	simm.s32 @!p0 $0x1BF5;
	p2 =	por !p2, p0  }
0x20: {  	[sflag:s8] =	ssyncset.s32 @!p0 $0xFFFFF086;
	s6 =	sadd.s32 @!p0 s3, s7;
	s7 =	simm.s32 @!p0 $0x108  }
0x21: {  	s3 =	sadd.s32 s3, s9;
	s6 =	sadd.s32 @!p0 $0x88, s6;
	s7 =	simm.s32 @p2 $0x1082  }
0x22: {  	[simem:s7], [sflag:s8] =	dma.local @!p0 [hbm:s6], $0xF7A  }
0x23: {  	s9 =	sor.u32 $0xD0000000, s2;
	s6 =	simm.s32 $0x108;
	_ =	swait.ge @!p0 [sflag:s8], $0x0  }
0x24: {  	s3 =	sadd.s32 $0x88, s3;
	s6 =	simm.s32 @!p1 $0x1082;
	[sflag:s4] =	ssyncset.s32 $0xFFFFF086  }
0x25: {  	[simem:s6], [sflag:s4] =	dma.local [hbm:s3], $0xF7A  }
0x26: {  	[smem:$0x3F7D] =	sst s1;
	(tag) =	ssettag s2;
	_ =	strace s9  }
0x27: {  	s1 =	sld [smem:$0x3F8D]  }
0x28: {  	s2 =	sld [smem:$0x3F8E]  }
0x29: {  	s4 =	sld [smem:$0x3F90]  }
0x2a: {  	p0 =	seq.s32 s5, $0x0;
	s5 =	sld [smem:$0x3F91]  }
0x2b: {  	s6 =	sld [smem:$0x3F92]  }
0x2c: {  	s7 =	sld [smem:$0x3F93]  }
0x2d: {  	s3 =	simm.s32 $0x108;
	s8 =	sld [smem:$0x3F94]  }
0x2e: {  	s3 =	simm.s32 @!p0 $0x1082;
	s9 =	sld [smem:$0x3F95]  }
0x2f: {  	lr =	sadd.s32 s0, s3;
	s0 =	sld [smem:$0x3F8C]  }
0x30: {  	s3 =	sld [smem:$0x3F8F]  }
0x31: {  	[smem:$0x3F98] =	sst s10  }
0x32: {  	s10 =	sld [smem:$0x3F96];
	_ =	sdelay $0x3  }
0x33: {  	p0 =	seq.s32 s10, $0x1;
	s10 =	sld [smem:$0x3F98];
	_ =	sdelay $0x3  }
0x34: {  	[smem:$0x3F98] =	sst s10  }
0x35: {  	s10 =	sld [smem:$0x3F97];
	_ =	sdelay $0x3  }
0x36: {  	p1 =	seq.s32 s10, $0x1;
	s10 =	sld [smem:$0x3F98];
	_ =	sdelay $0x3  }
0x37: {  	[smem:$0x3F98] =	sst s10  }
0x38: {  	s10 =	sld [smem:$0x3F99]  }
0x39: {  	_ = 	snop;
	(pc) =	sbr.ind lr, $3  }
0x3a: {  	_ = 	snop  }
0x3b: {  	_ = 	snop  }
0x3c: {  	p2 =	seq.s32 s10, $0x1;
	s10 =	sld [smem:$0x3F98]  }
0x3d: {  	_ =	shalt  }
0x3e: {  	_ =	shalt  }
0x3f: {  	_ =	shalt  }
0x40: {  	_ =	shalt  }
0x41: {  	_ =	shalt  }
0x42: {  	_ =	shalt  }
0x43: {  	_ =	shalt  }
0x44: {  	_ =	shalt  }
0x45: {  	_ =	shalt  }
0x46: {  	_ =	shalt  }
0x47: {  	_ =	shalt  }
0x48: {  	_ =	shalt  }
0x49: {  	_ =	shalt  }
0x4a: {  	_ =	shalt  }
0x4b: {  	_ =	shalt  }
0x4c: {  	_ =	shalt  }
0x4d: {  	_ =	shalt  }
0x4e: {  	_ =	shalt  }
0x4f: {  	_ =	shalt  }
0x50: {  	_ =	shalt  }
0x51: {  	_ =	shalt  }
0x52: {  	_ =	shalt  }
0x53: {  	_ =	shalt  }
0x54: {  	_ =	shalt  }
0x55: {  	_ =	shalt  }
0x56: {  	_ =	shalt  }
0x57: {  	_ =	shalt  }
0x58: {  	_ =	shalt  }
0x59: {  	_ =	shalt  }
0x5a: {  	_ =	shalt  }
0x5b: {  	_ =	shalt  }
0x5c: {  	_ =	shalt  }
0x5d: {  	_ =	shalt  }
0x5e: {  	_ =	shalt  }
0x5f: {  	_ =	shalt  }
0x60: {  	_ =	shalt  }
0x61: {  	_ =	shalt  }
0x62: {  	_ =	shalt  }
0x63: {  	_ =	shalt  }
0x64: {  	_ =	shalt  }
0x65: {  	_ =	shalt  }
0x66: {  	_ =	shalt  }
0x67: {  	_ =	shalt  }
0x68: {  	_ =	shalt  }
0x69: {  	_ =	shalt  }
0x6a: {  	_ =	shalt  }
0x6b: {  	_ =	shalt  }
0x6c: {  	_ =	shalt  }
0x6d: {  	_ =	shalt  }
0x6e: {  	_ =	shalt  }
0x6f: {  	_ =	shalt  }
0x70: {  	_ =	shalt  }
0x71: {  	_ =	shalt  }
0x72: {  	_ =	shalt  }
0x73: {  	_ =	shalt  }
0x74: {  	_ =	shalt  }
0x75: {  	_ =	shalt  }
0x76: {  	_ =	shalt  }
0x77: {  	_ =	shalt  }
0x78: {  	_ =	shalt  }
0x79: {  	_ =	shalt  }
0x7a: {  	_ =	shalt  }
0x7b: {  	_ =	shalt  }
0x7c: {  	_ =	shalt  }
0x7d: {  	_ =	shalt  }
0x7e: {  	_ =	shalt  }
0x7f: {  	_ =	shalt  }
0x80: {  	_ =	shalt  }
0x81: {  	_ =	shalt  }
0x82: {  	_ =	shalt  }
0x83: {  	_ =	shalt  }
0x84: {  	_ =	shalt  }
0x85: {  	_ =	shalt  }
0x86: {  	_ =	shalt  }
0x87: {  	_ =	shalt  }
.Lfunc_end0:
.L_simem_size_0:
called_computation_lowered:
.L_overlay_start_0:
0x88: {  	s2 =	sld [smem:$0x3FD9]  }
0x89: {  	s3 =	sld [smem:$0x3FFE];
	_ =	sdelay $0x1  }
0x8a: {  	s1 =	srdreg.scid  }
0x8b: {  	s0 =	sand.u32 $0x1, s1  }
0x8c: {  	s17 =	sshll.u32 s0, $0xA;
	s2 =	sadd.s32 s3, s2  }
0x8d: {  	s2 =	sadd.s32 s2, s17  }
0x8e: {  	[smem:$0x3FA4] =	sst s2  }
0x8f: {  	_ = 	snop  }
0x90: {  	s2 =	sld [smem:$0x3FC9];
	(tm) =	ssettm $0x1  }
0x91: {  	s18 =	sld [smem:$0x3FFB];
	_ =	sdelay $0x3  }
0x92: {  	_ =	strace s18  }
0x93: {  	s3 =	sld [smem:$0x3FFC];
	_ =	sdelay $0x3  }
0x94: {  	_ =	strace s3  }
0x95: {  	s3 =	sld [smem:$0x3FFD];
	_ =	sdelay $0x3  }
0x96: {  	_ =	strace s3  }
0x97: {  	_ =	strace $0x8FFFFFFF  }
0x98: {  	s19 =	sld [smem:$0x3FDB];
	_ =	sdelay $0x1  }
0x99: {  	s4 =	simm.s32 $_scs_section_size  }
0x9a: {  	s5 =	simm.s32 $_size__tile_overlayer_lowered;
	s6 =	simm.s32 $_tile_overlayer_lowered  }
0x9b: {  	s22 =	simm.s32 $0x1BFF;
	s21 =	sshll.u32 s6, $0x1;
	s3 =	sadd.s32 s4, s19  }
0x9c: {  	s7 =	simm.s32 $0x0;
	s20 =	sshll.u32 s5, $0x1;
	s5 =	sadd.s32 s21, s3  }
0x9d: {  	[timem:s7], [sflag:s22] =	dma.local [hbm:s5], s20  }
0x9e: {  	_ =	swait.ge [sflag:s22], s20  }
0x9f: {  	s4 =	ssub.s32 $0x0, s20;
	[sflag:s22] =	ssyncset.done $0x0  }
0xa0: {  	[sflag:s22] =	ssyncadd.s32 s4;
	_ =	sdelay $0x1  }
0xa1: {  	s23 =	simm.s32 $0x1B8B  }
0xa2: {  	_ =	swait.ge [sflag:s23], $0x1  }
0xa3: {  	[sflag:s23] =	ssyncset.done $0x0  }
0xa4: {  	s25 =	simm.s32 $0x1B8E;
	s24 =	sld [smem:$0x3FFE];
	[sflag:s23] =	ssyncadd.s32 $0xFFFFFFFF  }
0xa5: {  	s26 =	simm.s32 $execute0_lowered;
	[smem:$0x3FD2] =	sst s25  }
0xa6: {  	s5 =	sshll.u32 s26, $0x1;
	_ =	strace $0x80000046;
	[dreg:$0x1] =	wrdreg $0xFFFFFFFF  }
0xa7: {  	s28 =	simm.s32 $_size_execute0_lowered;
	s3 =	sadd.s32 s3, s5;
	[dreg:$0x0] =	wrdreg $0x0  }
0xa8: {  	s5 =	sshll.u32 s28, $0x1;
	[dreg:$0x2] =	wrdreg s3  }
0xa9: {  	[dreg:$0x3] =	wrdreg s5  }
0xaa: {  	[dreg:$0x4] =	wrdreg $0xC0  }
0xab: {  	_ =	task [dreg:s7], $0x5FFFF  }
0xac: {  	[dreg:$0x1] =	wrdreg $0xFFFFFFFF  }
0xad: {  	[dreg:$0x0] =	wrdreg $0x60  }
0xae: {  	[dreg:$0x2] =	wrdreg s2  }
0xaf: {  	[dreg:$0x3] =	wrdreg s24  }
0xb0: {  	[dreg:$0x4] =	wrdreg $0xA8000  }
0xb1: {  	[dreg:$0x5] =	wrdreg $0x9  }
0xb2: {  	_ =	task.clear_ibuf [dreg:s7], $0x6FFFF;
	_ =	strace $0x90000046  }
0xb3: {  	s29 =	simm.s32 $0x9;
	_ =	strace $0x80000048  }
0xb4: {  	_ =	swait.ge [sflag:s29], $0x1  }
0xb5: {  	[sflag:s29] =	ssyncadd.s32 $0xFFFFFFFF  }
0xb6: {  	_ =	strace $0x90000048  }
0xb7: {  	_ =	sfence  }
0xb8: {  	s30 =	sld [smem:$0x0];
	_ =	sdelay $0x2  }
0xb9: {  	s31 =	sshll.u32 s1, $0xD;
	s1 =	sshrl.u32 s1, $0x2  }
0xba: {  	s3 =	sand.u32 $0x4000, s31;
	s1 =	sadd.s32 s1, s30  }
0xbb: {  	s0 =	sor.u32 s3, s0;
	s1 =	sshll.u32 s1, $0x11  }
0xbc: {  	s0 =	sor.u32 s1, s0  }
0xbd: {  	s0 =	sadd.s32 $0x8F2B, s0  }
0xbe: {  	[sflag:s0] =	ssyncadd.remote.s32 $0x1  }
0xbf: {  	_ =	sfence.sel $0xFFFF  }
0xc0: {  	[dreg:$0x0] =	wrdreg $0xFFFFFFFF;
	(pc) =	sbr.abs _section_cstart, $3  }
0xc1: {  	[dreg:$0x1] =	wrdreg $0xFFFFFFFF  }
0xc2: {  	_ =	task.clear_ibuf [dreg:s7], $0x2FFFF;
	_ =	strace $0x9FFFFFFF  }
0xc3: {  	(tm) =	ssettm $0x7FFFFFFF  }
tec
execute0_lowered:
.L_overlay_start_1:
0x0: {  	(tag) =	ssettag $0x1  }
0x1: {  	s1 =	rddreg [dreg:$0x0]  }
0x2: {  	s0 =	rddreg [dreg:$0x1]  }
0x3: {  	s3 =	rddreg [dreg:$0x2]  }
0x4: {  	s4 =	simm.s32 $0x0;
	s14 =	stileid.u32;
	s8 =	srdreg.scid  }
0x5: {  	s17 =	simm.s32 $0x5;
	s18 =	simm.s32 $0x40;
	s19 =	simm.s32 $0x2800  }
0x6: {  	s28 =	simm.s32 $0x0;
	[smem:$0x7FF] =	sst s4;
	s2 =	smul.u32 $0x2780, s14  }
0x7: {  	s5 =	sadd.s32 $0x6600, s0;
	s7 =	sadd.s32 $0x1A600, s0;
	s8 =	sand.u32 $0x1, s8  }
0x8: {  	s9 =	sshll.u32 s14, $0x1;
	s10 =	smul.u32 $0x4F000, s14;
	s21 =	sshll.u32 s14, $0x6  }
0x9: {  	s11 =	smul.u32 $0x27800, s8;
	s12 =	ssub.s32 $0x2, s8;
	s8 =	sor.u32 s8, s9  }
0xa: {  	_ =	strace $0x80000047;
	s6 =	sadd.s32 s2, s0;
	s13 =	smul.u32 $0x5000, s8  }
0xb: {  	s20 =	sshrl.u32 s12, $0x1;
	s10 =	sshrl.u32 s10, $0x2;
	s8 =	smul.u32 $0xA00, s8  }
0xc: {  	s0 =	sadd.s32 s11, s0;
	s9 =	ssub.s32 s12, s20;
	s10 =	sadd.s32 s10, s3  }
0xd: {  	s6 =	sadd.s32 $0x2E600, s6;
	s20 =	simm.s32 $0x80;
	s22 =	sshrl.u32 s13, $0x3  }
0xe: {  	[dreg:$0x4] =	wrdreg s6;
	s6 =	sor.u32 $0x1C05, s21;
	s24 =	sadd.s32 s5, s8  }
0xf: {  	s8 =	sadd.s32 s7, s8;
	s0 =	sadd.s32 $0x55E00, s0;
	s15 =	smax.u32 s9, $0x1  }
0x10: {  	s16 =	sshrl.u32 s10, $0x3;
	s21 =	simm.s32 $0x4800;
	[dreg:$0x5] =	wrdreg s24  }
0x11: {  	s23 =	sadd.s32 $0x280, s22;
	[dreg:$0x6] =	wrdreg s8;
	s29 =	sadd.s32 $0x500, s22  }
0x12: {  	s30 =	sadd.s32 $0x780, s22;
	s22 =	simm.s32 $0x100;
	s24 =	sadd.s32 s2, s0  }
0x13: {  	s25 =	sadd.s32 s5, s23;
	s26 =	sadd.s32 s7, s23;
	s31 =	sadd.s32 s5, s29  }
0x14: {  	s12 =	sadd.s32 s7, s29;
	s13 =	sadd.s32 s5, s30;
	[dreg:$0x7] =	wrdreg s25  }
0x15: {  	s14 =	sadd.s32 s7, s30;
	s23 =	simm.s32 $0x6800;
	[dreg:$0x8] =	wrdreg s26  }
0x16: {  	[dreg:$0x9] =	wrdreg s31;
	s25 =	simm.s32 $0x180;
	s26 =	simm.s32 $0x8800  }
.LBB2_1:
0x17: {  	s0 =	rddreg [dreg:$0x4]  }
0x18: {  	[spmem:s16], [sflag:s6] =	dma.local [hbm:s0], $0x2780  }
0x19: {  	_ =	swait.ge [sflag:s17], $0x2780  }
0x1a: {  	[sflag:s17] =	ssyncset.done $0x0  }
0x1b: {  	[sflag:s17] =	ssyncadd.s32 $0xFFFFD880  }
0x1c: {  	[bflag:$0x0] =	sbarrier.arrive $0xFFFF  }
0x1d: {  	s9 =	rddreg [dreg:$0x5]  }
0x1e: {  	[tilespmem:s4], [sflag:$0x5] =	stream.linear.gather [hbm4b:s9+s4], $0x1400, $0x38;
	[tilespmem:$0x1E400] =	vst v63  }
0x1f: {  	_ =	swait.ge [sflag:s17], $0x1400  }
0x20: {  	[sflag:s17] =	ssyncset.done $0x0  }
0x21: {  	s10 =	simm.s32 $0x1400;
	s2 =	rddreg [dreg:$0x6];
	[sflag:s17] =	ssyncadd.s32 $0xFFFFEC00  }
0x22: {  	[tilespmem:s10], [sflag:$0x5] =	stream.linear.gather [hbm4b:s2+s4], $0x1400, $0x38;
	[tilespmem:$0x1E400] =	vst v63  }
0x23: {  	_ =	swait.ge [sflag:s17], $0x1400  }
0x24: {  	[sflag:s17] =	ssyncset.done $0x0  }
0x25: {  	[sflag:s17] =	ssyncadd.s32 $0xFFFFEC00  }
0x26: {  	[tilespmem:s19], [sflag:$0x1] =	stream.indirect.gather [hbm4b:s1+s18], $0x80, s4, s18, $0xb8;
	[tilespmem:$0x1E400] =	vst v63  }
0x27: {  	_ = 	snop  }
0x28: {  	[tilespmem:s21], [sflag:$0x2] =	stream.indirect.gather [hbm4b:s1+s18], $0x80, s20, s18, $0xb8;
	[tilespmem:$0x1E400] =	vst v63  }
0x29: {  	s11 =	sand.u32 $0x3, s4  }
0x2a: {  	[tilespmem:s23], [sflag:$0x3] =	stream.indirect.gather [hbm4b:s1+s18], $0x80, s22, s18, $0xb8;
	[tilespmem:$0x1E400] =	vst v63  }
0x2b: {  	s31 =	sadd.s32 $0x1, s11  }
0x2c: {  	[tilespmem:s26], [sflag:$0x4] =	stream.indirect.gather [hbm4b:s1+s18], $0x80, s25, s18, $0xb8;
	[tilespmem:$0x1E400] =	vst v63  }
0x2d: {  	s30 =	simm.s32 $0x200;
	_ =	swait.ge [sflag:s31], $0x2000  }
0x2e: {  	s29 =	simm.s32 $0x1;
	s5 =	sshll.u32 s11, $0xD;
	[sflag:s31] =	ssyncset.done $0x0  }
0x2f: {  	s7 =	simm.s32 $0x2;
	s9 =	sadd.s32 $0x2800, s5;
	[sflag:s31] =	ssyncadd.s32 $0xFFFFE000  }
0x30: {  	[spmem:s3] =	stream.indirect.scatter.add.f32 [tilespmem:s9], [sflag:$0x5], $0x80, s10, s18, $0xb8;
	[tilespmem:$0x1E400] =	vst v63  }
0x31: {  	p1 =	por $0x0, $0x0;
	s0 =	simm.s32 $0x280;
	_ =	swait.ge [sflag:s17], $0x2000  }
0x32: {  	s5 =	simm.s32 $0x1480;
	s2 =	sand.u32 $0x3, s29;
	[sflag:s17] =	ssyncset.done $0x0  }
0x33: {  	s8 =	sshll.u32 s2, $0xD;
	s10 =	simm.s32 @!p1 $0x40;
	[sflag:s17] =	ssyncadd.s32 $0xFFFFE000  }
.LBB2_2:
0x34: {  	[tilespmem:s9], [sflag:s31] =	stream.indirect.gather @!p1 [hbm4b:s1+s10], $0x80, s30, s10, $0xb8;
	[tilespmem:$0x1E400] =	vst v63  }
0x35: {  	s10 =	smov.u32 s29;
	s29 =	smov.u32 s7;
	s30 =	smov.u32 s0  }
0x36: {  	s7 =	sadd.s32 $0x1, s7;
	s31 =	sadd.s32 $0x1, s2;
	s2 =	sand.u32 $0x3, s29  }
0x37: {  	p0 =	sne.s32 s7, $0x28;
	s11 =	sshll.u32 s2, $0xD;
	_ =	swait.ge [sflag:s31], $0x2000  }
0x38: {  	[sflag:s31] =	ssyncset.done $0x0  }
.Ltmp0:
0x39: {  	s9 =	sadd.s32 $0x2800, s8;
	[sflag:s31] =	ssyncadd.s32 $0xFFFFE000;
	(pc) =	sbr.rel @p0 .LBB2_2-.Ltmp0, $4  }
0x3a: {  	[spmem:s3] =	stream.indirect.scatter.add.f32 [tilespmem:s9], [sflag:$0x5], $0x80, s5, s18, $0xb8;
	[tilespmem:$0x1E400] =	vst v63  }
0x3b: {  	s8 =	smov.u32 s11;
	_ =	swait.ge [sflag:s17], $0x2000  }
0x3c: {  	p1 =	sgt.u32 s10, $0x23;
	s5 =	sadd.s32 $0x80, s5;
	[sflag:s17] =	ssyncset.done $0x0  }
0x3d: {  	s0 =	sadd.s32 $0x80, s0;
	s10 =	simm.s32 @!p1 $0x40;
	[sflag:s17] =	ssyncadd.s32 $0xFFFFE000  }
0x3e: {  	[tilespmem:s9], [sflag:s31] =	stream.indirect.gather @!p1 [hbm4b:s1+s10], $0x80, s30, s10, $0xb8;
	[tilespmem:$0x1E400] =	vst v63  }
0x3f: {  	s2 =	sadd.s32 $0x1, s2  }
0x40: {  	_ =	swait.ge [sflag:s2], $0x2000  }
0x41: {  	[sflag:s2] =	ssyncset.done $0x0  }
0x42: {  	s7 =	sadd.s32 $0x2800, s8;
	[sflag:s2] =	ssyncadd.s32 $0xFFFFE000  }
0x43: {  	[spmem:s3] =	stream.indirect.scatter.add.f32 [tilespmem:s7], [sflag:$0x5], $0x80, s5, s18, $0xb8;
	[tilespmem:$0x1E400] =	vst v63  }
0x44: {  	_ =	swait.ge [sflag:s17], $0x2000  }
0x45: {  	p0 =	sgt.u32 s29, $0x23;
	[sflag:s17] =	ssyncset.done $0x0  }
0x46: {  	s5 =	simm.s32 @!p0 $0x40;
	[sflag:s17] =	ssyncadd.s32 $0xFFFFE000  }
0x47: {  	[tilespmem:s7], [sflag:s2] =	stream.indirect.gather @!p0 [hbm4b:s1+s5], $0x80, s0, s5, $0xb8;
	[tilespmem:$0x1E400] =	vst v63  }
0x48: {  	s11 =	simm.s32 $0x0;
	s7 =	rddreg [dreg:$0x7]  }
0x49: {  	[tilespmem:s11], [sflag:$0x5] =	stream.linear.gather [hbm4b:s7+s11], $0x1400, $0x38;
	[tilespmem:$0x1E400] =	vst v63  }
0x4a: {  	_ =	swait.ge [sflag:s17], $0x1400  }
0x4b: {  	[sflag:s17] =	ssyncset.done $0x0  }
0x4c: {  	s8 =	simm.s32 $0x1400;
	s10 =	rddreg [dreg:$0x8];
	[sflag:s17] =	ssyncadd.s32 $0xFFFFEC00  }
0x4d: {  	[tilespmem:s8], [sflag:$0x5] =	stream.linear.gather [hbm4b:s10+s11], $0x1400, $0x38;
	[tilespmem:$0x1E400] =	vst v63  }
0x4e: {  	_ =	swait.ge [sflag:s17], $0x1400  }
0x4f: {  	[sflag:s17] =	ssyncset.done $0x0  }
0x50: {  	[sflag:s17] =	ssyncadd.s32 $0xFFFFEC00  }
0x51: {  	[tilespmem:s19], [sflag:$0x1] =	stream.indirect.gather [hbm4b:s1+s18], $0x80, s11, s18, $0xb8;
	[tilespmem:$0x1E400] =	vst v63  }
0x52: {  	_ = 	snop  }
0x53: {  	[tilespmem:s21], [sflag:$0x2] =	stream.indirect.gather [hbm4b:s1+s18], $0x80, s20, s18, $0xb8;
	[tilespmem:$0x1E400] =	vst v63  }
0x54: {  	s11 =	sand.u32 $0x3, s11  }
0x55: {  	[tilespmem:s23], [sflag:$0x3] =	stream.indirect.gather [hbm4b:s1+s18], $0x80, s22, s18, $0xb8;
	[tilespmem:$0x1E400] =	vst v63  }
0x56: {  	s0 =	sadd.s32 $0x1, s11  }
0x57: {  	[tilespmem:s26], [sflag:$0x4] =	stream.indirect.gather [hbm4b:s1+s18], $0x80, s25, s18, $0xb8;
	[tilespmem:$0x1E400] =	vst v63  }
0x58: {  	s30 =	simm.s32 $0x200;
	_ =	swait.ge [sflag:s0], $0x2000  }
0x59: {  	s29 =	simm.s32 $0x1;
	s5 =	sshll.u32 s11, $0xD;
	[sflag:s0] =	ssyncset.done $0x0  }
0x5a: {  	p1 =	por $0x0, $0x0;
	s9 =	sadd.s32 $0x2800, s5;
	[sflag:s0] =	ssyncadd.s32 $0xFFFFE000  }
0x5b: {  	[spmem:s3] =	stream.indirect.scatter.add.f32 [tilespmem:s9], [sflag:$0x5], $0x80, s8, s18, $0xb8;
	[tilespmem:$0x1E400] =	vst v63  }
0x5c: {  	s31 =	sand.u32 $0x3, s29;
	s2 =	simm.s32 $0x280;
	_ =	swait.ge [sflag:s17], $0x2000  }
0x5d: {  	s7 =	simm.s32 $0x2;
	s10 =	simm.s32 @!p1 $0x40;
	[sflag:s17] =	ssyncset.done $0x0  }
0x5e: {  	s5 =	simm.s32 $0x1480;
	s8 =	sshll.u32 s31, $0xD;
	[sflag:s17] =	ssyncadd.s32 $0xFFFFE000  }
.LBB2_4:
0x5f: {  	[tilespmem:s9], [sflag:s0] =	stream.indirect.gather @!p1 [hbm4b:s1+s10], $0x80, s30, s10, $0xb8;
	[tilespmem:$0x1E400] =	vst v63  }
0x60: {  	s10 =	smov.u32 s29;
	s29 =	smov.u32 s7;
	s30 =	smov.u32 s2  }
0x61: {  	s7 =	sadd.s32 $0x1, s7;
	s0 =	sadd.s32 $0x1, s31;
	s31 =	sand.u32 $0x3, s29  }
0x62: {  	p0 =	sne.s32 s7, $0x28;
	s11 =	sshll.u32 s31, $0xD;
	_ =	swait.ge [sflag:s0], $0x2000  }
0x63: {  	[sflag:s0] =	ssyncset.done $0x0  }
.Ltmp1:
0x64: {  	s9 =	sadd.s32 $0x2800, s8;
	[sflag:s0] =	ssyncadd.s32 $0xFFFFE000;
	(pc) =	sbr.rel @p0 .LBB2_4-.Ltmp1, $4  }
0x65: {  	[spmem:s3] =	stream.indirect.scatter.add.f32 [tilespmem:s9], [sflag:$0x5], $0x80, s5, s18, $0xb8;
	[tilespmem:$0x1E400] =	vst v63  }
0x66: {  	s8 =	smov.u32 s11;
	_ =	swait.ge [sflag:s17], $0x2000  }
0x67: {  	p1 =	sgt.u32 s10, $0x23;
	s5 =	sadd.s32 $0x80, s5;
	[sflag:s17] =	ssyncset.done $0x0  }
0x68: {  	s2 =	sadd.s32 $0x80, s2;
	s10 =	simm.s32 @!p1 $0x40;
	[sflag:s17] =	ssyncadd.s32 $0xFFFFE000  }
0x69: {  	[tilespmem:s9], [sflag:s0] =	stream.indirect.gather @!p1 [hbm4b:s1+s10], $0x80, s30, s10, $0xb8;
	[tilespmem:$0x1E400] =	vst v63  }
0x6a: {  	s0 =	sadd.s32 $0x1, s31  }
0x6b: {  	_ =	swait.ge [sflag:s0], $0x2000  }
0x6c: {  	[sflag:s0] =	ssyncset.done $0x0  }
0x6d: {  	s7 =	sadd.s32 $0x2800, s8;
	[sflag:s0] =	ssyncadd.s32 $0xFFFFE000  }
0x6e: {  	[spmem:s3] =	stream.indirect.scatter.add.f32 [tilespmem:s7], [sflag:$0x5], $0x80, s5, s18, $0xb8;
	[tilespmem:$0x1E400] =	vst v63  }
0x6f: {  	_ =	swait.ge [sflag:s17], $0x2000  }
0x70: {  	p0 =	sgt.u32 s29, $0x23;
	[sflag:s17] =	ssyncset.done $0x0  }
0x71: {  	s5 =	simm.s32 @!p0 $0x40;
	[sflag:s17] =	ssyncadd.s32 $0xFFFFE000  }
0x72: {  	[tilespmem:s7], [sflag:s0] =	stream.indirect.gather @!p0 [hbm4b:s1+s5], $0x80, s2, s5, $0xb8;
	[tilespmem:$0x1E400] =	vst v63  }
0x73: {  	s8 =	simm.s32 $0x0;
	s9 =	rddreg [dreg:$0x9]  }
0x74: {  	[tilespmem:s8], [sflag:$0x5] =	stream.linear.gather [hbm4b:s9+s8], $0x1400, $0x38;
	[tilespmem:$0x1E400] =	vst v63  }
0x75: {  	_ =	swait.ge [sflag:s17], $0x1400  }
0x76: {  	[sflag:s17] =	ssyncset.done $0x0  }
0x77: {  	s10 =	simm.s32 $0x1400;
	[sflag:s17] =	ssyncadd.s32 $0xFFFFEC00  }
0x78: {  	[tilespmem:s10], [sflag:$0x5] =	stream.linear.gather [hbm4b:s12+s8], $0x1400, $0x38;
	[tilespmem:$0x1E400] =	vst v63  }
0x79: {  	_ =	swait.ge [sflag:s17], $0x1400  }
0x7a: {  	[sflag:s17] =	ssyncset.done $0x0  }
0x7b: {  	[sflag:s17] =	ssyncadd.s32 $0xFFFFEC00  }
0x7c: {  	[tilespmem:s19], [sflag:$0x1] =	stream.indirect.gather [hbm4b:s1+s18], $0x80, s8, s18, $0xb8;
	[tilespmem:$0x1E400] =	vst v63  }
0x7d: {  	_ = 	snop  }
0x7e: {  	[tilespmem:s21], [sflag:$0x2] =	stream.indirect.gather [hbm4b:s1+s18], $0x80, s20, s18, $0xb8;
	[tilespmem:$0x1E400] =	vst v63  }
0x7f: {  	s11 =	sand.u32 $0x3, s8  }
0x80: {  	[tilespmem:s23], [sflag:$0x3] =	stream.indirect.gather [hbm4b:s1+s18], $0x80, s22, s18, $0xb8;
	[tilespmem:$0x1E400] =	vst v63  }
0x81: {  	s0 =	sadd.s32 $0x1, s11  }
0x82: {  	[tilespmem:s26], [sflag:$0x4] =	stream.indirect.gather [hbm4b:s1+s18], $0x80, s25, s18, $0xb8;
	[tilespmem:$0x1E400] =	vst v63  }
0x83: {  	s30 =	simm.s32 $0x200;
	_ =	swait.ge [sflag:s0], $0x2000  }
0x84: {  	s29 =	simm.s32 $0x1;
	s5 =	sshll.u32 s11, $0xD;
	[sflag:s0] =	ssyncset.done $0x0  }
0x85: {  	p1 =	por $0x0, $0x0;
	s9 =	sadd.s32 $0x2800, s5;
	[sflag:s0] =	ssyncadd.s32 $0xFFFFE000  }
0x86: {  	[spmem:s3] =	stream.indirect.scatter.add.f32 [tilespmem:s9], [sflag:$0x5], $0x80, s10, s18, $0xb8;
	[tilespmem:$0x1E400] =	vst v63  }
0x87: {  	s31 =	sand.u32 $0x3, s29;
	s7 =	simm.s32 $0x2;
	_ =	swait.ge [sflag:s17], $0x2000  }
0x88: {  	s2 =	simm.s32 $0x280;
	s5 =	simm.s32 $0x1480;
	[sflag:s17] =	ssyncset.done $0x0  }
0x89: {  	s8 =	sshll.u32 s31, $0xD;
	s10 =	simm.s32 @!p1 $0x40;
	[sflag:s17] =	ssyncadd.s32 $0xFFFFE000  }
.LBB2_6:
0x8a: {  	[tilespmem:s9], [sflag:s0] =	stream.indirect.gather @!p1 [hbm4b:s1+s10], $0x80, s30, s10, $0xb8;
	[tilespmem:$0x1E400] =	vst v63  }
0x8b: {  	s10 =	smov.u32 s29;
	s29 =	smov.u32 s7;
	s30 =	smov.u32 s2  }
0x8c: {  	s7 =	sadd.s32 $0x1, s7;
	s0 =	sadd.s32 $0x1, s31;
	s31 =	sand.u32 $0x3, s29  }
0x8d: {  	p0 =	sne.s32 s7, $0x28;
	s11 =	sshll.u32 s31, $0xD;
	_ =	swait.ge [sflag:s0], $0x2000  }
0x8e: {  	[sflag:s0] =	ssyncset.done $0x0  }
.Ltmp2:
0x8f: {  	s9 =	sadd.s32 $0x2800, s8;
	[sflag:s0] =	ssyncadd.s32 $0xFFFFE000;
	(pc) =	sbr.rel @p0 .LBB2_6-.Ltmp2, $4  }
0x90: {  	[spmem:s3] =	stream.indirect.scatter.add.f32 [tilespmem:s9], [sflag:$0x5], $0x80, s5, s18, $0xb8;
	[tilespmem:$0x1E400] =	vst v63  }
0x91: {  	s8 =	smov.u32 s11;
	_ =	swait.ge [sflag:s17], $0x2000  }
0x92: {  	p1 =	sgt.u32 s10, $0x23;
	s5 =	sadd.s32 $0x80, s5;
	[sflag:s17] =	ssyncset.done $0x0  }
0x93: {  	s2 =	sadd.s32 $0x80, s2;
	s10 =	simm.s32 @!p1 $0x40;
	[sflag:s17] =	ssyncadd.s32 $0xFFFFE000  }
0x94: {  	[tilespmem:s9], [sflag:s0] =	stream.indirect.gather @!p1 [hbm4b:s1+s10], $0x80, s30, s10, $0xb8;
	[tilespmem:$0x1E400] =	vst v63  }
0x95: {  	s0 =	sadd.s32 $0x1, s31  }
0x96: {  	_ =	swait.ge [sflag:s0], $0x2000  }
0x97: {  	[sflag:s0] =	ssyncset.done $0x0  }
0x98: {  	s7 =	sadd.s32 $0x2800, s8;
	[sflag:s0] =	ssyncadd.s32 $0xFFFFE000  }
0x99: {  	[spmem:s3] =	stream.indirect.scatter.add.f32 [tilespmem:s7], [sflag:$0x5], $0x80, s5, s18, $0xb8;
	[tilespmem:$0x1E400] =	vst v63  }
0x9a: {  	_ =	swait.ge [sflag:s17], $0x2000  }
0x9b: {  	p0 =	sgt.u32 s29, $0x23;
	[sflag:s17] =	ssyncset.done $0x0  }
0x9c: {  	s5 =	simm.s32 @!p0 $0x40;
	[sflag:s17] =	ssyncadd.s32 $0xFFFFE000  }
0x9d: {  	[tilespmem:s7], [sflag:s0] =	stream.indirect.gather @!p0 [hbm4b:s1+s5], $0x80, s2, s5, $0xb8;
	[tilespmem:$0x1E400] =	vst v63  }
0x9e: {  	s9 =	simm.s32 $0x0  }
0x9f: {  	[tilespmem:s9], [sflag:$0x5] =	stream.linear.gather [hbm4b:s13+s9], $0x1400, $0x38;
	[tilespmem:$0x1E400] =	vst v63  }
0xa0: {  	_ =	swait.ge [sflag:s17], $0x1400  }
0xa1: {  	[sflag:s17] =	ssyncset.done $0x0  }
0xa2: {  	s10 =	simm.s32 $0x1400;
	[sflag:s17] =	ssyncadd.s32 $0xFFFFEC00  }
0xa3: {  	[tilespmem:s10], [sflag:$0x5] =	stream.linear.gather [hbm4b:s14+s9], $0x1400, $0x38;
	[tilespmem:$0x1E400] =	vst v63  }
0xa4: {  	_ =	swait.ge [sflag:s17], $0x1400  }
0xa5: {  	[sflag:s17] =	ssyncset.done $0x0  }
0xa6: {  	[sflag:s17] =	ssyncadd.s32 $0xFFFFEC00  }
0xa7: {  	[tilespmem:s19], [sflag:$0x1] =	stream.indirect.gather [hbm4b:s1+s18], $0x80, s9, s18, $0xb8;
	[tilespmem:$0x1E400] =	vst v63  }
0xa8: {  	_ = 	snop  }
0xa9: {  	[tilespmem:s21], [sflag:$0x2] =	stream.indirect.gather [hbm4b:s1+s18], $0x80, s20, s18, $0xb8;
	[tilespmem:$0x1E400] =	vst v63  }
0xaa: {  	s11 =	sand.u32 $0x3, s9  }
0xab: {  	[tilespmem:s23], [sflag:$0x3] =	stream.indirect.gather [hbm4b:s1+s18], $0x80, s22, s18, $0xb8;
	[tilespmem:$0x1E400] =	vst v63  }
0xac: {  	s0 =	sadd.s32 $0x1, s11  }
0xad: {  	[tilespmem:s26], [sflag:$0x4] =	stream.indirect.gather [hbm4b:s1+s18], $0x80, s25, s18, $0xb8;
	[tilespmem:$0x1E400] =	vst v63  }
0xae: {  	s30 =	simm.s32 $0x200;
	_ =	swait.ge [sflag:s0], $0x2000  }
0xaf: {  	s29 =	simm.s32 $0x1;
	s5 =	sshll.u32 s11, $0xD;
	[sflag:s0] =	ssyncset.done $0x0  }
0xb0: {  	s31 =	sand.u32 $0x3, s29;
	s9 =	sadd.s32 $0x2800, s5;
	[sflag:s0] =	ssyncadd.s32 $0xFFFFE000  }
0xb1: {  	[spmem:s3] =	stream.indirect.scatter.add.f32 [tilespmem:s9], [sflag:$0x5], $0x80, s10, s18, $0xb8;
	[tilespmem:$0x1E400] =	vst v63  }
0xb2: {  	p1 =	por $0x0, $0x0;
	s8 =	sshll.u32 s31, $0xD;
	_ =	swait.ge [sflag:s17], $0x2000  }
0xb3: {  	s7 =	simm.s32 $0x2;
	s2 =	simm.s32 $0x280;
	[sflag:s17] =	ssyncset.done $0x0  }
0xb4: {  	s5 =	simm.s32 $0x1480;
	s10 =	simm.s32 @!p1 $0x40;
	[sflag:s17] =	ssyncadd.s32 $0xFFFFE000  }
.LBB2_8:
0xb5: {  	[tilespmem:s9], [sflag:s0] =	stream.indirect.gather @!p1 [hbm4b:s1+s10], $0x80, s30, s10, $0xb8;
	[tilespmem:$0x1E400] =	vst v63  }
0xb6: {  	s10 =	smov.u32 s29;
	s29 =	smov.u32 s7;
	s30 =	smov.u32 s2  }
0xb7: {  	s7 =	sadd.s32 $0x1, s7;
	s0 =	sadd.s32 $0x1, s31;
	s31 =	sand.u32 $0x3, s29  }
0xb8: {  	p0 =	sne.s32 s7, $0x28;
	s11 =	sshll.u32 s31, $0xD;
	_ =	swait.ge [sflag:s0], $0x2000  }
0xb9: {  	[sflag:s0] =	ssyncset.done $0x0  }
.Ltmp3:
0xba: {  	s9 =	sadd.s32 $0x2800, s8;
	[sflag:s0] =	ssyncadd.s32 $0xFFFFE000;
	(pc) =	sbr.rel @p0 .LBB2_8-.Ltmp3, $4  }
0xbb: {  	[spmem:s3] =	stream.indirect.scatter.add.f32 [tilespmem:s9], [sflag:$0x5], $0x80, s5, s18, $0xb8;
	[tilespmem:$0x1E400] =	vst v63  }
0xbc: {  	s8 =	smov.u32 s11;
	_ =	swait.ge [sflag:s17], $0x2000  }
0xbd: {  	p1 =	sgt.u32 s10, $0x23;
	s5 =	sadd.s32 $0x80, s5;
	[sflag:s17] =	ssyncset.done $0x0  }
0xbe: {  	s2 =	sadd.s32 $0x80, s2;
	s10 =	simm.s32 @!p1 $0x40;
	[sflag:s17] =	ssyncadd.s32 $0xFFFFE000  }
0xbf: {  	[tilespmem:s9], [sflag:s0] =	stream.indirect.gather @!p1 [hbm4b:s1+s10], $0x80, s30, s10, $0xb8;
	[tilespmem:$0x1E400] =	vst v63  }
0xc0: {  	s0 =	sadd.s32 $0x1, s31  }
0xc1: {  	_ =	swait.ge [sflag:s0], $0x2000  }
0xc2: {  	[sflag:s0] =	ssyncset.done $0x0  }
0xc3: {  	s7 =	sadd.s32 $0x2800, s8;
	[sflag:s0] =	ssyncadd.s32 $0xFFFFE000  }
0xc4: {  	[spmem:s3] =	stream.indirect.scatter.add.f32 [tilespmem:s7], [sflag:$0x5], $0x80, s5, s18, $0xb8;
	[tilespmem:$0x1E400] =	vst v63  }
0xc5: {  	_ =	swait.ge [sflag:s17], $0x2000  }
0xc6: {  	p0 =	sgt.u32 s29, $0x23;
	[sflag:s17] =	ssyncset.done $0x0  }
0xc7: {  	s28 =	sadd.s32 $0x1, s28;
	s5 =	simm.s32 @!p0 $0x40;
	[sflag:s17] =	ssyncadd.s32 $0xFFFFE000  }
0xc8: {  	[tilespmem:s7], [sflag:s0] =	stream.indirect.gather @!p0 [hbm4b:s1+s5], $0x80, s2, s5, $0xb8;
	[tilespmem:$0x1E400] =	vst v63  }
0xc9: {  	p0 =	sne.s32 s28, s15  }
.Ltmp4:
0xca: {  	[bflag:$0x0] =	sbarrier.arrive $0xFFFF;
	(pc) =	sbr.rel @p0 .LBB2_1-.Ltmp4, $4  }
0xcb: {  	[hbm:s24], [sflag:s6] =	dma.local [spmem:s16], $0x2780  }
0xcc: {  	_ =	swait.ge [sflag:s17], $0x2780  }
0xcd: {  	[sflag:s17] =	ssyncset.done $0x0  }
0xce: {  	[sflag:s17] =	ssyncadd.s32 $0xFFFFD880  }
0xcf: {  	_ =	sfence.sel $0x180000  }
0xd0: {  	[bflag:$0x0] =	sbarrier.arrive $0xFFFF  }
0xd1: {  	_ =	strace $0x90000047  }
0xd2: {  	s0 =	stileid.u32;
	[bflag:$0x2] =	sbarrier.arrive $0xFFFF  }
0xd3: {  	p0 =	sne.s32 s0, $0x0;
	s0 =	rddreg [dreg:$0x3]  }
0xd4: {  	s0 =	sadd.s32 @!p0 $0x100000, s0  }
0xd5: {  	[sflag:s0] =	ssyncadd.tile.s32 @!p0 $0x1;
	_ =	shalt  }
.Lfunc_end2:
_tile_overlayer_lowered:
.L_overlay_start_2:
0xd6: {  	(tag) =	ssettag $0x2  }
0xd7: {  	s0 =	rddreg [dreg:$0x0];
	s2 =	stileid.u32  }
0xd8: {  	s1 =	rddreg [dreg:$0x1];
	p0 =	sne.s32 s2, $0x0  }
0xd9: {  	s3 =	rddreg [dreg:$0x2];
	[bflag:$0x3] =	sbarrier.arrive $0xFFFF;
	s2 =	simm.s32 @!p0 $0x1C05  }
0xda: {  	[timem:s3], [sflag:s2] =	dma.local @!p0 [hbm:s0], s1  }
0xdb: {  	s0 =	simm.s32 @!p0 $0x5  }
0xdc: {  	_ =	swait.ge @!p0 [sflag:s0], s1  }
0xdd: {  	s1 =	ssub.s32 @!p0 $0x0, s1;
	[sflag:s0] =	ssyncset.done @!p0 $0x0  }
0xde: {  	[sflag:s0] =	ssyncadd.s32 @!p0 s1  }
0xdf: {  	[bflag:$0x3] =	sbarrier.arrive $0xFFFF  }
0xe0: {  	_ =	shalt  }

</sc_bundles>
